<compile_context>
chip_gen: v7x
topology: tpu7x:2x2x1
jax: 0.10.2.dev20260603
libtpu: 0.0.44.dev20260713+nightly
codegen_flags: <defaults>
</compile_context>

<pallas_src>
import jax
import jax.numpy as jnp
from jax import lax
from jax.experimental import pallas as pl
from jax.experimental.pallas import tpu as pltpu
from jax.experimental.pallas import tpu_sc as plsc

_B = 4
_S = 2048
_D = 1024
_NC = 2
_NS = 16
_NW = _NC * _NS
_SPW = _S // _NW
_CH = 8
_NQ = _SPW // _CH
_NR = 3
_VPQ = _CH * _D // 16


def _body(x_hbm, tok_hbm, pos_hbm, out_hbm,
          idx_v, p0, p1, p2,
          g00, g01, g02, g03, g10, g11, g12, g13, g20, g21, g22, g23,
          isem, psem0, psem1, psem2, gsem0, gsem1, gsem2,
          ssem0, ssem1, ssem2):
    pbufs = (p0, p1, p2)
    gbufs = ((g00, g01, g02, g03), (g10, g11, g12, g13), (g20, g21, g22, g23))
    psems = (psem0, psem1, psem2)
    gsems = (gsem0, gsem1, gsem2)
    ssems = (ssem0, ssem1, ssem2)

    wid = lax.axis_index("s") * _NC + lax.axis_index("c")
    s0 = wid * _SPW

    ih = [pltpu.async_copy(x_hbm.at[b, pl.ds(s0, _SPW)], idx_v.at[b], isem)
          for b in range(_B)]
    for h in ih:
        h.wait()

    def start_pos(q):
        k = q % _NR
        return pltpu.async_copy(
            pos_hbm.at[pl.ds(s0 + q * _CH, _CH)], pbufs[k], psems[k])

    def start_quad_gathers(q):
        k = q % _NR
        return [
            pltpu.async_copy(
                tok_hbm.at[idx_v.at[b, pl.ds(q * _CH, _CH)]],
                gbufs[k][b], gsems[k])
            for b in range(_B)
        ]

    ph = [start_pos(q) for q in range(_NR)]
    gh = [start_quad_gathers(q) for q in range(_NR)]
    sh = [None] * _NR

    for q in range(_NQ):
        k = q % _NR
        ph[k].wait()
        for h in gh[k]:
            h.wait()
        pbuf = pbufs[k]
        bufs = gbufs[k]

        @plsc.parallel_loop(0, _VPQ, unroll=2)
        def _(i, bufs=bufs, pbuf=pbuf):
            r = i >> 6
            c = pl.multiple_of((i & 63) << 4, 16)
            pv = pbuf[r, pl.ds(c, 16)]
            for b in range(_B):
                bufs[b][r, pl.ds(c, 16)] += pv

        sh[k] = [
            pltpu.async_copy(
                bufs[b], out_hbm.at[pl.ds(b * _S + s0 + q * _CH, _CH)],
                ssems[k])
            for b in range(_B)
        ]
        if q + _NR < _NQ:
            for h in sh[k]:
                h.wait()
            ph[k] = start_pos(q + _NR)
            gh[k] = start_quad_gathers(q + _NR)

    for k in range(_NR):
        if sh[k] is not None:
            for h in sh[k]:
                h.wait()


def kernel(x, tok_table, pos_table):
    mesh = plsc.VectorSubcoreMesh(core_axis_name="c", subcore_axis_name="s")
    out = pl.kernel(
        _body,
        out_type=jax.ShapeDtypeStruct((_B * _S, _D), jnp.float32),
        mesh=mesh,
        scratch_types=(
            [pltpu.VMEM((_B, _SPW), jnp.int32)]
            + [pltpu.VMEM((_CH, _D), jnp.float32)] * (3 + _NR * _B)
            + [pltpu.SemaphoreType.DMA] * 10
        ),
    )(x.astype(jnp.int32), tok_table, pos_table)
    return out.reshape(_B, _S, _D)

# --- scband reference (transcript-rebuilt; emitter-appended) ---
"""Pipeline reference for scband-embeddings-40767829574079 (READ-ONLY COPY).

The authoritative reference and input builder live on the scoring server;
editing this copy changes nothing except your own understanding.
"""

import jax, jax.numpy as jnp
import numpy as np

VOCAB = 100000
MAX_SEQ = 2048
N_EMBD = 1024
B = 4
S = 2048

def setup_inputs(seed: int = 0) -> dict:
    key = jax.random.key(seed)
    k1, k2, k3 = jax.random.split(key, 3)
    x = jax.random.randint(k1, (B, S), 0, VOCAB, dtype=jnp.int64 if jax.config.jax_enable_x64 else jnp.int32)
    tok_table = jax.random.normal(k2, (VOCAB, N_EMBD), dtype=jnp.float32) * 0.02
    pos_table = jax.random.normal(k3, (MAX_SEQ, N_EMBD), dtype=jnp.float32) * 0.02
    return {"x": x, "tok_table": tok_table, "pos_table": pos_table}

def reference(x, tok_table, pos_table):
    # token embedding lookup (gather)
    tok_embed = jnp.take(tok_table, x, axis=0)            # [B, S, N_EMBD]
    # position embedding lookup
    pos = jnp.arange(x.shape[1])
    pos_embed = jnp.take(pos_table, pos, axis=0)          # [S, N_EMBD]
    # dropout is identity in eval/deterministic mode
    return tok_embed + pos_embed[None, :, :]

if __name__ == "__main__":
    import jax
    _d = setup_inputs()
    print(jax.jit(kernel)(*tuple(_d.values())))

</pallas_src>

<mosaic_0001>
#map = affine_map<(d0, d1) -> (0, 0)>
module attributes {stable_mosaic.version = 14 : i64} {
  func.func @_body(%arg0: i32, %arg1: i32, %arg2: memref<4x2048xi32, #tpu.memory_space<hbm>>, %arg3: memref<100000x1024xf32, #tpu.memory_space<hbm>>, %arg4: memref<2048x1024xf32, #tpu.memory_space<hbm>>, %arg5: memref<8192x1024xf32, #tpu.memory_space<hbm>>, %arg6: memref<4x64xi32, #tpu.memory_space<vmem>>, %arg7: memref<8x1024xf32, #tpu.memory_space<vmem>>, %arg8: memref<8x1024xf32, #tpu.memory_space<vmem>>, %arg9: memref<8x1024xf32, #tpu.memory_space<vmem>>, %arg10: memref<8x1024xf32, #tpu.memory_space<vmem>>, %arg11: memref<8x1024xf32, #tpu.memory_space<vmem>>, %arg12: memref<8x1024xf32, #tpu.memory_space<vmem>>, %arg13: memref<8x1024xf32, #tpu.memory_space<vmem>>, %arg14: memref<8x1024xf32, #tpu.memory_space<vmem>>, %arg15: memref<8x1024xf32, #tpu.memory_space<vmem>>, %arg16: memref<8x1024xf32, #tpu.memory_space<vmem>>, %arg17: memref<8x1024xf32, #tpu.memory_space<vmem>>, %arg18: memref<8x1024xf32, #tpu.memory_space<vmem>>, %arg19: memref<8x1024xf32, #tpu.memory_space<vmem>>, %arg20: memref<8x1024xf32, #tpu.memory_space<vmem>>, %arg21: memref<8x1024xf32, #tpu.memory_space<vmem>>, %arg22: memref<!tpu.dma_semaphore, #tpu.memory_space<semaphore_mem>>, %arg23: memref<!tpu.dma_semaphore, #tpu.memory_space<semaphore_mem>>, %arg24: memref<!tpu.dma_semaphore, #tpu.memory_space<semaphore_mem>>, %arg25: memref<!tpu.dma_semaphore, #tpu.memory_space<semaphore_mem>>, %arg26: memref<!tpu.dma_semaphore, #tpu.memory_space<semaphore_mem>>, %arg27: memref<!tpu.dma_semaphore, #tpu.memory_space<semaphore_mem>>, %arg28: memref<!tpu.dma_semaphore, #tpu.memory_space<semaphore_mem>>, %arg29: memref<!tpu.dma_semaphore, #tpu.memory_space<semaphore_mem>>, %arg30: memref<!tpu.dma_semaphore, #tpu.memory_space<semaphore_mem>>, %arg31: memref<!tpu.dma_semaphore, #tpu.memory_space<semaphore_mem>>) attributes {dimension_semantics = [#tpu.dimension_semantics<core_parallel>, #tpu.dimension_semantics<subcore_parallel>], iteration_bounds = array<i64: 2, 16>, scalar_prefetch = 0 : i64, scratch_operands = 26 : i64, tpu.core_type = #tpu.core_type<sc_vector_subcore>, window_params = [{transform_indices = #map}, {transform_indices = #map}, {transform_indices = #map}, {transform_indices = #map}]} {
    %mul3A = arith.constant 2 : i32
    %mul3A_0 = arith.muli %arg1, %mul3A : i32
    %add3A = arith.addi %mul3A_0, %arg0 : i32
    %mul3A_1 = arith.constant 64 : i32
    %mul3A_2 = arith.muli %add3A, %mul3A_1 : i32
    %dma_start3A = arith.constant 0 : i32
    %dma_start3A_3 = arith.constant 0 : i32
    %dma_start3A_4 = arith.constant 0 : i32
    %dma_start3A_5 = tpu.memref_slice %arg6[%dma_start3A_3, %dma_start3A_4] : memref<4x64xi32, #tpu.memory_space<vmem>> -> memref<1x64xi32, #tpu.memory_space<vmem>>
    %dma_start3A_6 = tpu.memref_squeeze %dma_start3A_5 : memref<1x64xi32, #tpu.memory_space<vmem>> -> memref<64xi32, #tpu.memory_space<vmem>>
    %dma_start3A_7 = tpu.memref_slice %arg2[%dma_start3A, %mul3A_2] : memref<4x2048xi32, #tpu.memory_space<hbm>> -> memref<1x64xi32, #tpu.memory_space<hbm>>
    %dma_start3A_8 = tpu.memref_squeeze %dma_start3A_7 : memref<1x64xi32, #tpu.memory_space<hbm>> -> memref<64xi32, #tpu.memory_space<hbm>>
    %dma_start3A_9 = arith.constant 0 : i32
    %dma_start3A_10 = tpu.memref_slice %arg6[%dma_start3A_3, %dma_start3A_9] : memref<4x64xi32, #tpu.memory_space<vmem>> -> memref<1x64xi32, #tpu.memory_space<vmem>>
    %dma_start3A_11 = tpu.memref_squeeze %dma_start3A_10 : memref<1x64xi32, #tpu.memory_space<vmem>> -> memref<64xi32, #tpu.memory_space<vmem>>
    %dma_start3A_12 = tpu.memref_slice %arg2[%dma_start3A, %mul3A_2] : memref<4x2048xi32, #tpu.memory_space<hbm>> -> memref<1x64xi32, #tpu.memory_space<hbm>>
    %dma_start3A_13 = tpu.memref_squeeze %dma_start3A_12 : memref<1x64xi32, #tpu.memory_space<hbm>> -> memref<64xi32, #tpu.memory_space<hbm>>
    tpu.enqueue_dma source(%dma_start3A_13 : memref<64xi32, #tpu.memory_space<hbm>>) target(%dma_start3A_11 : memref<64xi32, #tpu.memory_space<vmem>>) target_semaphore(%arg22 : memref<!tpu.dma_semaphore, #tpu.memory_space<semaphore_mem>>)
    %dma_start3A_14 = arith.constant 1 : i32
    %dma_start3A_15 = arith.constant 1 : i32
    %dma_start3A_16 = arith.constant 0 : i32
    %dma_start3A_17 = tpu.memref_slice %arg6[%dma_start3A_15, %dma_start3A_16] : memref<4x64xi32, #tpu.memory_space<vmem>> -> memref<1x64xi32, #tpu.memory_space<vmem>>
    %dma_start3A_18 = tpu.memref_squeeze %dma_start3A_17 : memref<1x64xi32, #tpu.memory_space<vmem>> -> memref<64xi32, #tpu.memory_space<vmem>>
    %dma_start3A_19 = tpu.memref_slice %arg2[%dma_start3A_14, %mul3A_2] : memref<4x2048xi32, #tpu.memory_space<hbm>> -> memref<1x64xi32, #tpu.memory_space<hbm>>
    %dma_start3A_20 = tpu.memref_squeeze %dma_start3A_19 : memref<1x64xi32, #tpu.memory_space<hbm>> -> memref<64xi32, #tpu.memory_space<hbm>>
    %dma_start3A_21 = arith.constant 0 : i32
    %dma_start3A_22 = tpu.memref_slice %arg6[%dma_start3A_15, %dma_start3A_21] : memref<4x64xi32, #tpu.memory_space<vmem>> -> memref<1x64xi32, #tpu.memory_space<vmem>>
    %dma_start3A_23 = tpu.memref_squeeze %dma_start3A_22 : memref<1x64xi32, #tpu.memory_space<vmem>> -> memref<64xi32, #tpu.memory_space<vmem>>
    %dma_start3A_24 = tpu.memref_slice %arg2[%dma_start3A_14, %mul3A_2] : memref<4x2048xi32, #tpu.memory_space<hbm>> -> memref<1x64xi32, #tpu.memory_space<hbm>>
    %dma_start3A_25 = tpu.memref_squeeze %dma_start3A_24 : memref<1x64xi32, #tpu.memory_space<hbm>> -> memref<64xi32, #tpu.memory_space<hbm>>
    tpu.enqueue_dma source(%dma_start3A_25 : memref<64xi32, #tpu.memory_space<hbm>>) target(%dma_start3A_23 : memref<64xi32, #tpu.memory_space<vmem>>) target_semaphore(%arg22 : memref<!tpu.dma_semaphore, #tpu.memory_space<semaphore_mem>>)
    %dma_start3A_26 = arith.constant 2 : i32
    %dma_start3A_27 = arith.constant 2 : i32
    %dma_start3A_28 = arith.constant 0 : i32
    %dma_start3A_29 = tpu.memref_slice %arg6[%dma_start3A_27, %dma_start3A_28] : memref<4x64xi32, #tpu.memory_space<vmem>> -> memref<1x64xi32, #tpu.memory_space<vmem>>
    %dma_start3A_30 = tpu.memref_squeeze %dma_start3A_29 : memref<1x64xi32, #tpu.memory_space<vmem>> -> memref<64xi32, #tpu.memory_space<vmem>>
    %dma_start3A_31 = tpu.memref_slice %arg2[%dma_start3A_26, %mul3A_2] : memref<4x2048xi32, #tpu.memory_space<hbm>> -> memref<1x64xi32, #tpu.memory_space<hbm>>
    %dma_start3A_32 = tpu.memref_squeeze %dma_start3A_31 : memref<1x64xi32, #tpu.memory_space<hbm>> -> memref<64xi32, #tpu.memory_space<hbm>>
    %dma_start3A_33 = arith.constant 0 : i32
    %dma_start3A_34 = tpu.memref_slice %arg6[%dma_start3A_27, %dma_start3A_33] : memref<4x64xi32, #tpu.memory_space<vmem>> -> memref<1x64xi32, #tpu.memory_space<vmem>>
    %dma_start3A_35 = tpu.memref_squeeze %dma_start3A_34 : memref<1x64xi32, #tpu.memory_space<vmem>> -> memref<64xi32, #tpu.memory_space<vmem>>
    %dma_start3A_36 = tpu.memref_slice %arg2[%dma_start3A_26, %mul3A_2] : memref<4x2048xi32, #tpu.memory_space<hbm>> -> memref<1x64xi32, #tpu.memory_space<hbm>>
    %dma_start3A_37 = tpu.memref_squeeze %dma_start3A_36 : memref<1x64xi32, #tpu.memory_space<hbm>> -> memref<64xi32, #tpu.memory_space<hbm>>
    tpu.enqueue_dma source(%dma_start3A_37 : memref<64xi32, #tpu.memory_space<hbm>>) target(%dma_start3A_35 : memref<64xi32, #tpu.memory_space<vmem>>) target_semaphore(%arg22 : memref<!tpu.dma_semaphore, #tpu.memory_space<semaphore_mem>>)
    %dma_start3A_38 = arith.constant 3 : i32
    %dma_start3A_39 = arith.constant 3 : i32
    %dma_start3A_40 = arith.constant 0 : i32
    %dma_start3A_41 = tpu.memref_slice %arg6[%dma_start3A_39, %dma_start3A_40] : memref<4x64xi32, #tpu.memory_space<vmem>> -> memref<1x64xi32, #tpu.memory_space<vmem>>
    %dma_start3A_42 = tpu.memref_squeeze %dma_start3A_41 : memref<1x64xi32, #tpu.memory_space<vmem>> -> memref<64xi32, #tpu.memory_space<vmem>>
    %dma_start3A_43 = tpu.memref_slice %arg2[%dma_start3A_38, %mul3A_2] : memref<4x2048xi32, #tpu.memory_space<hbm>> -> memref<1x64xi32, #tpu.memory_space<hbm>>
    %dma_start3A_44 = tpu.memref_squeeze %dma_start3A_43 : memref<1x64xi32, #tpu.memory_space<hbm>> -> memref<64xi32, #tpu.memory_space<hbm>>
    %dma_start3A_45 = arith.constant 0 : i32
    %dma_start3A_46 = tpu.memref_slice %arg6[%dma_start3A_39, %dma_start3A_45] : memref<4x64xi32, #tpu.memory_space<vmem>> -> memref<1x64xi32, #tpu.memory_space<vmem>>
    %dma_start3A_47 = tpu.memref_squeeze %dma_start3A_46 : memref<1x64xi32, #tpu.memory_space<vmem>> -> memref<64xi32, #tpu.memory_space<vmem>>
    %dma_start3A_48 = tpu.memref_slice %arg2[%dma_start3A_38, %mul3A_2] : memref<4x2048xi32, #tpu.memory_space<hbm>> -> memref<1x64xi32, #tpu.memory_space<hbm>>
    %dma_start3A_49 = tpu.memref_squeeze %dma_start3A_48 : memref<1x64xi32, #tpu.memory_space<hbm>> -> memref<64xi32, #tpu.memory_space<hbm>>
    tpu.enqueue_dma source(%dma_start3A_49 : memref<64xi32, #tpu.memory_space<hbm>>) target(%dma_start3A_47 : memref<64xi32, #tpu.memory_space<vmem>>) target_semaphore(%arg22 : memref<!tpu.dma_semaphore, #tpu.memory_space<semaphore_mem>>)
    %dma_wait3A = arith.constant 0 : i32
    %dma_wait3A_50 = arith.constant 0 : i32
    %dma_wait3A_51 = arith.constant 0 : i32
    %dma_wait3A_52 = tpu.memref_slice %arg6[%dma_wait3A_50, %dma_wait3A_51] : memref<4x64xi32, #tpu.memory_space<vmem>> -> memref<1x64xi32, #tpu.memory_space<vmem>>
    %dma_wait3A_53 = tpu.memref_squeeze %dma_wait3A_52 : memref<1x64xi32, #tpu.memory_space<vmem>> -> memref<64xi32, #tpu.memory_space<vmem>>
    %dma_wait3A_54 = tpu.memref_slice %arg2[%dma_wait3A, %mul3A_2] : memref<4x2048xi32, #tpu.memory_space<hbm>> -> memref<1x64xi32, #tpu.memory_space<hbm>>
    %dma_wait3A_55 = tpu.memref_squeeze %dma_wait3A_54 : memref<1x64xi32, #tpu.memory_space<hbm>> -> memref<64xi32, #tpu.memory_space<hbm>>
    %dma_wait3A_56 = arith.constant 0 : i32
    %dma_wait3A_57 = tpu.memref_slice %arg6[%dma_wait3A_50, %dma_wait3A_56] : memref<4x64xi32, #tpu.memory_space<vmem>> -> memref<1x64xi32, #tpu.memory_space<vmem>>
    %dma_wait3A_58 = tpu.memref_squeeze %dma_wait3A_57 : memref<1x64xi32, #tpu.memory_space<vmem>> -> memref<64xi32, #tpu.memory_space<vmem>>
    %dma_wait3A_59 = tpu.memref_slice %arg2[%dma_wait3A, %mul3A_2] : memref<4x2048xi32, #tpu.memory_space<hbm>> -> memref<1x64xi32, #tpu.memory_space<hbm>>
    %dma_wait3A_60 = tpu.memref_squeeze %dma_wait3A_59 : memref<1x64xi32, #tpu.memory_space<hbm>> -> memref<64xi32, #tpu.memory_space<hbm>>
    tpu.wait_dma2 semaphore(%arg22 : memref<!tpu.dma_semaphore, #tpu.memory_space<semaphore_mem>>) src(%dma_wait3A_60 : memref<64xi32, #tpu.memory_space<hbm>>) dst(%dma_wait3A_58 : memref<64xi32, #tpu.memory_space<vmem>>)
    %dma_wait3A_61 = arith.constant 1 : i32
    %dma_wait3A_62 = arith.constant 1 : i32
    %dma_wait3A_63 = arith.constant 0 : i32
    %dma_wait3A_64 = tpu.memref_slice %arg6[%dma_wait3A_62, %dma_wait3A_63] : memref<4x64xi32, #tpu.memory_space<vmem>> -> memref<1x64xi32, #tpu.memory_space<vmem>>
    %dma_wait3A_65 = tpu.memref_squeeze %dma_wait3A_64 : memref<1x64xi32, #tpu.memory_space<vmem>> -> memref<64xi32, #tpu.memory_space<vmem>>
    %dma_wait3A_66 = tpu.memref_slice %arg2[%dma_wait3A_61, %mul3A_2] : memref<4x2048xi32, #tpu.memory_space<hbm>> -> memref<1x64xi32, #tpu.memory_space<hbm>>
    %dma_wait3A_67 = tpu.memref_squeeze %dma_wait3A_66 : memref<1x64xi32, #tpu.memory_space<hbm>> -> memref<64xi32, #tpu.memory_space<hbm>>
    %dma_wait3A_68 = arith.constant 0 : i32
    %dma_wait3A_69 = tpu.memref_slice %arg6[%dma_wait3A_62, %dma_wait3A_68] : memref<4x64xi32, #tpu.memory_space<vmem>> -> memref<1x64xi32, #tpu.memory_space<vmem>>
    %dma_wait3A_70 = tpu.memref_squeeze %dma_wait3A_69 : memref<1x64xi32, #tpu.memory_space<vmem>> -> memref<64xi32, #tpu.memory_space<vmem>>
    %dma_wait3A_71 = tpu.memref_slice %arg2[%dma_wait3A_61, %mul3A_2] : memref<4x2048xi32, #tpu.memory_space<hbm>> -> memref<1x64xi32, #tpu.memory_space<hbm>>
    %dma_wait3A_72 = tpu.memref_squeeze %dma_wait3A_71 : memref<1x64xi32, #tpu.memory_space<hbm>> -> memref<64xi32, #tpu.memory_space<hbm>>
    tpu.wait_dma2 semaphore(%arg22 : memref<!tpu.dma_semaphore, #tpu.memory_space<semaphore_mem>>) src(%dma_wait3A_72 : memref<64xi32, #tpu.memory_space<hbm>>) dst(%dma_wait3A_70 : memref<64xi32, #tpu.memory_space<vmem>>)
    %dma_wait3A_73 = arith.constant 2 : i32
    %dma_wait3A_74 = arith.constant 2 : i32
    %dma_wait3A_75 = arith.constant 0 : i32
    %dma_wait3A_76 = tpu.memref_slice %arg6[%dma_wait3A_74, %dma_wait3A_75] : memref<4x64xi32, #tpu.memory_space<vmem>> -> memref<1x64xi32, #tpu.memory_space<vmem>>
    %dma_wait3A_77 = tpu.memref_squeeze %dma_wait3A_76 : memref<1x64xi32, #tpu.memory_space<vmem>> -> memref<64xi32, #tpu.memory_space<vmem>>
    %dma_wait3A_78 = tpu.memref_slice %arg2[%dma_wait3A_73, %mul3A_2] : memref<4x2048xi32, #tpu.memory_space<hbm>> -> memref<1x64xi32, #tpu.memory_space<hbm>>
    %dma_wait3A_79 = tpu.memref_squeeze %dma_wait3A_78 : memref<1x64xi32, #tpu.memory_space<hbm>> -> memref<64xi32, #tpu.memory_space<hbm>>
    %dma_wait3A_80 = arith.constant 0 : i32
    %dma_wait3A_81 = tpu.memref_slice %arg6[%dma_wait3A_74, %dma_wait3A_80] : memref<4x64xi32, #tpu.memory_space<vmem>> -> memref<1x64xi32, #tpu.memory_space<vmem>>
    %dma_wait3A_82 = tpu.memref_squeeze %dma_wait3A_81 : memref<1x64xi32, #tpu.memory_space<vmem>> -> memref<64xi32, #tpu.memory_space<vmem>>
    %dma_wait3A_83 = tpu.memref_slice %arg2[%dma_wait3A_73, %mul3A_2] : memref<4x2048xi32, #tpu.memory_space<hbm>> -> memref<1x64xi32, #tpu.memory_space<hbm>>
    %dma_wait3A_84 = tpu.memref_squeeze %dma_wait3A_83 : memref<1x64xi32, #tpu.memory_space<hbm>> -> memref<64xi32, #tpu.memory_space<hbm>>
    tpu.wait_dma2 semaphore(%arg22 : memref<!tpu.dma_semaphore, #tpu.memory_space<semaphore_mem>>) src(%dma_wait3A_84 : memref<64xi32, #tpu.memory_space<hbm>>) dst(%dma_wait3A_82 : memref<64xi32, #tpu.memory_space<vmem>>)
    %dma_wait3A_85 = arith.constant 3 : i32
    %dma_wait3A_86 = arith.constant 3 : i32
    %dma_wait3A_87 = arith.constant 0 : i32
    %dma_wait3A_88 = tpu.memref_slice %arg6[%dma_wait3A_86, %dma_wait3A_87] : memref<4x64xi32, #tpu.memory_space<vmem>> -> memref<1x64xi32, #tpu.memory_space<vmem>>
    %dma_wait3A_89 = tpu.memref_squeeze %dma_wait3A_88 : memref<1x64xi32, #tpu.memory_space<vmem>> -> memref<64xi32, #tpu.memory_space<vmem>>
    %dma_wait3A_90 = tpu.memref_slice %arg2[%dma_wait3A_85, %mul3A_2] : memref<4x2048xi32, #tpu.memory_space<hbm>> -> memref<1x64xi32, #tpu.memory_space<hbm>>
    %dma_wait3A_91 = tpu.memref_squeeze %dma_wait3A_90 : memref<1x64xi32, #tpu.memory_space<hbm>> -> memref<64xi32, #tpu.memory_space<hbm>>
    %dma_wait3A_92 = arith.constant 0 : i32
    %dma_wait3A_93 = tpu.memref_slice %arg6[%dma_wait3A_86, %dma_wait3A_92] : memref<4x64xi32, #tpu.memory_space<vmem>> -> memref<1x64xi32, #tpu.memory_space<vmem>>
    %dma_wait3A_94 = tpu.memref_squeeze %dma_wait3A_93 : memref<1x64xi32, #tpu.memory_space<vmem>> -> memref<64xi32, #tpu.memory_space<vmem>>
    %dma_wait3A_95 = tpu.memref_slice %arg2[%dma_wait3A_85, %mul3A_2] : memref<4x2048xi32, #tpu.memory_space<hbm>> -> memref<1x64xi32, #tpu.memory_space<hbm>>
    %dma_wait3A_96 = tpu.memref_squeeze %dma_wait3A_95 : memref<1x64xi32, #tpu.memory_space<hbm>> -> memref<64xi32, #tpu.memory_space<hbm>>
    tpu.wait_dma2 semaphore(%arg22 : memref<!tpu.dma_semaphore, #tpu.memory_space<semaphore_mem>>) src(%dma_wait3A_96 : memref<64xi32, #tpu.memory_space<hbm>>) dst(%dma_wait3A_94 : memref<64xi32, #tpu.memory_space<vmem>>)
    %add3A_97 = arith.constant 0 : i32
    %add3A_98 = arith.addi %mul3A_2, %add3A_97 : i32
    %dma_start3A_99 = arith.constant 0 : i32
    %dma_start3A_100 = tpu.memref_slice %arg4[%add3A_98, %dma_start3A_99] : memref<2048x1024xf32, #tpu.memory_space<hbm>> -> memref<8x1024xf32, #tpu.memory_space<hbm>>
    %dma_start3A_101 = arith.constant 0 : i32
    %dma_start3A_102 = tpu.memref_slice %arg4[%add3A_98, %dma_start3A_101] : memref<2048x1024xf32, #tpu.memory_space<hbm>> -> memref<8x1024xf32, #tpu.memory_space<hbm>>
    tpu.enqueue_dma source(%dma_start3A_102 : memref<8x1024xf32, #tpu.memory_space<hbm>>) target(%arg7 : memref<8x1024xf32, #tpu.memory_space<vmem>>) target_semaphore(%arg23 : memref<!tpu.dma_semaphore, #tpu.memory_space<semaphore_mem>>)
    %add3A_103 = arith.constant 8 : i32
    %add3A_104 = arith.addi %mul3A_2, %add3A_103 : i32
    %dma_start3A_105 = arith.constant 0 : i32
    %dma_start3A_106 = tpu.memref_slice %arg4[%add3A_104, %dma_start3A_105] : memref<2048x1024xf32, #tpu.memory_space<hbm>> -> memref<8x1024xf32, #tpu.memory_space<hbm>>
    %dma_start3A_107 = arith.constant 0 : i32
    %dma_start3A_108 = tpu.memref_slice %arg4[%add3A_104, %dma_start3A_107] : memref<2048x1024xf32, #tpu.memory_space<hbm>> -> memref<8x1024xf32, #tpu.memory_space<hbm>>
    tpu.enqueue_dma source(%dma_start3A_108 : memref<8x1024xf32, #tpu.memory_space<hbm>>) target(%arg8 : memref<8x1024xf32, #tpu.memory_space<vmem>>) target_semaphore(%arg24 : memref<!tpu.dma_semaphore, #tpu.memory_space<semaphore_mem>>)
    %add3A_109 = arith.constant 16 : i32
    %add3A_110 = arith.addi %mul3A_2, %add3A_109 : i32
    %dma_start3A_111 = arith.constant 0 : i32
    %dma_start3A_112 = tpu.memref_slice %arg4[%add3A_110, %dma_start3A_111] : memref<2048x1024xf32, #tpu.memory_space<hbm>> -> memref<8x1024xf32, #tpu.memory_space<hbm>>
    %dma_start3A_113 = arith.constant 0 : i32
    %dma_start3A_114 = tpu.memref_slice %arg4[%add3A_110, %dma_start3A_113] : memref<2048x1024xf32, #tpu.memory_space<hbm>> -> memref<8x1024xf32, #tpu.memory_space<hbm>>
    tpu.enqueue_dma source(%dma_start3A_114 : memref<8x1024xf32, #tpu.memory_space<hbm>>) target(%arg9 : memref<8x1024xf32, #tpu.memory_space<vmem>>) target_semaphore(%arg25 : memref<!tpu.dma_semaphore, #tpu.memory_space<semaphore_mem>>)
    %dma_start3A_115 = arith.constant 0 : i32
    %dma_start3A_116 = arith.constant 0 : i32
    %dma_start3A_117 = tpu.memref_slice %arg6[%dma_start3A_115, %dma_start3A_116] : memref<4x64xi32, #tpu.memory_space<vmem>> -> memref<1x8xi32, #tpu.memory_space<vmem>>
    %dma_start3A_118 = tpu.memref_squeeze %dma_start3A_117 : memref<1x8xi32, #tpu.memory_space<vmem>> -> memref<8xi32, #tpu.memory_space<vmem>>
    %dma_start3A_119 = arith.constant 0 : i32
    %dma_start3A_120 = arith.constant 0 : i32
    %dma_start3A_121 = tpu.memref_slice %arg3[%dma_start3A_119, %dma_start3A_120] : memref<100000x1024xf32, #tpu.memory_space<hbm>> -> memref<100000x1024xf32, #tpu.memory_space<hbm>>
    tpu.enqueue_indirect_dma source(%dma_start3A_121 : memref<100000x1024xf32, #tpu.memory_space<hbm>>) target(%arg10 : memref<8x1024xf32, #tpu.memory_space<vmem>>) offsets(%dma_start3A_118 : memref<8xi32, #tpu.memory_space<vmem>>) semaphore(%arg26 : memref<!tpu.dma_semaphore, #tpu.memory_space<semaphore_mem>>)
    %dma_start3A_122 = arith.constant 1 : i32
    %dma_start3A_123 = arith.constant 0 : i32
    %dma_start3A_124 = tpu.memref_slice %arg6[%dma_start3A_122, %dma_start3A_123] : memref<4x64xi32, #tpu.memory_space<vmem>> -> memref<1x8xi32, #tpu.memory_space<vmem>>
    %dma_start3A_125 = tpu.memref_squeeze %dma_start3A_124 : memref<1x8xi32, #tpu.memory_space<vmem>> -> memref<8xi32, #tpu.memory_space<vmem>>
    %dma_start3A_126 = arith.constant 0 : i32
    %dma_start3A_127 = arith.constant 0 : i32
    %dma_start3A_128 = tpu.memref_slice %arg3[%dma_start3A_126, %dma_start3A_127] : memref<100000x1024xf32, #tpu.memory_space<hbm>> -> memref<100000x1024xf32, #tpu.memory_space<hbm>>
    tpu.enqueue_indirect_dma source(%dma_start3A_128 : memref<100000x1024xf32, #tpu.memory_space<hbm>>) target(%arg11 : memref<8x1024xf32, #tpu.memory_space<vmem>>) offsets(%dma_start3A_125 : memref<8xi32, #tpu.memory_space<vmem>>) semaphore(%arg26 : memref<!tpu.dma_semaphore, #tpu.memory_space<semaphore_mem>>)
    %dma_start3A_129 = arith.constant 2 : i32
    %dma_start3A_130 = arith.constant 0 : i32
    %dma_start3A_131 = tpu.memref_slice %arg6[%dma_start3A_129, %dma_start3A_130] : memref<4x64xi32, #tpu.memory_space<vmem>> -> memref<1x8xi32, #tpu.memory_space<vmem>>
    %dma_start3A_132 = tpu.memref_squeeze %dma_start3A_131 : memref<1x8xi32, #tpu.memory_space<vmem>> -> memref<8xi32, #tpu.memory_space<vmem>>
    %dma_start3A_133 = arith.constant 0 : i32
    %dma_start3A_134 = arith.constant 0 : i32
    %dma_start3A_135 = tpu.memref_slice %arg3[%dma_start3A_133, %dma_start3A_134] : memref<100000x1024xf32, #tpu.memory_space<hbm>> -> memref<100000x1024xf32, #tpu.memory_space<hbm>>
    tpu.enqueue_indirect_dma source(%dma_start3A_135 : memref<100000x1024xf32, #tpu.memory_space<hbm>>) target(%arg12 : memref<8x1024xf32, #tpu.memory_space<vmem>>) offsets(%dma_start3A_132 : memref<8xi32, #tpu.memory_space<vmem>>) semaphore(%arg26 : memref<!tpu.dma_semaphore, #tpu.memory_space<semaphore_mem>>)
    %dma_start3A_136 = arith.constant 3 : i32
    %dma_start3A_137 = arith.constant 0 : i32
    %dma_start3A_138 = tpu.memref_slice %arg6[%dma_start3A_136, %dma_start3A_137] : memref<4x64xi32, #tpu.memory_space<vmem>> -> memref<1x8xi32, #tpu.memory_space<vmem>>
    %dma_start3A_139 = tpu.memref_squeeze %dma_start3A_138 : memref<1x8xi32, #tpu.memory_space<vmem>> -> memref<8xi32, #tpu.memory_space<vmem>>
    %dma_start3A_140 = arith.constant 0 : i32
    %dma_start3A_141 = arith.constant 0 : i32
    %dma_start3A_142 = tpu.memref_slice %arg3[%dma_start3A_140, %dma_start3A_141] : memref<100000x1024xf32, #tpu.memory_space<hbm>> -> memref<100000x1024xf32, #tpu.memory_space<hbm>>
    tpu.enqueue_indirect_dma source(%dma_start3A_142 : memref<100000x1024xf32, #tpu.memory_space<hbm>>) target(%arg13 : memref<8x1024xf32, #tpu.memory_space<vmem>>) offsets(%dma_start3A_139 : memref<8xi32, #tpu.memory_space<vmem>>) semaphore(%arg26 : memref<!tpu.dma_semaphore, #tpu.memory_space<semaphore_mem>>)
    %dma_start3A_143 = arith.constant 0 : i32
    %dma_start3A_144 = arith.constant 8 : i32
    %dma_start3A_145 = tpu.memref_slice %arg6[%dma_start3A_143, %dma_start3A_144] : memref<4x64xi32, #tpu.memory_space<vmem>> -> memref<1x8xi32, #tpu.memory_space<vmem>>
    %dma_start3A_146 = tpu.memref_squeeze %dma_start3A_145 : memref<1x8xi32, #tpu.memory_space<vmem>> -> memref<8xi32, #tpu.memory_space<vmem>>
    %dma_start3A_147 = arith.constant 0 : i32
    %dma_start3A_148 = arith.constant 0 : i32
    %dma_start3A_149 = tpu.memref_slice %arg3[%dma_start3A_147, %dma_start3A_148] : memref<100000x1024xf32, #tpu.memory_space<hbm>> -> memref<100000x1024xf32, #tpu.memory_space<hbm>>
    tpu.enqueue_indirect_dma source(%dma_start3A_149 : memref<100000x1024xf32, #tpu.memory_space<hbm>>) target(%arg14 : memref<8x1024xf32, #tpu.memory_space<vmem>>) offsets(%dma_start3A_146 : memref<8xi32, #tpu.memory_space<vmem>>) semaphore(%arg27 : memref<!tpu.dma_semaphore, #tpu.memory_space<semaphore_mem>>)
    %dma_start3A_150 = arith.constant 1 : i32
    %dma_start3A_151 = arith.constant 8 : i32
    %dma_start3A_152 = tpu.memref_slice %arg6[%dma_start3A_150, %dma_start3A_151] : memref<4x64xi32, #tpu.memory_space<vmem>> -> memref<1x8xi32, #tpu.memory_space<vmem>>
    %dma_start3A_153 = tpu.memref_squeeze %dma_start3A_152 : memref<1x8xi32, #tpu.memory_space<vmem>> -> memref<8xi32, #tpu.memory_space<vmem>>
    %dma_start3A_154 = arith.constant 0 : i32
    %dma_start3A_155 = arith.constant 0 : i32
    %dma_start3A_156 = tpu.memref_slice %arg3[%dma_start3A_154, %dma_start3A_155] : memref<100000x1024xf32, #tpu.memory_space<hbm>> -> memref<100000x1024xf32, #tpu.memory_space<hbm>>
    tpu.enqueue_indirect_dma source(%dma_start3A_156 : memref<100000x1024xf32, #tpu.memory_space<hbm>>) target(%arg15 : memref<8x1024xf32, #tpu.memory_space<vmem>>) offsets(%dma_start3A_153 : memref<8xi32, #tpu.memory_space<vmem>>) semaphore(%arg27 : memref<!tpu.dma_semaphore, #tpu.memory_space<semaphore_mem>>)
    %dma_start3A_157 = arith.constant 2 : i32
    %dma_start3A_158 = arith.constant 8 : i32
    %dma_start3A_159 = tpu.memref_slice %arg6[%dma_start3A_157, %dma_start3A_158] : memref<4x64xi32, #tpu.memory_space<vmem>> -> memref<1x8xi32, #tpu.memory_space<vmem>>
    %dma_start3A_160 = tpu.memref_squeeze %dma_start3A_159 : memref<1x8xi32, #tpu.memory_space<vmem>> -> memref<8xi32, #tpu.memory_space<vmem>>
    %dma_start3A_161 = arith.constant 0 : i32
    %dma_start3A_162 = arith.constant 0 : i32
    %dma_start3A_163 = tpu.memref_slice %arg3[%dma_start3A_161, %dma_start3A_162] : memref<100000x1024xf32, #tpu.memory_space<hbm>> -> memref<100000x1024xf32, #tpu.memory_space<hbm>>
    tpu.enqueue_indirect_dma source(%dma_start3A_163 : memref<100000x1024xf32, #tpu.memory_space<hbm>>) target(%arg16 : memref<8x1024xf32, #tpu.memory_space<vmem>>) offsets(%dma_start3A_160 : memref<8xi32, #tpu.memory_space<vmem>>) semaphore(%arg27 : memref<!tpu.dma_semaphore, #tpu.memory_space<semaphore_mem>>)
    %dma_start3A_164 = arith.constant 3 : i32
    %dma_start3A_165 = arith.constant 8 : i32
    %dma_start3A_166 = tpu.memref_slice %arg6[%dma_start3A_164, %dma_start3A_165] : memref<4x64xi32, #tpu.memory_space<vmem>> -> memref<1x8xi32, #tpu.memory_space<vmem>>
    %dma_start3A_167 = tpu.memref_squeeze %dma_start3A_166 : memref<1x8xi32, #tpu.memory_space<vmem>> -> memref<8xi32, #tpu.memory_space<vmem>>
    %dma_start3A_168 = arith.constant 0 : i32
    %dma_start3A_169 = arith.constant 0 : i32
    %dma_start3A_170 = tpu.memref_slice %arg3[%dma_start3A_168, %dma_start3A_169] : memref<100000x1024xf32, #tpu.memory_space<hbm>> -> memref<100000x1024xf32, #tpu.memory_space<hbm>>
    tpu.enqueue_indirect_dma source(%dma_start3A_170 : memref<100000x1024xf32, #tpu.memory_space<hbm>>) target(%arg17 : memref<8x1024xf32, #tpu.memory_space<vmem>>) offsets(%dma_start3A_167 : memref<8xi32, #tpu.memory_space<vmem>>) semaphore(%arg27 : memref<!tpu.dma_semaphore, #tpu.memory_space<semaphore_mem>>)
    %dma_start3A_171 = arith.constant 0 : i32
    %dma_start3A_172 = arith.constant 16 : i32
    %dma_start3A_173 = tpu.memref_slice %arg6[%dma_start3A_171, %dma_start3A_172] : memref<4x64xi32, #tpu.memory_space<vmem>> -> memref<1x8xi32, #tpu.memory_space<vmem>>
    %dma_start3A_174 = tpu.memref_squeeze %dma_start3A_173 : memref<1x8xi32, #tpu.memory_space<vmem>> -> memref<8xi32, #tpu.memory_space<vmem>>
    %dma_start3A_175 = arith.constant 0 : i32
    %dma_start3A_176 = arith.constant 0 : i32
    %dma_start3A_177 = tpu.memref_slice %arg3[%dma_start3A_175, %dma_start3A_176] : memref<100000x1024xf32, #tpu.memory_space<hbm>> -> memref<100000x1024xf32, #tpu.memory_space<hbm>>
    tpu.enqueue_indirect_dma source(%dma_start3A_177 : memref<100000x1024xf32, #tpu.memory_space<hbm>>) target(%arg18 : memref<8x1024xf32, #tpu.memory_space<vmem>>) offsets(%dma_start3A_174 : memref<8xi32, #tpu.memory_space<vmem>>) semaphore(%arg28 : memref<!tpu.dma_semaphore, #tpu.memory_space<semaphore_mem>>)
    %dma_start3A_178 = arith.constant 1 : i32
    %dma_start3A_179 = arith.constant 16 : i32
    %dma_start3A_180 = tpu.memref_slice %arg6[%dma_start3A_178, %dma_start3A_179] : memref<4x64xi32, #tpu.memory_space<vmem>> -> memref<1x8xi32, #tpu.memory_space<vmem>>
    %dma_start3A_181 = tpu.memref_squeeze %dma_start3A_180 : memref<1x8xi32, #tpu.memory_space<vmem>> -> memref<8xi32, #tpu.memory_space<vmem>>
    %dma_start3A_182 = arith.constant 0 : i32
    %dma_start3A_183 = arith.constant 0 : i32
    %dma_start3A_184 = tpu.memref_slice %arg3[%dma_start3A_182, %dma_start3A_183] : memref<100000x1024xf32, #tpu.memory_space<hbm>> -> memref<100000x1024xf32, #tpu.memory_space<hbm>>
    tpu.enqueue_indirect_dma source(%dma_start3A_184 : memref<100000x1024xf32, #tpu.memory_space<hbm>>) target(%arg19 : memref<8x1024xf32, #tpu.memory_space<vmem>>) offsets(%dma_start3A_181 : memref<8xi32, #tpu.memory_space<vmem>>) semaphore(%arg28 : memref<!tpu.dma_semaphore, #tpu.memory_space<semaphore_mem>>)
    %dma_start3A_185 = arith.constant 2 : i32
    %dma_start3A_186 = arith.constant 16 : i32
    %dma_start3A_187 = tpu.memref_slice %arg6[%dma_start3A_185, %dma_start3A_186] : memref<4x64xi32, #tpu.memory_space<vmem>> -> memref<1x8xi32, #tpu.memory_space<vmem>>
    %dma_start3A_188 = tpu.memref_squeeze %dma_start3A_187 : memref<1x8xi32, #tpu.memory_space<vmem>> -> memref<8xi32, #tpu.memory_space<vmem>>
    %dma_start3A_189 = arith.constant 0 : i32
    %dma_start3A_190 = arith.constant 0 : i32
    %dma_start3A_191 = tpu.memref_slice %arg3[%dma_start3A_189, %dma_start3A_190] : memref<100000x1024xf32, #tpu.memory_space<hbm>> -> memref<100000x1024xf32, #tpu.memory_space<hbm>>
    tpu.enqueue_indirect_dma source(%dma_start3A_191 : memref<100000x1024xf32, #tpu.memory_space<hbm>>) target(%arg20 : memref<8x1024xf32, #tpu.memory_space<vmem>>) offsets(%dma_start3A_188 : memref<8xi32, #tpu.memory_space<vmem>>) semaphore(%arg28 : memref<!tpu.dma_semaphore, #tpu.memory_space<semaphore_mem>>)
    %dma_start3A_192 = arith.constant 3 : i32
    %dma_start3A_193 = arith.constant 16 : i32
    %dma_start3A_194 = tpu.memref_slice %arg6[%dma_start3A_192, %dma_start3A_193] : memref<4x64xi32, #tpu.memory_space<vmem>> -> memref<1x8xi32, #tpu.memory_space<vmem>>
    %dma_start3A_195 = tpu.memref_squeeze %dma_start3A_194 : memref<1x8xi32, #tpu.memory_space<vmem>> -> memref<8xi32, #tpu.memory_space<vmem>>
    %dma_start3A_196 = arith.constant 0 : i32
    %dma_start3A_197 = arith.constant 0 : i32
    %dma_start3A_198 = tpu.memref_slice %arg3[%dma_start3A_196, %dma_start3A_197] : memref<100000x1024xf32, #tpu.memory_space<hbm>> -> memref<100000x1024xf32, #tpu.memory_space<hbm>>
    tpu.enqueue_indirect_dma source(%dma_start3A_198 : memref<100000x1024xf32, #tpu.memory_space<hbm>>) target(%arg21 : memref<8x1024xf32, #tpu.memory_space<vmem>>) offsets(%dma_start3A_195 : memref<8xi32, #tpu.memory_space<vmem>>) semaphore(%arg28 : memref<!tpu.dma_semaphore, #tpu.memory_space<semaphore_mem>>)
    %dma_wait3A_199 = arith.constant 0 : i32
    %dma_wait3A_200 = tpu.memref_slice %arg4[%add3A_98, %dma_wait3A_199] : memref<2048x1024xf32, #tpu.memory_space<hbm>> -> memref<8x1024xf32, #tpu.memory_space<hbm>>
    %dma_wait3A_201 = arith.constant 0 : i32
    %dma_wait3A_202 = tpu.memref_slice %arg4[%add3A_98, %dma_wait3A_201] : memref<2048x1024xf32, #tpu.memory_space<hbm>> -> memref<8x1024xf32, #tpu.memory_space<hbm>>
    tpu.wait_dma2 semaphore(%arg23 : memref<!tpu.dma_semaphore, #tpu.memory_space<semaphore_mem>>) src(%dma_wait3A_202 : memref<8x1024xf32, #tpu.memory_space<hbm>>) dst(%arg7 : memref<8x1024xf32, #tpu.memory_space<vmem>>)
    %dma_wait3A_203 = arith.constant 0 : i32
    %dma_wait3A_204 = arith.constant 0 : i32
    %dma_wait3A_205 = tpu.memref_slice %arg6[%dma_wait3A_203, %dma_wait3A_204] : memref<4x64xi32, #tpu.memory_space<vmem>> -> memref<1x8xi32, #tpu.memory_space<vmem>>
    %dma_wait3A_206 = tpu.memref_squeeze %dma_wait3A_205 : memref<1x8xi32, #tpu.memory_space<vmem>> -> memref<8xi32, #tpu.memory_space<vmem>>
    %dma_wait3A_207 = arith.constant 0 : i32
    %dma_wait3A_208 = arith.constant 0 : i32
    %dma_wait3A_209 = tpu.memref_slice %arg3[%dma_wait3A_207, %dma_wait3A_208] : memref<100000x1024xf32, #tpu.memory_space<hbm>> -> memref<100000x1024xf32, #tpu.memory_space<hbm>>
    tpu.wait_indirect_dma semaphore(%arg26 : memref<!tpu.dma_semaphore, #tpu.memory_space<semaphore_mem>>) src(%dma_wait3A_209 : memref<100000x1024xf32, #tpu.memory_space<hbm>>) dst(%arg10 : memref<8x1024xf32, #tpu.memory_space<vmem>>)
    %dma_wait3A_210 = arith.constant 1 : i32
    %dma_wait3A_211 = arith.constant 0 : i32
    %dma_wait3A_212 = tpu.memref_slice %arg6[%dma_wait3A_210, %dma_wait3A_211] : memref<4x64xi32, #tpu.memory_space<vmem>> -> memref<1x8xi32, #tpu.memory_space<vmem>>
    %dma_wait3A_213 = tpu.memref_squeeze %dma_wait3A_212 : memref<1x8xi32, #tpu.memory_space<vmem>> -> memref<8xi32, #tpu.memory_space<vmem>>
    %dma_wait3A_214 = arith.constant 0 : i32
    %dma_wait3A_215 = arith.constant 0 : i32
    %dma_wait3A_216 = tpu.memref_slice %arg3[%dma_wait3A_214, %dma_wait3A_215] : memref<100000x1024xf32, #tpu.memory_space<hbm>> -> memref<100000x1024xf32, #tpu.memory_space<hbm>>
    tpu.wait_indirect_dma semaphore(%arg26 : memref<!tpu.dma_semaphore, #tpu.memory_space<semaphore_mem>>) src(%dma_wait3A_216 : memref<100000x1024xf32, #tpu.memory_space<hbm>>) dst(%arg11 : memref<8x1024xf32, #tpu.memory_space<vmem>>)
    %dma_wait3A_217 = arith.constant 2 : i32
    %dma_wait3A_218 = arith.constant 0 : i32
    %dma_wait3A_219 = tpu.memref_slice %arg6[%dma_wait3A_217, %dma_wait3A_218] : memref<4x64xi32, #tpu.memory_space<vmem>> -> memref<1x8xi32, #tpu.memory_space<vmem>>
    %dma_wait3A_220 = tpu.memref_squeeze %dma_wait3A_219 : memref<1x8xi32, #tpu.memory_space<vmem>> -> memref<8xi32, #tpu.memory_space<vmem>>
    %dma_wait3A_221 = arith.constant 0 : i32
    %dma_wait3A_222 = arith.constant 0 : i32
    %dma_wait3A_223 = tpu.memref_slice %arg3[%dma_wait3A_221, %dma_wait3A_222] : memref<100000x1024xf32, #tpu.memory_space<hbm>> -> memref<100000x1024xf32, #tpu.memory_space<hbm>>
    tpu.wait_indirect_dma semaphore(%arg26 : memref<!tpu.dma_semaphore, #tpu.memory_space<semaphore_mem>>) src(%dma_wait3A_223 : memref<100000x1024xf32, #tpu.memory_space<hbm>>) dst(%arg12 : memref<8x1024xf32, #tpu.memory_space<vmem>>)
    %dma_wait3A_224 = arith.constant 3 : i32
    %dma_wait3A_225 = arith.constant 0 : i32
    %dma_wait3A_226 = tpu.memref_slice %arg6[%dma_wait3A_224, %dma_wait3A_225] : memref<4x64xi32, #tpu.memory_space<vmem>> -> memref<1x8xi32, #tpu.memory_space<vmem>>
    %dma_wait3A_227 = tpu.memref_squeeze %dma_wait3A_226 : memref<1x8xi32, #tpu.memory_space<vmem>> -> memref<8xi32, #tpu.memory_space<vmem>>
    %dma_wait3A_228 = arith.constant 0 : i32
    %dma_wait3A_229 = arith.constant 0 : i32
    %dma_wait3A_230 = tpu.memref_slice %arg3[%dma_wait3A_228, %dma_wait3A_229] : memref<100000x1024xf32, #tpu.memory_space<hbm>> -> memref<100000x1024xf32, #tpu.memory_space<hbm>>
    tpu.wait_indirect_dma semaphore(%arg26 : memref<!tpu.dma_semaphore, #tpu.memory_space<semaphore_mem>>) src(%dma_wait3A_230 : memref<100000x1024xf32, #tpu.memory_space<hbm>>) dst(%arg13 : memref<8x1024xf32, #tpu.memory_space<vmem>>)
    %parallel_loop3A = arith.constant 0 : i32
    %parallel_loop3A_231 = arith.constant 512 : i32
    %parallel_loop3A_232 = arith.constant 1 : i32
    scf.for %parallel_loop3A_1032 = %parallel_loop3A to %parallel_loop3A_231 step %parallel_loop3A_232  : i32 {
      %parallel_loop3A_1033 = arith.constant 6 : i32
      %parallel_loop3A_1034 = arith.shrsi %parallel_loop3A_1032, %parallel_loop3A_1033 : i32
      %parallel_loop3A_1035 = arith.constant 63 : i32
      %parallel_loop3A_1036 = arith.andi %parallel_loop3A_1032, %parallel_loop3A_1035 : i32
      %parallel_loop3A_1037 = arith.constant 4 : i32
      %parallel_loop3A_1038 = arith.shli %parallel_loop3A_1036, %parallel_loop3A_1037 : i32
      %parallel_loop3A_1039 = tpu.assume_multiple %parallel_loop3A_1038, 16 : i32
      %parallel_loop3A_1040 = arith.index_cast %parallel_loop3A_1034 : i32 to index
      %parallel_loop3A_1041 = arith.index_cast %parallel_loop3A_1039 : i32 to index
      %parallel_loop3A_1042 = tpu.vector_load %arg7[%parallel_loop3A_1040, %parallel_loop3A_1041] {strides = array<i32>} : memref<8x1024xf32, #tpu.memory_space<vmem>>, vector<1x16xf32>,
      %parallel_loop3A_1043 = vector.shape_cast %parallel_loop3A_1042 : vector<1x16xf32> to vector<16xf32>
      %parallel_loop3A_1044 = arith.index_cast %parallel_loop3A_1034 : i32 to index
      %parallel_loop3A_1045 = arith.index_cast %parallel_loop3A_1039 : i32 to index
      %parallel_loop3A_1046 = tpu.vector_load %arg10[%parallel_loop3A_1044, %parallel_loop3A_1045] {strides = array<i32>} : memref<8x1024xf32, #tpu.memory_space<vmem>>, vector<1x16xf32>,
      %parallel_loop3A_1047 = vector.shape_cast %parallel_loop3A_1046 : vector<1x16xf32> to vector<16xf32>
      %parallel_loop3A_1048 = arith.addf %parallel_loop3A_1047, %parallel_loop3A_1043 : vector<16xf32>
      %parallel_loop3A_1049 = arith.index_cast %parallel_loop3A_1034 : i32 to index
      %parallel_loop3A_1050 = arith.index_cast %parallel_loop3A_1039 : i32 to index
      %parallel_loop3A_1051 = tpu.vector_load %arg10[%parallel_loop3A_1049, %parallel_loop3A_1050] {strides = array<i32>} : memref<8x1024xf32, #tpu.memory_space<vmem>>, vector<1x16xf32>,
      %parallel_loop3A_1052 = vector.shape_cast %parallel_loop3A_1051 : vector<1x16xf32> to vector<16xf32>
      %parallel_loop3A_1053 = vector.shape_cast %parallel_loop3A_1048 : vector<16xf32> to vector<1x16xf32>
      tpu.vector_store %arg10[%parallel_loop3A_1049, %parallel_loop3A_1050], %parallel_loop3A_1053 {strides = array<i32>} : memref<8x1024xf32, #tpu.memory_space<vmem>>, vector<1x16xf32>,
      %parallel_loop3A_1054 = arith.index_cast %parallel_loop3A_1034 : i32 to index
      %parallel_loop3A_1055 = arith.index_cast %parallel_loop3A_1039 : i32 to index
      %parallel_loop3A_1056 = tpu.vector_load %arg11[%parallel_loop3A_1054, %parallel_loop3A_1055] {strides = array<i32>} : memref<8x1024xf32, #tpu.memory_space<vmem>>, vector<1x16xf32>,
      %parallel_loop3A_1057 = vector.shape_cast %parallel_loop3A_1056 : vector<1x16xf32> to vector<16xf32>
      %parallel_loop3A_1058 = arith.addf %parallel_loop3A_1057, %parallel_loop3A_1043 : vector<16xf32>
      %parallel_loop3A_1059 = arith.index_cast %parallel_loop3A_1034 : i32 to index
      %parallel_loop3A_1060 = arith.index_cast %parallel_loop3A_1039 : i32 to index
      %parallel_loop3A_1061 = tpu.vector_load %arg11[%parallel_loop3A_1059, %parallel_loop3A_1060] {strides = array<i32>} : memref<8x1024xf32, #tpu.memory_space<vmem>>, vector<1x16xf32>,
      %parallel_loop3A_1062 = vector.shape_cast %parallel_loop3A_1061 : vector<1x16xf32> to vector<16xf32>
      %parallel_loop3A_1063 = vector.shape_cast %parallel_loop3A_1058 : vector<16xf32> to vector<1x16xf32>
      tpu.vector_store %arg11[%parallel_loop3A_1059, %parallel_loop3A_1060], %parallel_loop3A_1063 {strides = array<i32>} : memref<8x1024xf32, #tpu.memory_space<vmem>>, vector<1x16xf32>,
      %parallel_loop3A_1064 = arith.index_cast %parallel_loop3A_1034 : i32 to index
      %parallel_loop3A_1065 = arith.index_cast %parallel_loop3A_1039 : i32 to index
      %parallel_loop3A_1066 = tpu.vector_load %arg12[%parallel_loop3A_1064, %parallel_loop3A_1065] {strides = array<i32>} : memref<8x1024xf32, #tpu.memory_space<vmem>>, vector<1x16xf32>,
      %parallel_loop3A_1067 = vector.shape_cast %parallel_loop3A_1066 : vector<1x16xf32> to vector<16xf32>
      %parallel_loop3A_1068 = arith.addf %parallel_loop3A_1067, %parallel_loop3A_1043 : vector<16xf32>
      %parallel_loop3A_1069 = arith.index_cast %parallel_loop3A_1034 : i32 to index
      %parallel_loop3A_1070 = arith.index_cast %parallel_loop3A_1039 : i32 to index
      %parallel_loop3A_1071 = tpu.vector_load %arg12[%parallel_loop3A_1069, %parallel_loop3A_1070] {strides = array<i32>} : memref<8x1024xf32, #tpu.memory_space<vmem>>, vector<1x16xf32>,
      %parallel_loop3A_1072 = vector.shape_cast %parallel_loop3A_1071 : vector<1x16xf32> to vector<16xf32>
      %parallel_loop3A_1073 = vector.shape_cast %parallel_loop3A_1068 : vector<16xf32> to vector<1x16xf32>
      tpu.vector_store %arg12[%parallel_loop3A_1069, %parallel_loop3A_1070], %parallel_loop3A_1073 {strides = array<i32>} : memref<8x1024xf32, #tpu.memory_space<vmem>>, vector<1x16xf32>,
      %parallel_loop3A_1074 = arith.index_cast %parallel_loop3A_1034 : i32 to index
      %parallel_loop3A_1075 = arith.index_cast %parallel_loop3A_1039 : i32 to index
      %parallel_loop3A_1076 = tpu.vector_load %arg13[%parallel_loop3A_1074, %parallel_loop3A_1075] {strides = array<i32>} : memref<8x1024xf32, #tpu.memory_space<vmem>>, vector<1x16xf32>,
      %parallel_loop3A_1077 = vector.shape_cast %parallel_loop3A_1076 : vector<1x16xf32> to vector<16xf32>
      %parallel_loop3A_1078 = arith.addf %parallel_loop3A_1077, %parallel_loop3A_1043 : vector<16xf32>
      %parallel_loop3A_1079 = arith.index_cast %parallel_loop3A_1034 : i32 to index
      %parallel_loop3A_1080 = arith.index_cast %parallel_loop3A_1039 : i32 to index
      %parallel_loop3A_1081 = tpu.vector_load %arg13[%parallel_loop3A_1079, %parallel_loop3A_1080] {strides = array<i32>} : memref<8x1024xf32, #tpu.memory_space<vmem>>, vector<1x16xf32>,
      %parallel_loop3A_1082 = vector.shape_cast %parallel_loop3A_1081 : vector<1x16xf32> to vector<16xf32>
      %parallel_loop3A_1083 = vector.shape_cast %parallel_loop3A_1078 : vector<16xf32> to vector<1x16xf32>
      tpu.vector_store %arg13[%parallel_loop3A_1079, %parallel_loop3A_1080], %parallel_loop3A_1083 {strides = array<i32>} : memref<8x1024xf32, #tpu.memory_space<vmem>>, vector<1x16xf32>,
    } {sc.loop_unroll_factor = 2 : i64, sc.parallel_access}
    %add3A_233 = arith.constant 0 : i32
    %add3A_234 = arith.addi %add3A_233, %mul3A_2 : i32
    %add3A_235 = arith.constant 0 : i32
    %add3A_236 = arith.addi %add3A_234, %add3A_235 : i32
    %dma_start3A_237 = arith.constant 0 : i32
    %dma_start3A_238 = tpu.memref_slice %arg5[%add3A_236, %dma_start3A_237] : memref<8192x1024xf32, #tpu.memory_space<hbm>> -> memref<8x1024xf32, #tpu.memory_space<hbm>>
    %dma_start3A_239 = arith.constant 0 : i32
    %dma_start3A_240 = tpu.memref_slice %arg5[%add3A_236, %dma_start3A_239] : memref<8192x1024xf32, #tpu.memory_space<hbm>> -> memref<8x1024xf32, #tpu.memory_space<hbm>>
    tpu.enqueue_dma source(%arg10 : memref<8x1024xf32, #tpu.memory_space<vmem>>) target(%dma_start3A_240 : memref<8x1024xf32, #tpu.memory_space<hbm>>) target_semaphore(%arg29 : memref<!tpu.dma_semaphore, #tpu.memory_space<semaphore_mem>>)
    %add3A_241 = arith.constant 2048 : i32
    %add3A_242 = arith.addi %add3A_241, %mul3A_2 : i32
    %add3A_243 = arith.constant 0 : i32
    %add3A_244 = arith.addi %add3A_242, %add3A_243 : i32
    %dma_start3A_245 = arith.constant 0 : i32
    %dma_start3A_246 = tpu.memref_slice %arg5[%add3A_244, %dma_start3A_245] : memref<8192x1024xf32, #tpu.memory_space<hbm>> -> memref<8x1024xf32, #tpu.memory_space<hbm>>
    %dma_start3A_247 = arith.constant 0 : i32
    %dma_start3A_248 = tpu.memref_slice %arg5[%add3A_244, %dma_start3A_247] : memref<8192x1024xf32, #tpu.memory_space<hbm>> -> memref<8x1024xf32, #tpu.memory_space<hbm>>
    tpu.enqueue_dma source(%arg11 : memref<8x1024xf32, #tpu.memory_space<vmem>>) target(%dma_start3A_248 : memref<8x1024xf32, #tpu.memory_space<hbm>>) target_semaphore(%arg29 : memref<!tpu.dma_semaphore, #tpu.memory_space<semaphore_mem>>)
    %add3A_249 = arith.constant 4096 : i32
    %add3A_250 = arith.addi %add3A_249, %mul3A_2 : i32
    %add3A_251 = arith.constant 0 : i32
    %add3A_252 = arith.addi %add3A_250, %add3A_251 : i32
    %dma_start3A_253 = arith.constant 0 : i32
    %dma_start3A_254 = tpu.memref_slice %arg5[%add3A_252, %dma_start3A_253] : memref<8192x1024xf32, #tpu.memory_space<hbm>> -> memref<8x1024xf32, #tpu.memory_space<hbm>>
    %dma_start3A_255 = arith.constant 0 : i32
    %dma_start3A_256 = tpu.memref_slice %arg5[%add3A_252, %dma_start3A_255] : memref<8192x1024xf32, #tpu.memory_space<hbm>> -> memref<8x1024xf32, #tpu.memory_space<hbm>>
    tpu.enqueue_dma source(%arg12 : memref<8x1024xf32, #tpu.memory_space<vmem>>) target(%dma_start3A_256 : memref<8x1024xf32, #tpu.memory_space<hbm>>) target_semaphore(%arg29 : memref<!tpu.dma_semaphore, #tpu.memory_space<semaphore_mem>>)
    %add3A_257 = arith.constant 6144 : i32
    %add3A_258 = arith.addi %add3A_257, %mul3A_2 : i32
    %add3A_259 = arith.constant 0 : i32
    %add3A_260 = arith.addi %add3A_258, %add3A_259 : i32
    %dma_start3A_261 = arith.constant 0 : i32
    %dma_start3A_262 = tpu.memref_slice %arg5[%add3A_260, %dma_start3A_261] : memref<8192x1024xf32, #tpu.memory_space<hbm>> -> memref<8x1024xf32, #tpu.memory_space<hbm>>
    %dma_start3A_263 = arith.constant 0 : i32
    %dma_start3A_264 = tpu.memref_slice %arg5[%add3A_260, %dma_start3A_263] : memref<8192x1024xf32, #tpu.memory_space<hbm>> -> memref<8x1024xf32, #tpu.memory_space<hbm>>
    tpu.enqueue_dma source(%arg13 : memref<8x1024xf32, #tpu.memory_space<vmem>>) target(%dma_start3A_264 : memref<8x1024xf32, #tpu.memory_space<hbm>>) target_semaphore(%arg29 : memref<!tpu.dma_semaphore, #tpu.memory_space<semaphore_mem>>)
    %dma_wait3A_265 = arith.constant 0 : i32
    %dma_wait3A_266 = tpu.memref_slice %arg5[%add3A_236, %dma_wait3A_265] : memref<8192x1024xf32, #tpu.memory_space<hbm>> -> memref<8x1024xf32, #tpu.memory_space<hbm>>
    %dma_wait3A_267 = arith.constant 0 : i32
    %dma_wait3A_268 = tpu.memref_slice %arg5[%add3A_236, %dma_wait3A_267] : memref<8192x1024xf32, #tpu.memory_space<hbm>> -> memref<8x1024xf32, #tpu.memory_space<hbm>>
    tpu.wait_dma2 semaphore(%arg29 : memref<!tpu.dma_semaphore, #tpu.memory_space<semaphore_mem>>) src(%arg10 : memref<8x1024xf32, #tpu.memory_space<vmem>>) dst(%dma_wait3A_268 : memref<8x1024xf32, #tpu.memory_space<hbm>>)
    %dma_wait3A_269 = arith.constant 0 : i32
    %dma_wait3A_270 = tpu.memref_slice %arg5[%add3A_244, %dma_wait3A_269] : memref<8192x1024xf32, #tpu.memory_space<hbm>> -> memref<8x1024xf32, #tpu.memory_space<hbm>>
    %dma_wait3A_271 = arith.constant 0 : i32
    %dma_wait3A_272 = tpu.memref_slice %arg5[%add3A_244, %dma_wait3A_271] : memref<8192x1024xf32, #tpu.memory_space<hbm>> -> memref<8x1024xf32, #tpu.memory_space<hbm>>
    tpu.wait_dma2 semaphore(%arg29 : memref<!tpu.dma_semaphore, #tpu.memory_space<semaphore_mem>>) src(%arg11 : memref<8x1024xf32, #tpu.memory_space<vmem>>) dst(%dma_wait3A_272 : memref<8x1024xf32, #tpu.memory_space<hbm>>)
    %dma_wait3A_273 = arith.constant 0 : i32
    %dma_wait3A_274 = tpu.memref_slice %arg5[%add3A_252, %dma_wait3A_273] : memref<8192x1024xf32, #tpu.memory_space<hbm>> -> memref<8x1024xf32, #tpu.memory_space<hbm>>
    %dma_wait3A_275 = arith.constant 0 : i32
    %dma_wait3A_276 = tpu.memref_slice %arg5[%add3A_252, %dma_wait3A_275] : memref<8192x1024xf32, #tpu.memory_space<hbm>> -> memref<8x1024xf32, #tpu.memory_space<hbm>>
    tpu.wait_dma2 semaphore(%arg29 : memref<!tpu.dma_semaphore, #tpu.memory_space<semaphore_mem>>) src(%arg12 : memref<8x1024xf32, #tpu.memory_space<vmem>>) dst(%dma_wait3A_276 : memref<8x1024xf32, #tpu.memory_space<hbm>>)
    %dma_wait3A_277 = arith.constant 0 : i32
    %dma_wait3A_278 = tpu.memref_slice %arg5[%add3A_260, %dma_wait3A_277] : memref<8192x1024xf32, #tpu.memory_space<hbm>> -> memref<8x1024xf32, #tpu.memory_space<hbm>>
    %dma_wait3A_279 = arith.constant 0 : i32
    %dma_wait3A_280 = tpu.memref_slice %arg5[%add3A_260, %dma_wait3A_279] : memref<8192x1024xf32, #tpu.memory_space<hbm>> -> memref<8x1024xf32, #tpu.memory_space<hbm>>
    tpu.wait_dma2 semaphore(%arg29 : memref<!tpu.dma_semaphore, #tpu.memory_space<semaphore_mem>>) src(%arg13 : memref<8x1024xf32, #tpu.memory_space<vmem>>) dst(%dma_wait3A_280 : memref<8x1024xf32, #tpu.memory_space<hbm>>)
    %add3A_281 = arith.constant 24 : i32
    %add3A_282 = arith.addi %mul3A_2, %add3A_281 : i32
    %dma_start3A_283 = arith.constant 0 : i32
    %dma_start3A_284 = tpu.memref_slice %arg4[%add3A_282, %dma_start3A_283] : memref<2048x1024xf32, #tpu.memory_space<hbm>> -> memref<8x1024xf32, #tpu.memory_space<hbm>>
    %dma_start3A_285 = arith.constant 0 : i32
    %dma_start3A_286 = tpu.memref_slice %arg4[%add3A_282, %dma_start3A_285] : memref<2048x1024xf32, #tpu.memory_space<hbm>> -> memref<8x1024xf32, #tpu.memory_space<hbm>>
    tpu.enqueue_dma source(%dma_start3A_286 : memref<8x1024xf32, #tpu.memory_space<hbm>>) target(%arg7 : memref<8x1024xf32, #tpu.memory_space<vmem>>) target_semaphore(%arg23 : memref<!tpu.dma_semaphore, #tpu.memory_space<semaphore_mem>>)
    %dma_start3A_287 = arith.constant 0 : i32
    %dma_start3A_288 = arith.constant 24 : i32
    %dma_start3A_289 = tpu.memref_slice %arg6[%dma_start3A_287, %dma_start3A_288] : memref<4x64xi32, #tpu.memory_space<vmem>> -> memref<1x8xi32, #tpu.memory_space<vmem>>
    %dma_start3A_290 = tpu.memref_squeeze %dma_start3A_289 : memref<1x8xi32, #tpu.memory_space<vmem>> -> memref<8xi32, #tpu.memory_space<vmem>>
    %dma_start3A_291 = arith.constant 0 : i32
    %dma_start3A_292 = arith.constant 0 : i32
    %dma_start3A_293 = tpu.memref_slice %arg3[%dma_start3A_291, %dma_start3A_292] : memref<100000x1024xf32, #tpu.memory_space<hbm>> -> memref<100000x1024xf32, #tpu.memory_space<hbm>>
    tpu.enqueue_indirect_dma source(%dma_start3A_293 : memref<100000x1024xf32, #tpu.memory_space<hbm>>) target(%arg10 : memref<8x1024xf32, #tpu.memory_space<vmem>>) offsets(%dma_start3A_290 : memref<8xi32, #tpu.memory_space<vmem>>) semaphore(%arg26 : memref<!tpu.dma_semaphore, #tpu.memory_space<semaphore_mem>>)
    %dma_start3A_294 = arith.constant 1 : i32
    %dma_start3A_295 = arith.constant 24 : i32
    %dma_start3A_296 = tpu.memref_slice %arg6[%dma_start3A_294, %dma_start3A_295] : memref<4x64xi32, #tpu.memory_space<vmem>> -> memref<1x8xi32, #tpu.memory_space<vmem>>
    %dma_start3A_297 = tpu.memref_squeeze %dma_start3A_296 : memref<1x8xi32, #tpu.memory_space<vmem>> -> memref<8xi32, #tpu.memory_space<vmem>>
    %dma_start3A_298 = arith.constant 0 : i32
    %dma_start3A_299 = arith.constant 0 : i32
    %dma_start3A_300 = tpu.memref_slice %arg3[%dma_start3A_298, %dma_start3A_299] : memref<100000x1024xf32, #tpu.memory_space<hbm>> -> memref<100000x1024xf32, #tpu.memory_space<hbm>>
    tpu.enqueue_indirect_dma source(%dma_start3A_300 : memref<100000x1024xf32, #tpu.memory_space<hbm>>) target(%arg11 : memref<8x1024xf32, #tpu.memory_space<vmem>>) offsets(%dma_start3A_297 : memref<8xi32, #tpu.memory_space<vmem>>) semaphore(%arg26 : memref<!tpu.dma_semaphore, #tpu.memory_space<semaphore_mem>>)
    %dma_start3A_301 = arith.constant 2 : i32
    %dma_start3A_302 = arith.constant 24 : i32
    %dma_start3A_303 = tpu.memref_slice %arg6[%dma_start3A_301, %dma_start3A_302] : memref<4x64xi32, #tpu.memory_space<vmem>> -> memref<1x8xi32, #tpu.memory_space<vmem>>
    %dma_start3A_304 = tpu.memref_squeeze %dma_start3A_303 : memref<1x8xi32, #tpu.memory_space<vmem>> -> memref<8xi32, #tpu.memory_space<vmem>>
    %dma_start3A_305 = arith.constant 0 : i32
    %dma_start3A_306 = arith.constant 0 : i32
    %dma_start3A_307 = tpu.memref_slice %arg3[%dma_start3A_305, %dma_start3A_306] : memref<100000x1024xf32, #tpu.memory_space<hbm>> -> memref<100000x1024xf32, #tpu.memory_space<hbm>>
    tpu.enqueue_indirect_dma source(%dma_start3A_307 : memref<100000x1024xf32, #tpu.memory_space<hbm>>) target(%arg12 : memref<8x1024xf32, #tpu.memory_space<vmem>>) offsets(%dma_start3A_304 : memref<8xi32, #tpu.memory_space<vmem>>) semaphore(%arg26 : memref<!tpu.dma_semaphore, #tpu.memory_space<semaphore_mem>>)
    %dma_start3A_308 = arith.constant 3 : i32
    %dma_start3A_309 = arith.constant 24 : i32
    %dma_start3A_310 = tpu.memref_slice %arg6[%dma_start3A_308, %dma_start3A_309] : memref<4x64xi32, #tpu.memory_space<vmem>> -> memref<1x8xi32, #tpu.memory_space<vmem>>
    %dma_start3A_311 = tpu.memref_squeeze %dma_start3A_310 : memref<1x8xi32, #tpu.memory_space<vmem>> -> memref<8xi32, #tpu.memory_space<vmem>>
    %dma_start3A_312 = arith.constant 0 : i32
    %dma_start3A_313 = arith.constant 0 : i32
    %dma_start3A_314 = tpu.memref_slice %arg3[%dma_start3A_312, %dma_start3A_313] : memref<100000x1024xf32, #tpu.memory_space<hbm>> -> memref<100000x1024xf32, #tpu.memory_space<hbm>>
    tpu.enqueue_indirect_dma source(%dma_start3A_314 : memref<100000x1024xf32, #tpu.memory_space<hbm>>) target(%arg13 : memref<8x1024xf32, #tpu.memory_space<vmem>>) offsets(%dma_start3A_311 : memref<8xi32, #tpu.memory_space<vmem>>) semaphore(%arg26 : memref<!tpu.dma_semaphore, #tpu.memory_space<semaphore_mem>>)
    %dma_wait3A_315 = arith.constant 0 : i32
    %dma_wait3A_316 = tpu.memref_slice %arg4[%add3A_104, %dma_wait3A_315] : memref<2048x1024xf32, #tpu.memory_space<hbm>> -> memref<8x1024xf32, #tpu.memory_space<hbm>>
    %dma_wait3A_317 = arith.constant 0 : i32
    %dma_wait3A_318 = tpu.memref_slice %arg4[%add3A_104, %dma_wait3A_317] : memref<2048x1024xf32, #tpu.memory_space<hbm>> -> memref<8x1024xf32, #tpu.memory_space<hbm>>
    tpu.wait_dma2 semaphore(%arg24 : memref<!tpu.dma_semaphore, #tpu.memory_space<semaphore_mem>>) src(%dma_wait3A_318 : memref<8x1024xf32, #tpu.memory_space<hbm>>) dst(%arg8 : memref<8x1024xf32, #tpu.memory_space<vmem>>)
    %dma_wait3A_319 = arith.constant 0 : i32
    %dma_wait3A_320 = arith.constant 8 : i32
    %dma_wait3A_321 = tpu.memref_slice %arg6[%dma_wait3A_319, %dma_wait3A_320] : memref<4x64xi32, #tpu.memory_space<vmem>> -> memref<1x8xi32, #tpu.memory_space<vmem>>
    %dma_wait3A_322 = tpu.memref_squeeze %dma_wait3A_321 : memref<1x8xi32, #tpu.memory_space<vmem>> -> memref<8xi32, #tpu.memory_space<vmem>>
    %dma_wait3A_323 = arith.constant 0 : i32
    %dma_wait3A_324 = arith.constant 0 : i32
    %dma_wait3A_325 = tpu.memref_slice %arg3[%dma_wait3A_323, %dma_wait3A_324] : memref<100000x1024xf32, #tpu.memory_space<hbm>> -> memref<100000x1024xf32, #tpu.memory_space<hbm>>
    tpu.wait_indirect_dma semaphore(%arg27 : memref<!tpu.dma_semaphore, #tpu.memory_space<semaphore_mem>>) src(%dma_wait3A_325 : memref<100000x1024xf32, #tpu.memory_space<hbm>>) dst(%arg14 : memref<8x1024xf32, #tpu.memory_space<vmem>>)
    %dma_wait3A_326 = arith.constant 1 : i32
    %dma_wait3A_327 = arith.constant 8 : i32
    %dma_wait3A_328 = tpu.memref_slice %arg6[%dma_wait3A_326, %dma_wait3A_327] : memref<4x64xi32, #tpu.memory_space<vmem>> -> memref<1x8xi32, #tpu.memory_space<vmem>>
    %dma_wait3A_329 = tpu.memref_squeeze %dma_wait3A_328 : memref<1x8xi32, #tpu.memory_space<vmem>> -> memref<8xi32, #tpu.memory_space<vmem>>
    %dma_wait3A_330 = arith.constant 0 : i32
    %dma_wait3A_331 = arith.constant 0 : i32
    %dma_wait3A_332 = tpu.memref_slice %arg3[%dma_wait3A_330, %dma_wait3A_331] : memref<100000x1024xf32, #tpu.memory_space<hbm>> -> memref<100000x1024xf32, #tpu.memory_space<hbm>>
    tpu.wait_indirect_dma semaphore(%arg27 : memref<!tpu.dma_semaphore, #tpu.memory_space<semaphore_mem>>) src(%dma_wait3A_332 : memref<100000x1024xf32, #tpu.memory_space<hbm>>) dst(%arg15 : memref<8x1024xf32, #tpu.memory_space<vmem>>)
    %dma_wait3A_333 = arith.constant 2 : i32
    %dma_wait3A_334 = arith.constant 8 : i32
    %dma_wait3A_335 = tpu.memref_slice %arg6[%dma_wait3A_333, %dma_wait3A_334] : memref<4x64xi32, #tpu.memory_space<vmem>> -> memref<1x8xi32, #tpu.memory_space<vmem>>
    %dma_wait3A_336 = tpu.memref_squeeze %dma_wait3A_335 : memref<1x8xi32, #tpu.memory_space<vmem>> -> memref<8xi32, #tpu.memory_space<vmem>>
    %dma_wait3A_337 = arith.constant 0 : i32
    %dma_wait3A_338 = arith.constant 0 : i32
    %dma_wait3A_339 = tpu.memref_slice %arg3[%dma_wait3A_337, %dma_wait3A_338] : memref<100000x1024xf32, #tpu.memory_space<hbm>> -> memref<100000x1024xf32, #tpu.memory_space<hbm>>
    tpu.wait_indirect_dma semaphore(%arg27 : memref<!tpu.dma_semaphore, #tpu.memory_space<semaphore_mem>>) src(%dma_wait3A_339 : memref<100000x1024xf32, #tpu.memory_space<hbm>>) dst(%arg16 : memref<8x1024xf32, #tpu.memory_space<vmem>>)
    %dma_wait3A_340 = arith.constant 3 : i32
    %dma_wait3A_341 = arith.constant 8 : i32
    %dma_wait3A_342 = tpu.memref_slice %arg6[%dma_wait3A_340, %dma_wait3A_341] : memref<4x64xi32, #tpu.memory_space<vmem>> -> memref<1x8xi32, #tpu.memory_space<vmem>>
    %dma_wait3A_343 = tpu.memref_squeeze %dma_wait3A_342 : memref<1x8xi32, #tpu.memory_space<vmem>> -> memref<8xi32, #tpu.memory_space<vmem>>
    %dma_wait3A_344 = arith.constant 0 : i32
    %dma_wait3A_345 = arith.constant 0 : i32
    %dma_wait3A_346 = tpu.memref_slice %arg3[%dma_wait3A_344, %dma_wait3A_345] : memref<100000x1024xf32, #tpu.memory_space<hbm>> -> memref<100000x1024xf32, #tpu.memory_space<hbm>>
    tpu.wait_indirect_dma semaphore(%arg27 : memref<!tpu.dma_semaphore, #tpu.memory_space<semaphore_mem>>) src(%dma_wait3A_346 : memref<100000x1024xf32, #tpu.memory_space<hbm>>) dst(%arg17 : memref<8x1024xf32, #tpu.memory_space<vmem>>)
    %parallel_loop3A_347 = arith.constant 0 : i32
    %parallel_loop3A_348 = arith.constant 512 : i32
    %parallel_loop3A_349 = arith.constant 1 : i32
    scf.for %parallel_loop3A_1032 = %parallel_loop3A_347 to %parallel_loop3A_348 step %parallel_loop3A_349  : i32 {
      %parallel_loop3A_1033 = arith.constant 6 : i32
      %parallel_loop3A_1034 = arith.shrsi %parallel_loop3A_1032, %parallel_loop3A_1033 : i32
      %parallel_loop3A_1035 = arith.constant 63 : i32
      %parallel_loop3A_1036 = arith.andi %parallel_loop3A_1032, %parallel_loop3A_1035 : i32
      %parallel_loop3A_1037 = arith.constant 4 : i32
      %parallel_loop3A_1038 = arith.shli %parallel_loop3A_1036, %parallel_loop3A_1037 : i32
      %parallel_loop3A_1039 = tpu.assume_multiple %parallel_loop3A_1038, 16 : i32
      %parallel_loop3A_1040 = arith.index_cast %parallel_loop3A_1034 : i32 to index
      %parallel_loop3A_1041 = arith.index_cast %parallel_loop3A_1039 : i32 to index
      %parallel_loop3A_1042 = tpu.vector_load %arg8[%parallel_loop3A_1040, %parallel_loop3A_1041] {strides = array<i32>} : memref<8x1024xf32, #tpu.memory_space<vmem>>, vector<1x16xf32>,
      %parallel_loop3A_1043 = vector.shape_cast %parallel_loop3A_1042 : vector<1x16xf32> to vector<16xf32>
      %parallel_loop3A_1044 = arith.index_cast %parallel_loop3A_1034 : i32 to index
      %parallel_loop3A_1045 = arith.index_cast %parallel_loop3A_1039 : i32 to index
      %parallel_loop3A_1046 = tpu.vector_load %arg14[%parallel_loop3A_1044, %parallel_loop3A_1045] {strides = array<i32>} : memref<8x1024xf32, #tpu.memory_space<vmem>>, vector<1x16xf32>,
      %parallel_loop3A_1047 = vector.shape_cast %parallel_loop3A_1046 : vector<1x16xf32> to vector<16xf32>
      %parallel_loop3A_1048 = arith.addf %parallel_loop3A_1047, %parallel_loop3A_1043 : vector<16xf32>
      %parallel_loop3A_1049 = arith.index_cast %parallel_loop3A_1034 : i32 to index
      %parallel_loop3A_1050 = arith.index_cast %parallel_loop3A_1039 : i32 to index
      %parallel_loop3A_1051 = tpu.vector_load %arg14[%parallel_loop3A_1049, %parallel_loop3A_1050] {strides = array<i32>} : memref<8x1024xf32, #tpu.memory_space<vmem>>, vector<1x16xf32>,
      %parallel_loop3A_1052 = vector.shape_cast %parallel_loop3A_1051 : vector<1x16xf32> to vector<16xf32>
      %parallel_loop3A_1053 = vector.shape_cast %parallel_loop3A_1048 : vector<16xf32> to vector<1x16xf32>
      tpu.vector_store %arg14[%parallel_loop3A_1049, %parallel_loop3A_1050], %parallel_loop3A_1053 {strides = array<i32>} : memref<8x1024xf32, #tpu.memory_space<vmem>>, vector<1x16xf32>,
      %parallel_loop3A_1054 = arith.index_cast %parallel_loop3A_1034 : i32 to index
      %parallel_loop3A_1055 = arith.index_cast %parallel_loop3A_1039 : i32 to index
      %parallel_loop3A_1056 = tpu.vector_load %arg15[%parallel_loop3A_1054, %parallel_loop3A_1055] {strides = array<i32>} : memref<8x1024xf32, #tpu.memory_space<vmem>>, vector<1x16xf32>,
      %parallel_loop3A_1057 = vector.shape_cast %parallel_loop3A_1056 : vector<1x16xf32> to vector<16xf32>
      %parallel_loop3A_1058 = arith.addf %parallel_loop3A_1057, %parallel_loop3A_1043 : vector<16xf32>
      %parallel_loop3A_1059 = arith.index_cast %parallel_loop3A_1034 : i32 to index
      %parallel_loop3A_1060 = arith.index_cast %parallel_loop3A_1039 : i32 to index
      %parallel_loop3A_1061 = tpu.vector_load %arg15[%parallel_loop3A_1059, %parallel_loop3A_1060] {strides = array<i32>} : memref<8x1024xf32, #tpu.memory_space<vmem>>, vector<1x16xf32>,
      %parallel_loop3A_1062 = vector.shape_cast %parallel_loop3A_1061 : vector<1x16xf32> to vector<16xf32>
      %parallel_loop3A_1063 = vector.shape_cast %parallel_loop3A_1058 : vector<16xf32> to vector<1x16xf32>
      tpu.vector_store %arg15[%parallel_loop3A_1059, %parallel_loop3A_1060], %parallel_loop3A_1063 {strides = array<i32>} : memref<8x1024xf32, #tpu.memory_space<vmem>>, vector<1x16xf32>,
      %parallel_loop3A_1064 = arith.index_cast %parallel_loop3A_1034 : i32 to index
      %parallel_loop3A_1065 = arith.index_cast %parallel_loop3A_1039 : i32 to index
      %parallel_loop3A_1066 = tpu.vector_load %arg16[%parallel_loop3A_1064, %parallel_loop3A_1065] {strides = array<i32>} : memref<8x1024xf32, #tpu.memory_space<vmem>>, vector<1x16xf32>,
      %parallel_loop3A_1067 = vector.shape_cast %parallel_loop3A_1066 : vector<1x16xf32> to vector<16xf32>
      %parallel_loop3A_1068 = arith.addf %parallel_loop3A_1067, %parallel_loop3A_1043 : vector<16xf32>
      %parallel_loop3A_1069 = arith.index_cast %parallel_loop3A_1034 : i32 to index
      %parallel_loop3A_1070 = arith.index_cast %parallel_loop3A_1039 : i32 to index
      %parallel_loop3A_1071 = tpu.vector_load %arg16[%parallel_loop3A_1069, %parallel_loop3A_1070] {strides = array<i32>} : memref<8x1024xf32, #tpu.memory_space<vmem>>, vector<1x16xf32>,
      %parallel_loop3A_1072 = vector.shape_cast %parallel_loop3A_1071 : vector<1x16xf32> to vector<16xf32>
      %parallel_loop3A_1073 = vector.shape_cast %parallel_loop3A_1068 : vector<16xf32> to vector<1x16xf32>
      tpu.vector_store %arg16[%parallel_loop3A_1069, %parallel_loop3A_1070], %parallel_loop3A_1073 {strides = array<i32>} : memref<8x1024xf32, #tpu.memory_space<vmem>>, vector<1x16xf32>,
      %parallel_loop3A_1074 = arith.index_cast %parallel_loop3A_1034 : i32 to index
      %parallel_loop3A_1075 = arith.index_cast %parallel_loop3A_1039 : i32 to index
      %parallel_loop3A_1076 = tpu.vector_load %arg17[%parallel_loop3A_1074, %parallel_loop3A_1075] {strides = array<i32>} : memref<8x1024xf32, #tpu.memory_space<vmem>>, vector<1x16xf32>,
      %parallel_loop3A_1077 = vector.shape_cast %parallel_loop3A_1076 : vector<1x16xf32> to vector<16xf32>
      %parallel_loop3A_1078 = arith.addf %parallel_loop3A_1077, %parallel_loop3A_1043 : vector<16xf32>
      %parallel_loop3A_1079 = arith.index_cast %parallel_loop3A_1034 : i32 to index
      %parallel_loop3A_1080 = arith.index_cast %parallel_loop3A_1039 : i32 to index
      %parallel_loop3A_1081 = tpu.vector_load %arg17[%parallel_loop3A_1079, %parallel_loop3A_1080] {strides = array<i32>} : memref<8x1024xf32, #tpu.memory_space<vmem>>, vector<1x16xf32>,
      %parallel_loop3A_1082 = vector.shape_cast %parallel_loop3A_1081 : vector<1x16xf32> to vector<16xf32>
      %parallel_loop3A_1083 = vector.shape_cast %parallel_loop3A_1078 : vector<16xf32> to vector<1x16xf32>
      tpu.vector_store %arg17[%parallel_loop3A_1079, %parallel_loop3A_1080], %parallel_loop3A_1083 {strides = array<i32>} : memref<8x1024xf32, #tpu.memory_space<vmem>>, vector<1x16xf32>,
    } {sc.loop_unroll_factor = 2 : i64, sc.parallel_access}
    %add3A_350 = arith.constant 0 : i32
    %add3A_351 = arith.addi %add3A_350, %mul3A_2 : i32
    %add3A_352 = arith.constant 8 : i32
    %add3A_353 = arith.addi %add3A_351, %add3A_352 : i32
    %dma_start3A_354 = arith.constant 0 : i32
    %dma_start3A_355 = tpu.memref_slice %arg5[%add3A_353, %dma_start3A_354] : memref<8192x1024xf32, #tpu.memory_space<hbm>> -> memref<8x1024xf32, #tpu.memory_space<hbm>>
    %dma_start3A_356 = arith.constant 0 : i32
    %dma_start3A_357 = tpu.memref_slice %arg5[%add3A_353, %dma_start3A_356] : memref<8192x1024xf32, #tpu.memory_space<hbm>> -> memref<8x1024xf32, #tpu.memory_space<hbm>>
    tpu.enqueue_dma source(%arg14 : memref<8x1024xf32, #tpu.memory_space<vmem>>) target(%dma_start3A_357 : memref<8x1024xf32, #tpu.memory_space<hbm>>) target_semaphore(%arg30 : memref<!tpu.dma_semaphore, #tpu.memory_space<semaphore_mem>>)
    %add3A_358 = arith.constant 2048 : i32
    %add3A_359 = arith.addi %add3A_358, %mul3A_2 : i32
    %add3A_360 = arith.constant 8 : i32
    %add3A_361 = arith.addi %add3A_359, %add3A_360 : i32
    %dma_start3A_362 = arith.constant 0 : i32
    %dma_start3A_363 = tpu.memref_slice %arg5[%add3A_361, %dma_start3A_362] : memref<8192x1024xf32, #tpu.memory_space<hbm>> -> memref<8x1024xf32, #tpu.memory_space<hbm>>
    %dma_start3A_364 = arith.constant 0 : i32
    %dma_start3A_365 = tpu.memref_slice %arg5[%add3A_361, %dma_start3A_364] : memref<8192x1024xf32, #tpu.memory_space<hbm>> -> memref<8x1024xf32, #tpu.memory_space<hbm>>
    tpu.enqueue_dma source(%arg15 : memref<8x1024xf32, #tpu.memory_space<vmem>>) target(%dma_start3A_365 : memref<8x1024xf32, #tpu.memory_space<hbm>>) target_semaphore(%arg30 : memref<!tpu.dma_semaphore, #tpu.memory_space<semaphore_mem>>)
    %add3A_366 = arith.constant 4096 : i32
    %add3A_367 = arith.addi %add3A_366, %mul3A_2 : i32
    %add3A_368 = arith.constant 8 : i32
    %add3A_369 = arith.addi %add3A_367, %add3A_368 : i32
    %dma_start3A_370 = arith.constant 0 : i32
    %dma_start3A_371 = tpu.memref_slice %arg5[%add3A_369, %dma_start3A_370] : memref<8192x1024xf32, #tpu.memory_space<hbm>> -> memref<8x1024xf32, #tpu.memory_space<hbm>>
    %dma_start3A_372 = arith.constant 0 : i32
    %dma_start3A_373 = tpu.memref_slice %arg5[%add3A_369, %dma_start3A_372] : memref<8192x1024xf32, #tpu.memory_space<hbm>> -> memref<8x1024xf32, #tpu.memory_space<hbm>>
    tpu.enqueue_dma source(%arg16 : memref<8x1024xf32, #tpu.memory_space<vmem>>) target(%dma_start3A_373 : memref<8x1024xf32, #tpu.memory_space<hbm>>) target_semaphore(%arg30 : memref<!tpu.dma_semaphore, #tpu.memory_space<semaphore_mem>>)
    %add3A_374 = arith.constant 6144 : i32
    %add3A_375 = arith.addi %add3A_374, %mul3A_2 : i32
    %add3A_376 = arith.constant 8 : i32
    %add3A_377 = arith.addi %add3A_375, %add3A_376 : i32
    %dma_start3A_378 = arith.constant 0 : i32
    %dma_start3A_379 = tpu.memref_slice %arg5[%add3A_377, %dma_start3A_378] : memref<8192x1024xf32, #tpu.memory_space<hbm>> -> memref<8x1024xf32, #tpu.memory_space<hbm>>
    %dma_start3A_380 = arith.constant 0 : i32
    %dma_start3A_381 = tpu.memref_slice %arg5[%add3A_377, %dma_start3A_380] : memref<8192x1024xf32, #tpu.memory_space<hbm>> -> memref<8x1024xf32, #tpu.memory_space<hbm>>
    tpu.enqueue_dma source(%arg17 : memref<8x1024xf32, #tpu.memory_space<vmem>>) target(%dma_start3A_381 : memref<8x1024xf32, #tpu.memory_space<hbm>>) target_semaphore(%arg30 : memref<!tpu.dma_semaphore, #tpu.memory_space<semaphore_mem>>)
    %dma_wait3A_382 = arith.constant 0 : i32
    %dma_wait3A_383 = tpu.memref_slice %arg5[%add3A_353, %dma_wait3A_382] : memref<8192x1024xf32, #tpu.memory_space<hbm>> -> memref<8x1024xf32, #tpu.memory_space<hbm>>
    %dma_wait3A_384 = arith.constant 0 : i32
    %dma_wait3A_385 = tpu.memref_slice %arg5[%add3A_353, %dma_wait3A_384] : memref<8192x1024xf32, #tpu.memory_space<hbm>> -> memref<8x1024xf32, #tpu.memory_space<hbm>>
    tpu.wait_dma2 semaphore(%arg30 : memref<!tpu.dma_semaphore, #tpu.memory_space<semaphore_mem>>) src(%arg14 : memref<8x1024xf32, #tpu.memory_space<vmem>>) dst(%dma_wait3A_385 : memref<8x1024xf32, #tpu.memory_space<hbm>>)
    %dma_wait3A_386 = arith.constant 0 : i32
    %dma_wait3A_387 = tpu.memref_slice %arg5[%add3A_361, %dma_wait3A_386] : memref<8192x1024xf32, #tpu.memory_space<hbm>> -> memref<8x1024xf32, #tpu.memory_space<hbm>>
    %dma_wait3A_388 = arith.constant 0 : i32
    %dma_wait3A_389 = tpu.memref_slice %arg5[%add3A_361, %dma_wait3A_388] : memref<8192x1024xf32, #tpu.memory_space<hbm>> -> memref<8x1024xf32, #tpu.memory_space<hbm>>
    tpu.wait_dma2 semaphore(%arg30 : memref<!tpu.dma_semaphore, #tpu.memory_space<semaphore_mem>>) src(%arg15 : memref<8x1024xf32, #tpu.memory_space<vmem>>) dst(%dma_wait3A_389 : memref<8x1024xf32, #tpu.memory_space<hbm>>)
    %dma_wait3A_390 = arith.constant 0 : i32
    %dma_wait3A_391 = tpu.memref_slice %arg5[%add3A_369, %dma_wait3A_390] : memref<8192x1024xf32, #tpu.memory_space<hbm>> -> memref<8x1024xf32, #tpu.memory_space<hbm>>
    %dma_wait3A_392 = arith.constant 0 : i32
    %dma_wait3A_393 = tpu.memref_slice %arg5[%add3A_369, %dma_wait3A_392] : memref<8192x1024xf32, #tpu.memory_space<hbm>> -> memref<8x1024xf32, #tpu.memory_space<hbm>>
    tpu.wait_dma2 semaphore(%arg30 : memref<!tpu.dma_semaphore, #tpu.memory_space<semaphore_mem>>) src(%arg16 : memref<8x1024xf32, #tpu.memory_space<vmem>>) dst(%dma_wait3A_393 : memref<8x1024xf32, #tpu.memory_space<hbm>>)
    %dma_wait3A_394 = arith.constant 0 : i32
    %dma_wait3A_395 = tpu.memref_slice %arg5[%add3A_377, %dma_wait3A_394] : memref<8192x1024xf32, #tpu.memory_space<hbm>> -> memref<8x1024xf32, #tpu.memory_space<hbm>>
    %dma_wait3A_396 = arith.constant 0 : i32
    %dma_wait3A_397 = tpu.memref_slice %arg5[%add3A_377, %dma_wait3A_396] : memref<8192x1024xf32, #tpu.memory_space<hbm>> -> memref<8x1024xf32, #tpu.memory_space<hbm>>
    tpu.wait_dma2 semaphore(%arg30 : memref<!tpu.dma_semaphore, #tpu.memory_space<semaphore_mem>>) src(%arg17 : memref<8x1024xf32, #tpu.memory_space<vmem>>) dst(%dma_wait3A_397 : memref<8x1024xf32, #tpu.memory_space<hbm>>)
    %add3A_398 = arith.constant 32 : i32
    %add3A_399 = arith.addi %mul3A_2, %add3A_398 : i32
    %dma_start3A_400 = arith.constant 0 : i32
    %dma_start3A_401 = tpu.memref_slice %arg4[%add3A_399, %dma_start3A_400] : memref<2048x1024xf32, #tpu.memory_space<hbm>> -> memref<8x1024xf32, #tpu.memory_space<hbm>>
    %dma_start3A_402 = arith.constant 0 : i32
    %dma_start3A_403 = tpu.memref_slice %arg4[%add3A_399, %dma_start3A_402] : memref<2048x1024xf32, #tpu.memory_space<hbm>> -> memref<8x1024xf32, #tpu.memory_space<hbm>>
    tpu.enqueue_dma source(%dma_start3A_403 : memref<8x1024xf32, #tpu.memory_space<hbm>>) target(%arg8 : memref<8x1024xf32, #tpu.memory_space<vmem>>) target_semaphore(%arg24 : memref<!tpu.dma_semaphore, #tpu.memory_space<semaphore_mem>>)
    %dma_start3A_404 = arith.constant 0 : i32
    %dma_start3A_405 = arith.constant 32 : i32
    %dma_start3A_406 = tpu.memref_slice %arg6[%dma_start3A_404, %dma_start3A_405] : memref<4x64xi32, #tpu.memory_space<vmem>> -> memref<1x8xi32, #tpu.memory_space<vmem>>
    %dma_start3A_407 = tpu.memref_squeeze %dma_start3A_406 : memref<1x8xi32, #tpu.memory_space<vmem>> -> memref<8xi32, #tpu.memory_space<vmem>>
    %dma_start3A_408 = arith.constant 0 : i32
    %dma_start3A_409 = arith.constant 0 : i32
    %dma_start3A_410 = tpu.memref_slice %arg3[%dma_start3A_408, %dma_start3A_409] : memref<100000x1024xf32, #tpu.memory_space<hbm>> -> memref<100000x1024xf32, #tpu.memory_space<hbm>>
    tpu.enqueue_indirect_dma source(%dma_start3A_410 : memref<100000x1024xf32, #tpu.memory_space<hbm>>) target(%arg14 : memref<8x1024xf32, #tpu.memory_space<vmem>>) offsets(%dma_start3A_407 : memref<8xi32, #tpu.memory_space<vmem>>) semaphore(%arg27 : memref<!tpu.dma_semaphore, #tpu.memory_space<semaphore_mem>>)
    %dma_start3A_411 = arith.constant 1 : i32
    %dma_start3A_412 = arith.constant 32 : i32
    %dma_start3A_413 = tpu.memref_slice %arg6[%dma_start3A_411, %dma_start3A_412] : memref<4x64xi32, #tpu.memory_space<vmem>> -> memref<1x8xi32, #tpu.memory_space<vmem>>
    %dma_start3A_414 = tpu.memref_squeeze %dma_start3A_413 : memref<1x8xi32, #tpu.memory_space<vmem>> -> memref<8xi32, #tpu.memory_space<vmem>>
    %dma_start3A_415 = arith.constant 0 : i32
    %dma_start3A_416 = arith.constant 0 : i32
    %dma_start3A_417 = tpu.memref_slice %arg3[%dma_start3A_415, %dma_start3A_416] : memref<100000x1024xf32, #tpu.memory_space<hbm>> -> memref<100000x1024xf32, #tpu.memory_space<hbm>>
    tpu.enqueue_indirect_dma source(%dma_start3A_417 : memref<100000x1024xf32, #tpu.memory_space<hbm>>) target(%arg15 : memref<8x1024xf32, #tpu.memory_space<vmem>>) offsets(%dma_start3A_414 : memref<8xi32, #tpu.memory_space<vmem>>) semaphore(%arg27 : memref<!tpu.dma_semaphore, #tpu.memory_space<semaphore_mem>>)
    %dma_start3A_418 = arith.constant 2 : i32
    %dma_start3A_419 = arith.constant 32 : i32
    %dma_start3A_420 = tpu.memref_slice %arg6[%dma_start3A_418, %dma_start3A_419] : memref<4x64xi32, #tpu.memory_space<vmem>> -> memref<1x8xi32, #tpu.memory_space<vmem>>
    %dma_start3A_421 = tpu.memref_squeeze %dma_start3A_420 : memref<1x8xi32, #tpu.memory_space<vmem>> -> memref<8xi32, #tpu.memory_space<vmem>>
    %dma_start3A_422 = arith.constant 0 : i32
    %dma_start3A_423 = arith.constant 0 : i32
    %dma_start3A_424 = tpu.memref_slice %arg3[%dma_start3A_422, %dma_start3A_423] : memref<100000x1024xf32, #tpu.memory_space<hbm>> -> memref<100000x1024xf32, #tpu.memory_space<hbm>>
    tpu.enqueue_indirect_dma source(%dma_start3A_424 : memref<100000x1024xf32, #tpu.memory_space<hbm>>) target(%arg16 : memref<8x1024xf32, #tpu.memory_space<vmem>>) offsets(%dma_start3A_421 : memref<8xi32, #tpu.memory_space<vmem>>) semaphore(%arg27 : memref<!tpu.dma_semaphore, #tpu.memory_space<semaphore_mem>>)
    %dma_start3A_425 = arith.constant 3 : i32
    %dma_start3A_426 = arith.constant 32 : i32
    %dma_start3A_427 = tpu.memref_slice %arg6[%dma_start3A_425, %dma_start3A_426] : memref<4x64xi32, #tpu.memory_space<vmem>> -> memref<1x8xi32, #tpu.memory_space<vmem>>
    %dma_start3A_428 = tpu.memref_squeeze %dma_start3A_427 : memref<1x8xi32, #tpu.memory_space<vmem>> -> memref<8xi32, #tpu.memory_space<vmem>>
    %dma_start3A_429 = arith.constant 0 : i32
    %dma_start3A_430 = arith.constant 0 : i32
    %dma_start3A_431 = tpu.memref_slice %arg3[%dma_start3A_429, %dma_start3A_430] : memref<100000x1024xf32, #tpu.memory_space<hbm>> -> memref<100000x1024xf32, #tpu.memory_space<hbm>>
    tpu.enqueue_indirect_dma source(%dma_start3A_431 : memref<100000x1024xf32, #tpu.memory_space<hbm>>) target(%arg17 : memref<8x1024xf32, #tpu.memory_space<vmem>>) offsets(%dma_start3A_428 : memref<8xi32, #tpu.memory_space<vmem>>) semaphore(%arg27 : memref<!tpu.dma_semaphore, #tpu.memory_space<semaphore_mem>>)
    %dma_wait3A_432 = arith.constant 0 : i32
    %dma_wait3A_433 = tpu.memref_slice %arg4[%add3A_110, %dma_wait3A_432] : memref<2048x1024xf32, #tpu.memory_space<hbm>> -> memref<8x1024xf32, #tpu.memory_space<hbm>>
    %dma_wait3A_434 = arith.constant 0 : i32
    %dma_wait3A_435 = tpu.memref_slice %arg4[%add3A_110, %dma_wait3A_434] : memref<2048x1024xf32, #tpu.memory_space<hbm>> -> memref<8x1024xf32, #tpu.memory_space<hbm>>
    tpu.wait_dma2 semaphore(%arg25 : memref<!tpu.dma_semaphore, #tpu.memory_space<semaphore_mem>>) src(%dma_wait3A_435 : memref<8x1024xf32, #tpu.memory_space<hbm>>) dst(%arg9 : memref<8x1024xf32, #tpu.memory_space<vmem>>)
    %dma_wait3A_436 = arith.constant 0 : i32
    %dma_wait3A_437 = arith.constant 16 : i32
    %dma_wait3A_438 = tpu.memref_slice %arg6[%dma_wait3A_436, %dma_wait3A_437] : memref<4x64xi32, #tpu.memory_space<vmem>> -> memref<1x8xi32, #tpu.memory_space<vmem>>
    %dma_wait3A_439 = tpu.memref_squeeze %dma_wait3A_438 : memref<1x8xi32, #tpu.memory_space<vmem>> -> memref<8xi32, #tpu.memory_space<vmem>>
    %dma_wait3A_440 = arith.constant 0 : i32
    %dma_wait3A_441 = arith.constant 0 : i32
    %dma_wait3A_442 = tpu.memref_slice %arg3[%dma_wait3A_440, %dma_wait3A_441] : memref<100000x1024xf32, #tpu.memory_space<hbm>> -> memref<100000x1024xf32, #tpu.memory_space<hbm>>
    tpu.wait_indirect_dma semaphore(%arg28 : memref<!tpu.dma_semaphore, #tpu.memory_space<semaphore_mem>>) src(%dma_wait3A_442 : memref<100000x1024xf32, #tpu.memory_space<hbm>>) dst(%arg18 : memref<8x1024xf32, #tpu.memory_space<vmem>>)
    %dma_wait3A_443 = arith.constant 1 : i32
    %dma_wait3A_444 = arith.constant 16 : i32
    %dma_wait3A_445 = tpu.memref_slice %arg6[%dma_wait3A_443, %dma_wait3A_444] : memref<4x64xi32, #tpu.memory_space<vmem>> -> memref<1x8xi32, #tpu.memory_space<vmem>>
    %dma_wait3A_446 = tpu.memref_squeeze %dma_wait3A_445 : memref<1x8xi32, #tpu.memory_space<vmem>> -> memref<8xi32, #tpu.memory_space<vmem>>
    %dma_wait3A_447 = arith.constant 0 : i32
    %dma_wait3A_448 = arith.constant 0 : i32
    %dma_wait3A_449 = tpu.memref_slice %arg3[%dma_wait3A_447, %dma_wait3A_448] : memref<100000x1024xf32, #tpu.memory_space<hbm>> -> memref<100000x1024xf32, #tpu.memory_space<hbm>>
    tpu.wait_indirect_dma semaphore(%arg28 : memref<!tpu.dma_semaphore, #tpu.memory_space<semaphore_mem>>) src(%dma_wait3A_449 : memref<100000x1024xf32, #tpu.memory_space<hbm>>) dst(%arg19 : memref<8x1024xf32, #tpu.memory_space<vmem>>)
    %dma_wait3A_450 = arith.constant 2 : i32
    %dma_wait3A_451 = arith.constant 16 : i32
    %dma_wait3A_452 = tpu.memref_slice %arg6[%dma_wait3A_450, %dma_wait3A_451] : memref<4x64xi32, #tpu.memory_space<vmem>> -> memref<1x8xi32, #tpu.memory_space<vmem>>
    %dma_wait3A_453 = tpu.memref_squeeze %dma_wait3A_452 : memref<1x8xi32, #tpu.memory_space<vmem>> -> memref<8xi32, #tpu.memory_space<vmem>>
    %dma_wait3A_454 = arith.constant 0 : i32
    %dma_wait3A_455 = arith.constant 0 : i32
    %dma_wait3A_456 = tpu.memref_slice %arg3[%dma_wait3A_454, %dma_wait3A_455] : memref<100000x1024xf32, #tpu.memory_space<hbm>> -> memref<100000x1024xf32, #tpu.memory_space<hbm>>
    tpu.wait_indirect_dma semaphore(%arg28 : memref<!tpu.dma_semaphore, #tpu.memory_space<semaphore_mem>>) src(%dma_wait3A_456 : memref<100000x1024xf32, #tpu.memory_space<hbm>>) dst(%arg20 : memref<8x1024xf32, #tpu.memory_space<vmem>>)
    %dma_wait3A_457 = arith.constant 3 : i32
    %dma_wait3A_458 = arith.constant 16 : i32
    %dma_wait3A_459 = tpu.memref_slice %arg6[%dma_wait3A_457, %dma_wait3A_458] : memref<4x64xi32, #tpu.memory_space<vmem>> -> memref<1x8xi32, #tpu.memory_space<vmem>>
    %dma_wait3A_460 = tpu.memref_squeeze %dma_wait3A_459 : memref<1x8xi32, #tpu.memory_space<vmem>> -> memref<8xi32, #tpu.memory_space<vmem>>
    %dma_wait3A_461 = arith.constant 0 : i32
    %dma_wait3A_462 = arith.constant 0 : i32
    %dma_wait3A_463 = tpu.memref_slice %arg3[%dma_wait3A_461, %dma_wait3A_462] : memref<100000x1024xf32, #tpu.memory_space<hbm>> -> memref<100000x1024xf32, #tpu.memory_space<hbm>>
    tpu.wait_indirect_dma semaphore(%arg28 : memref<!tpu.dma_semaphore, #tpu.memory_space<semaphore_mem>>) src(%dma_wait3A_463 : memref<100000x1024xf32, #tpu.memory_space<hbm>>) dst(%arg21 : memref<8x1024xf32, #tpu.memory_space<vmem>>)
    %parallel_loop3A_464 = arith.constant 0 : i32
    %parallel_loop3A_465 = arith.constant 512 : i32
    %parallel_loop3A_466 = arith.constant 1 : i32
    scf.for %parallel_loop3A_1032 = %parallel_loop3A_464 to %parallel_loop3A_465 step %parallel_loop3A_466  : i32 {
      %parallel_loop3A_1033 = arith.constant 6 : i32
      %parallel_loop3A_1034 = arith.shrsi %parallel_loop3A_1032, %parallel_loop3A_1033 : i32
      %parallel_loop3A_1035 = arith.constant 63 : i32
      %parallel_loop3A_1036 = arith.andi %parallel_loop3A_1032, %parallel_loop3A_1035 : i32
      %parallel_loop3A_1037 = arith.constant 4 : i32
      %parallel_loop3A_1038 = arith.shli %parallel_loop3A_1036, %parallel_loop3A_1037 : i32
      %parallel_loop3A_1039 = tpu.assume_multiple %parallel_loop3A_1038, 16 : i32
      %parallel_loop3A_1040 = arith.index_cast %parallel_loop3A_1034 : i32 to index
      %parallel_loop3A_1041 = arith.index_cast %parallel_loop3A_1039 : i32 to index
      %parallel_loop3A_1042 = tpu.vector_load %arg9[%parallel_loop3A_1040, %parallel_loop3A_1041] {strides = array<i32>} : memref<8x1024xf32, #tpu.memory_space<vmem>>, vector<1x16xf32>,
      %parallel_loop3A_1043 = vector.shape_cast %parallel_loop3A_1042 : vector<1x16xf32> to vector<16xf32>
      %parallel_loop3A_1044 = arith.index_cast %parallel_loop3A_1034 : i32 to index
      %parallel_loop3A_1045 = arith.index_cast %parallel_loop3A_1039 : i32 to index
      %parallel_loop3A_1046 = tpu.vector_load %arg18[%parallel_loop3A_1044, %parallel_loop3A_1045] {strides = array<i32>} : memref<8x1024xf32, #tpu.memory_space<vmem>>, vector<1x16xf32>,
      %parallel_loop3A_1047 = vector.shape_cast %parallel_loop3A_1046 : vector<1x16xf32> to vector<16xf32>
      %parallel_loop3A_1048 = arith.addf %parallel_loop3A_1047, %parallel_loop3A_1043 : vector<16xf32>
      %parallel_loop3A_1049 = arith.index_cast %parallel_loop3A_1034 : i32 to index
      %parallel_loop3A_1050 = arith.index_cast %parallel_loop3A_1039 : i32 to index
      %parallel_loop3A_1051 = tpu.vector_load %arg18[%parallel_loop3A_1049, %parallel_loop3A_1050] {strides = array<i32>} : memref<8x1024xf32, #tpu.memory_space<vmem>>, vector<1x16xf32>,
      %parallel_loop3A_1052 = vector.shape_cast %parallel_loop3A_1051 : vector<1x16xf32> to vector<16xf32>
      %parallel_loop3A_1053 = vector.shape_cast %parallel_loop3A_1048 : vector<16xf32> to vector<1x16xf32>
      tpu.vector_store %arg18[%parallel_loop3A_1049, %parallel_loop3A_1050], %parallel_loop3A_1053 {strides = array<i32>} : memref<8x1024xf32, #tpu.memory_space<vmem>>, vector<1x16xf32>,
      %parallel_loop3A_1054 = arith.index_cast %parallel_loop3A_1034 : i32 to index
      %parallel_loop3A_1055 = arith.index_cast %parallel_loop3A_1039 : i32 to index
      %parallel_loop3A_1056 = tpu.vector_load %arg19[%parallel_loop3A_1054, %parallel_loop3A_1055] {strides = array<i32>} : memref<8x1024xf32, #tpu.memory_space<vmem>>, vector<1x16xf32>,
      %parallel_loop3A_1057 = vector.shape_cast %parallel_loop3A_1056 : vector<1x16xf32> to vector<16xf32>
      %parallel_loop3A_1058 = arith.addf %parallel_loop3A_1057, %parallel_loop3A_1043 : vector<16xf32>
      %parallel_loop3A_1059 = arith.index_cast %parallel_loop3A_1034 : i32 to index
      %parallel_loop3A_1060 = arith.index_cast %parallel_loop3A_1039 : i32 to index
      %parallel_loop3A_1061 = tpu.vector_load %arg19[%parallel_loop3A_1059, %parallel_loop3A_1060] {strides = array<i32>} : memref<8x1024xf32, #tpu.memory_space<vmem>>, vector<1x16xf32>,
      %parallel_loop3A_1062 = vector.shape_cast %parallel_loop3A_1061 : vector<1x16xf32> to vector<16xf32>
      %parallel_loop3A_1063 = vector.shape_cast %parallel_loop3A_1058 : vector<16xf32> to vector<1x16xf32>
      tpu.vector_store %arg19[%parallel_loop3A_1059, %parallel_loop3A_1060], %parallel_loop3A_1063 {strides = array<i32>} : memref<8x1024xf32, #tpu.memory_space<vmem>>, vector<1x16xf32>,
      %parallel_loop3A_1064 = arith.index_cast %parallel_loop3A_1034 : i32 to index
      %parallel_loop3A_1065 = arith.index_cast %parallel_loop3A_1039 : i32 to index
      %parallel_loop3A_1066 = tpu.vector_load %arg20[%parallel_loop3A_1064, %parallel_loop3A_1065] {strides = array<i32>} : memref<8x1024xf32, #tpu.memory_space<vmem>>, vector<1x16xf32>,
      %parallel_loop3A_1067 = vector.shape_cast %parallel_loop3A_1066 : vector<1x16xf32> to vector<16xf32>
      %parallel_loop3A_1068 = arith.addf %parallel_loop3A_1067, %parallel_loop3A_1043 : vector<16xf32>
      %parallel_loop3A_1069 = arith.index_cast %parallel_loop3A_1034 : i32 to index
      %parallel_loop3A_1070 = arith.index_cast %parallel_loop3A_1039 : i32 to index
      %parallel_loop3A_1071 = tpu.vector_load %arg20[%parallel_loop3A_1069, %parallel_loop3A_1070] {strides = array<i32>} : memref<8x1024xf32, #tpu.memory_space<vmem>>, vector<1x16xf32>,
      %parallel_loop3A_1072 = vector.shape_cast %parallel_loop3A_1071 : vector<1x16xf32> to vector<16xf32>
      %parallel_loop3A_1073 = vector.shape_cast %parallel_loop3A_1068 : vector<16xf32> to vector<1x16xf32>
      tpu.vector_store %arg20[%parallel_loop3A_1069, %parallel_loop3A_1070], %parallel_loop3A_1073 {strides = array<i32>} : memref<8x1024xf32, #tpu.memory_space<vmem>>, vector<1x16xf32>,
      %parallel_loop3A_1074 = arith.index_cast %parallel_loop3A_1034 : i32 to index
      %parallel_loop3A_1075 = arith.index_cast %parallel_loop3A_1039 : i32 to index
      %parallel_loop3A_1076 = tpu.vector_load %arg21[%parallel_loop3A_1074, %parallel_loop3A_1075] {strides = array<i32>} : memref<8x1024xf32, #tpu.memory_space<vmem>>, vector<1x16xf32>,
      %parallel_loop3A_1077 = vector.shape_cast %parallel_loop3A_1076 : vector<1x16xf32> to vector<16xf32>
      %parallel_loop3A_1078 = arith.addf %parallel_loop3A_1077, %parallel_loop3A_1043 : vector<16xf32>
      %parallel_loop3A_1079 = arith.index_cast %parallel_loop3A_1034 : i32 to index
      %parallel_loop3A_1080 = arith.index_cast %parallel_loop3A_1039 : i32 to index
      %parallel_loop3A_1081 = tpu.vector_load %arg21[%parallel_loop3A_1079, %parallel_loop3A_1080] {strides = array<i32>} : memref<8x1024xf32, #tpu.memory_space<vmem>>, vector<1x16xf32>,
      %parallel_loop3A_1082 = vector.shape_cast %parallel_loop3A_1081 : vector<1x16xf32> to vector<16xf32>
      %parallel_loop3A_1083 = vector.shape_cast %parallel_loop3A_1078 : vector<16xf32> to vector<1x16xf32>
      tpu.vector_store %arg21[%parallel_loop3A_1079, %parallel_loop3A_1080], %parallel_loop3A_1083 {strides = array<i32>} : memref<8x1024xf32, #tpu.memory_space<vmem>>, vector<1x16xf32>,
    } {sc.loop_unroll_factor = 2 : i64, sc.parallel_access}
    %add3A_467 = arith.constant 0 : i32
    %add3A_468 = arith.addi %add3A_467, %mul3A_2 : i32
    %add3A_469 = arith.constant 16 : i32
    %add3A_470 = arith.addi %add3A_468, %add3A_469 : i32
    %dma_start3A_471 = arith.constant 0 : i32
    %dma_start3A_472 = tpu.memref_slice %arg5[%add3A_470, %dma_start3A_471] : memref<8192x1024xf32, #tpu.memory_space<hbm>> -> memref<8x1024xf32, #tpu.memory_space<hbm>>
    %dma_start3A_473 = arith.constant 0 : i32
    %dma_start3A_474 = tpu.memref_slice %arg5[%add3A_470, %dma_start3A_473] : memref<8192x1024xf32, #tpu.memory_space<hbm>> -> memref<8x1024xf32, #tpu.memory_space<hbm>>
    tpu.enqueue_dma source(%arg18 : memref<8x1024xf32, #tpu.memory_space<vmem>>) target(%dma_start3A_474 : memref<8x1024xf32, #tpu.memory_space<hbm>>) target_semaphore(%arg31 : memref<!tpu.dma_semaphore, #tpu.memory_space<semaphore_mem>>)
    %add3A_475 = arith.constant 2048 : i32
    %add3A_476 = arith.addi %add3A_475, %mul3A_2 : i32
    %add3A_477 = arith.constant 16 : i32
    %add3A_478 = arith.addi %add3A_476, %add3A_477 : i32
    %dma_start3A_479 = arith.constant 0 : i32
    %dma_start3A_480 = tpu.memref_slice %arg5[%add3A_478, %dma_start3A_479] : memref<8192x1024xf32, #tpu.memory_space<hbm>> -> memref<8x1024xf32, #tpu.memory_space<hbm>>
    %dma_start3A_481 = arith.constant 0 : i32
    %dma_start3A_482 = tpu.memref_slice %arg5[%add3A_478, %dma_start3A_481] : memref<8192x1024xf32, #tpu.memory_space<hbm>> -> memref<8x1024xf32, #tpu.memory_space<hbm>>
    tpu.enqueue_dma source(%arg19 : memref<8x1024xf32, #tpu.memory_space<vmem>>) target(%dma_start3A_482 : memref<8x1024xf32, #tpu.memory_space<hbm>>) target_semaphore(%arg31 : memref<!tpu.dma_semaphore, #tpu.memory_space<semaphore_mem>>)
    %add3A_483 = arith.constant 4096 : i32
    %add3A_484 = arith.addi %add3A_483, %mul3A_2 : i32
    %add3A_485 = arith.constant 16 : i32
    %add3A_486 = arith.addi %add3A_484, %add3A_485 : i32
    %dma_start3A_487 = arith.constant 0 : i32
    %dma_start3A_488 = tpu.memref_slice %arg5[%add3A_486, %dma_start3A_487] : memref<8192x1024xf32, #tpu.memory_space<hbm>> -> memref<8x1024xf32, #tpu.memory_space<hbm>>
    %dma_start3A_489 = arith.constant 0 : i32
    %dma_start3A_490 = tpu.memref_slice %arg5[%add3A_486, %dma_start3A_489] : memref<8192x1024xf32, #tpu.memory_space<hbm>> -> memref<8x1024xf32, #tpu.memory_space<hbm>>
    tpu.enqueue_dma source(%arg20 : memref<8x1024xf32, #tpu.memory_space<vmem>>) target(%dma_start3A_490 : memref<8x1024xf32, #tpu.memory_space<hbm>>) target_semaphore(%arg31 : memref<!tpu.dma_semaphore, #tpu.memory_space<semaphore_mem>>)
    %add3A_491 = arith.constant 6144 : i32
    %add3A_492 = arith.addi %add3A_491, %mul3A_2 : i32
    %add3A_493 = arith.constant 16 : i32
    %add3A_494 = arith.addi %add3A_492, %add3A_493 : i32
    %dma_start3A_495 = arith.constant 0 : i32
    %dma_start3A_496 = tpu.memref_slice %arg5[%add3A_494, %dma_start3A_495] : memref<8192x1024xf32, #tpu.memory_space<hbm>> -> memref<8x1024xf32, #tpu.memory_space<hbm>>
    %dma_start3A_497 = arith.constant 0 : i32
    %dma_start3A_498 = tpu.memref_slice %arg5[%add3A_494, %dma_start3A_497] : memref<8192x1024xf32, #tpu.memory_space<hbm>> -> memref<8x1024xf32, #tpu.memory_space<hbm>>
    tpu.enqueue_dma source(%arg21 : memref<8x1024xf32, #tpu.memory_space<vmem>>) target(%dma_start3A_498 : memref<8x1024xf32, #tpu.memory_space<hbm>>) target_semaphore(%arg31 : memref<!tpu.dma_semaphore, #tpu.memory_space<semaphore_mem>>)
    %dma_wait3A_499 = arith.constant 0 : i32
    %dma_wait3A_500 = tpu.memref_slice %arg5[%add3A_470, %dma_wait3A_499] : memref<8192x1024xf32, #tpu.memory_space<hbm>> -> memref<8x1024xf32, #tpu.memory_space<hbm>>
    %dma_wait3A_501 = arith.constant 0 : i32
    %dma_wait3A_502 = tpu.memref_slice %arg5[%add3A_470, %dma_wait3A_501] : memref<8192x1024xf32, #tpu.memory_space<hbm>> -> memref<8x1024xf32, #tpu.memory_space<hbm>>
    tpu.wait_dma2 semaphore(%arg31 : memref<!tpu.dma_semaphore, #tpu.memory_space<semaphore_mem>>) src(%arg18 : memref<8x1024xf32, #tpu.memory_space<vmem>>) dst(%dma_wait3A_502 : memref<8x1024xf32, #tpu.memory_space<hbm>>)
    %dma_wait3A_503 = arith.constant 0 : i32
    %dma_wait3A_504 = tpu.memref_slice %arg5[%add3A_478, %dma_wait3A_503] : memref<8192x1024xf32, #tpu.memory_space<hbm>> -> memref<8x1024xf32, #tpu.memory_space<hbm>>
    %dma_wait3A_505 = arith.constant 0 : i32
    %dma_wait3A_506 = tpu.memref_slice %arg5[%add3A_478, %dma_wait3A_505] : memref<8192x1024xf32, #tpu.memory_space<hbm>> -> memref<8x1024xf32, #tpu.memory_space<hbm>>
    tpu.wait_dma2 semaphore(%arg31 : memref<!tpu.dma_semaphore, #tpu.memory_space<semaphore_mem>>) src(%arg19 : memref<8x1024xf32, #tpu.memory_space<vmem>>) dst(%dma_wait3A_506 : memref<8x1024xf32, #tpu.memory_space<hbm>>)
    %dma_wait3A_507 = arith.constant 0 : i32
    %dma_wait3A_508 = tpu.memref_slice %arg5[%add3A_486, %dma_wait3A_507] : memref<8192x1024xf32, #tpu.memory_space<hbm>> -> memref<8x1024xf32, #tpu.memory_space<hbm>>
    %dma_wait3A_509 = arith.constant 0 : i32
    %dma_wait3A_510 = tpu.memref_slice %arg5[%add3A_486, %dma_wait3A_509] : memref<8192x1024xf32, #tpu.memory_space<hbm>> -> memref<8x1024xf32, #tpu.memory_space<hbm>>
    tpu.wait_dma2 semaphore(%arg31 : memref<!tpu.dma_semaphore, #tpu.memory_space<semaphore_mem>>) src(%arg20 : memref<8x1024xf32, #tpu.memory_space<vmem>>) dst(%dma_wait3A_510 : memref<8x1024xf32, #tpu.memory_space<hbm>>)
    %dma_wait3A_511 = arith.constant 0 : i32
    %dma_wait3A_512 = tpu.memref_slice %arg5[%add3A_494, %dma_wait3A_511] : memref<8192x1024xf32, #tpu.memory_space<hbm>> -> memref<8x1024xf32, #tpu.memory_space<hbm>>
    %dma_wait3A_513 = arith.constant 0 : i32
    %dma_wait3A_514 = tpu.memref_slice %arg5[%add3A_494, %dma_wait3A_513] : memref<8192x1024xf32, #tpu.memory_space<hbm>> -> memref<8x1024xf32, #tpu.memory_space<hbm>>
    tpu.wait_dma2 semaphore(%arg31 : memref<!tpu.dma_semaphore, #tpu.memory_space<semaphore_mem>>) src(%arg21 : memref<8x1024xf32, #tpu.memory_space<vmem>>) dst(%dma_wait3A_514 : memref<8x1024xf32, #tpu.memory_space<hbm>>)
    %add3A_515 = arith.constant 40 : i32
    %add3A_516 = arith.addi %mul3A_2, %add3A_515 : i32
    %dma_start3A_517 = arith.constant 0 : i32
    %dma_start3A_518 = tpu.memref_slice %arg4[%add3A_516, %dma_start3A_517] : memref<2048x1024xf32, #tpu.memory_space<hbm>> -> memref<8x1024xf32, #tpu.memory_space<hbm>>
    %dma_start3A_519 = arith.constant 0 : i32
    %dma_start3A_520 = tpu.memref_slice %arg4[%add3A_516, %dma_start3A_519] : memref<2048x1024xf32, #tpu.memory_space<hbm>> -> memref<8x1024xf32, #tpu.memory_space<hbm>>
    tpu.enqueue_dma source(%dma_start3A_520 : memref<8x1024xf32, #tpu.memory_space<hbm>>) target(%arg9 : memref<8x1024xf32, #tpu.memory_space<vmem>>) target_semaphore(%arg25 : memref<!tpu.dma_semaphore, #tpu.memory_space<semaphore_mem>>)
    %dma_start3A_521 = arith.constant 0 : i32
    %dma_start3A_522 = arith.constant 40 : i32
    %dma_start3A_523 = tpu.memref_slice %arg6[%dma_start3A_521, %dma_start3A_522] : memref<4x64xi32, #tpu.memory_space<vmem>> -> memref<1x8xi32, #tpu.memory_space<vmem>>
    %dma_start3A_524 = tpu.memref_squeeze %dma_start3A_523 : memref<1x8xi32, #tpu.memory_space<vmem>> -> memref<8xi32, #tpu.memory_space<vmem>>
    %dma_start3A_525 = arith.constant 0 : i32
    %dma_start3A_526 = arith.constant 0 : i32
    %dma_start3A_527 = tpu.memref_slice %arg3[%dma_start3A_525, %dma_start3A_526] : memref<100000x1024xf32, #tpu.memory_space<hbm>> -> memref<100000x1024xf32, #tpu.memory_space<hbm>>
    tpu.enqueue_indirect_dma source(%dma_start3A_527 : memref<100000x1024xf32, #tpu.memory_space<hbm>>) target(%arg18 : memref<8x1024xf32, #tpu.memory_space<vmem>>) offsets(%dma_start3A_524 : memref<8xi32, #tpu.memory_space<vmem>>) semaphore(%arg28 : memref<!tpu.dma_semaphore, #tpu.memory_space<semaphore_mem>>)
    %dma_start3A_528 = arith.constant 1 : i32
    %dma_start3A_529 = arith.constant 40 : i32
    %dma_start3A_530 = tpu.memref_slice %arg6[%dma_start3A_528, %dma_start3A_529] : memref<4x64xi32, #tpu.memory_space<vmem>> -> memref<1x8xi32, #tpu.memory_space<vmem>>
    %dma_start3A_531 = tpu.memref_squeeze %dma_start3A_530 : memref<1x8xi32, #tpu.memory_space<vmem>> -> memref<8xi32, #tpu.memory_space<vmem>>
    %dma_start3A_532 = arith.constant 0 : i32
    %dma_start3A_533 = arith.constant 0 : i32
    %dma_start3A_534 = tpu.memref_slice %arg3[%dma_start3A_532, %dma_start3A_533] : memref<100000x1024xf32, #tpu.memory_space<hbm>> -> memref<100000x1024xf32, #tpu.memory_space<hbm>>
    tpu.enqueue_indirect_dma source(%dma_start3A_534 : memref<100000x1024xf32, #tpu.memory_space<hbm>>) target(%arg19 : memref<8x1024xf32, #tpu.memory_space<vmem>>) offsets(%dma_start3A_531 : memref<8xi32, #tpu.memory_space<vmem>>) semaphore(%arg28 : memref<!tpu.dma_semaphore, #tpu.memory_space<semaphore_mem>>)
    %dma_start3A_535 = arith.constant 2 : i32
    %dma_start3A_536 = arith.constant 40 : i32
    %dma_start3A_537 = tpu.memref_slice %arg6[%dma_start3A_535, %dma_start3A_536] : memref<4x64xi32, #tpu.memory_space<vmem>> -> memref<1x8xi32, #tpu.memory_space<vmem>>
    %dma_start3A_538 = tpu.memref_squeeze %dma_start3A_537 : memref<1x8xi32, #tpu.memory_space<vmem>> -> memref<8xi32, #tpu.memory_space<vmem>>
    %dma_start3A_539 = arith.constant 0 : i32
    %dma_start3A_540 = arith.constant 0 : i32
    %dma_start3A_541 = tpu.memref_slice %arg3[%dma_start3A_539, %dma_start3A_540] : memref<100000x1024xf32, #tpu.memory_space<hbm>> -> memref<100000x1024xf32, #tpu.memory_space<hbm>>
    tpu.enqueue_indirect_dma source(%dma_start3A_541 : memref<100000x1024xf32, #tpu.memory_space<hbm>>) target(%arg20 : memref<8x1024xf32, #tpu.memory_space<vmem>>) offsets(%dma_start3A_538 : memref<8xi32, #tpu.memory_space<vmem>>) semaphore(%arg28 : memref<!tpu.dma_semaphore, #tpu.memory_space<semaphore_mem>>)
    %dma_start3A_542 = arith.constant 3 : i32
    %dma_start3A_543 = arith.constant 40 : i32
    %dma_start3A_544 = tpu.memref_slice %arg6[%dma_start3A_542, %dma_start3A_543] : memref<4x64xi32, #tpu.memory_space<vmem>> -> memref<1x8xi32, #tpu.memory_space<vmem>>
    %dma_start3A_545 = tpu.memref_squeeze %dma_start3A_544 : memref<1x8xi32, #tpu.memory_space<vmem>> -> memref<8xi32, #tpu.memory_space<vmem>>
    %dma_start3A_546 = arith.constant 0 : i32
    %dma_start3A_547 = arith.constant 0 : i32
    %dma_start3A_548 = tpu.memref_slice %arg3[%dma_start3A_546, %dma_start3A_547] : memref<100000x1024xf32, #tpu.memory_space<hbm>> -> memref<100000x1024xf32, #tpu.memory_space<hbm>>
    tpu.enqueue_indirect_dma source(%dma_start3A_548 : memref<100000x1024xf32, #tpu.memory_space<hbm>>) target(%arg21 : memref<8x1024xf32, #tpu.memory_space<vmem>>) offsets(%dma_start3A_545 : memref<8xi32, #tpu.memory_space<vmem>>) semaphore(%arg28 : memref<!tpu.dma_semaphore, #tpu.memory_space<semaphore_mem>>)
    %dma_wait3A_549 = arith.constant 0 : i32
    %dma_wait3A_550 = tpu.memref_slice %arg4[%add3A_282, %dma_wait3A_549] : memref<2048x1024xf32, #tpu.memory_space<hbm>> -> memref<8x1024xf32, #tpu.memory_space<hbm>>
    %dma_wait3A_551 = arith.constant 0 : i32
    %dma_wait3A_552 = tpu.memref_slice %arg4[%add3A_282, %dma_wait3A_551] : memref<2048x1024xf32, #tpu.memory_space<hbm>> -> memref<8x1024xf32, #tpu.memory_space<hbm>>
    tpu.wait_dma2 semaphore(%arg23 : memref<!tpu.dma_semaphore, #tpu.memory_space<semaphore_mem>>) src(%dma_wait3A_552 : memref<8x1024xf32, #tpu.memory_space<hbm>>) dst(%arg7 : memref<8x1024xf32, #tpu.memory_space<vmem>>)
    %dma_wait3A_553 = arith.constant 0 : i32
    %dma_wait3A_554 = arith.constant 24 : i32
    %dma_wait3A_555 = tpu.memref_slice %arg6[%dma_wait3A_553, %dma_wait3A_554] : memref<4x64xi32, #tpu.memory_space<vmem>> -> memref<1x8xi32, #tpu.memory_space<vmem>>
    %dma_wait3A_556 = tpu.memref_squeeze %dma_wait3A_555 : memref<1x8xi32, #tpu.memory_space<vmem>> -> memref<8xi32, #tpu.memory_space<vmem>>
    %dma_wait3A_557 = arith.constant 0 : i32
    %dma_wait3A_558 = arith.constant 0 : i32
    %dma_wait3A_559 = tpu.memref_slice %arg3[%dma_wait3A_557, %dma_wait3A_558] : memref<100000x1024xf32, #tpu.memory_space<hbm>> -> memref<100000x1024xf32, #tpu.memory_space<hbm>>
    tpu.wait_indirect_dma semaphore(%arg26 : memref<!tpu.dma_semaphore, #tpu.memory_space<semaphore_mem>>) src(%dma_wait3A_559 : memref<100000x1024xf32, #tpu.memory_space<hbm>>) dst(%arg10 : memref<8x1024xf32, #tpu.memory_space<vmem>>)
    %dma_wait3A_560 = arith.constant 1 : i32
    %dma_wait3A_561 = arith.constant 24 : i32
    %dma_wait3A_562 = tpu.memref_slice %arg6[%dma_wait3A_560, %dma_wait3A_561] : memref<4x64xi32, #tpu.memory_space<vmem>> -> memref<1x8xi32, #tpu.memory_space<vmem>>
    %dma_wait3A_563 = tpu.memref_squeeze %dma_wait3A_562 : memref<1x8xi32, #tpu.memory_space<vmem>> -> memref<8xi32, #tpu.memory_space<vmem>>
    %dma_wait3A_564 = arith.constant 0 : i32
    %dma_wait3A_565 = arith.constant 0 : i32
    %dma_wait3A_566 = tpu.memref_slice %arg3[%dma_wait3A_564, %dma_wait3A_565] : memref<100000x1024xf32, #tpu.memory_space<hbm>> -> memref<100000x1024xf32, #tpu.memory_space<hbm>>
    tpu.wait_indirect_dma semaphore(%arg26 : memref<!tpu.dma_semaphore, #tpu.memory_space<semaphore_mem>>) src(%dma_wait3A_566 : memref<100000x1024xf32, #tpu.memory_space<hbm>>) dst(%arg11 : memref<8x1024xf32, #tpu.memory_space<vmem>>)
    %dma_wait3A_567 = arith.constant 2 : i32
    %dma_wait3A_568 = arith.constant 24 : i32
    %dma_wait3A_569 = tpu.memref_slice %arg6[%dma_wait3A_567, %dma_wait3A_568] : memref<4x64xi32, #tpu.memory_space<vmem>> -> memref<1x8xi32, #tpu.memory_space<vmem>>
    %dma_wait3A_570 = tpu.memref_squeeze %dma_wait3A_569 : memref<1x8xi32, #tpu.memory_space<vmem>> -> memref<8xi32, #tpu.memory_space<vmem>>
    %dma_wait3A_571 = arith.constant 0 : i32
    %dma_wait3A_572 = arith.constant 0 : i32
    %dma_wait3A_573 = tpu.memref_slice %arg3[%dma_wait3A_571, %dma_wait3A_572] : memref<100000x1024xf32, #tpu.memory_space<hbm>> -> memref<100000x1024xf32, #tpu.memory_space<hbm>>
    tpu.wait_indirect_dma semaphore(%arg26 : memref<!tpu.dma_semaphore, #tpu.memory_space<semaphore_mem>>) src(%dma_wait3A_573 : memref<100000x1024xf32, #tpu.memory_space<hbm>>) dst(%arg12 : memref<8x1024xf32, #tpu.memory_space<vmem>>)
    %dma_wait3A_574 = arith.constant 3 : i32
    %dma_wait3A_575 = arith.constant 24 : i32
    %dma_wait3A_576 = tpu.memref_slice %arg6[%dma_wait3A_574, %dma_wait3A_575] : memref<4x64xi32, #tpu.memory_space<vmem>> -> memref<1x8xi32, #tpu.memory_space<vmem>>
    %dma_wait3A_577 = tpu.memref_squeeze %dma_wait3A_576 : memref<1x8xi32, #tpu.memory_space<vmem>> -> memref<8xi32, #tpu.memory_space<vmem>>
    %dma_wait3A_578 = arith.constant 0 : i32
    %dma_wait3A_579 = arith.constant 0 : i32
    %dma_wait3A_580 = tpu.memref_slice %arg3[%dma_wait3A_578, %dma_wait3A_579] : memref<100000x1024xf32, #tpu.memory_space<hbm>> -> memref<100000x1024xf32, #tpu.memory_space<hbm>>
    tpu.wait_indirect_dma semaphore(%arg26 : memref<!tpu.dma_semaphore, #tpu.memory_space<semaphore_mem>>) src(%dma_wait3A_580 : memref<100000x1024xf32, #tpu.memory_space<hbm>>) dst(%arg13 : memref<8x1024xf32, #tpu.memory_space<vmem>>)
    %parallel_loop3A_581 = arith.constant 0 : i32
    %parallel_loop3A_582 = arith.constant 512 : i32
    %parallel_loop3A_583 = arith.constant 1 : i32
    scf.for %parallel_loop3A_1032 = %parallel_loop3A_581 to %parallel_loop3A_582 step %parallel_loop3A_583  : i32 {
      %parallel_loop3A_1033 = arith.constant 6 : i32
      %parallel_loop3A_1034 = arith.shrsi %parallel_loop3A_1032, %parallel_loop3A_1033 : i32
      %parallel_loop3A_1035 = arith.constant 63 : i32
      %parallel_loop3A_1036 = arith.andi %parallel_loop3A_1032, %parallel_loop3A_1035 : i32
      %parallel_loop3A_1037 = arith.constant 4 : i32
      %parallel_loop3A_1038 = arith.shli %parallel_loop3A_1036, %parallel_loop3A_1037 : i32
      %parallel_loop3A_1039 = tpu.assume_multiple %parallel_loop3A_1038, 16 : i32
      %parallel_loop3A_1040 = arith.index_cast %parallel_loop3A_1034 : i32 to index
      %parallel_loop3A_1041 = arith.index_cast %parallel_loop3A_1039 : i32 to index
      %parallel_loop3A_1042 = tpu.vector_load %arg7[%parallel_loop3A_1040, %parallel_loop3A_1041] {strides = array<i32>} : memref<8x1024xf32, #tpu.memory_space<vmem>>, vector<1x16xf32>,
      %parallel_loop3A_1043 = vector.shape_cast %parallel_loop3A_1042 : vector<1x16xf32> to vector<16xf32>
      %parallel_loop3A_1044 = arith.index_cast %parallel_loop3A_1034 : i32 to index
      %parallel_loop3A_1045 = arith.index_cast %parallel_loop3A_1039 : i32 to index
      %parallel_loop3A_1046 = tpu.vector_load %arg10[%parallel_loop3A_1044, %parallel_loop3A_1045] {strides = array<i32>} : memref<8x1024xf32, #tpu.memory_space<vmem>>, vector<1x16xf32>,
      %parallel_loop3A_1047 = vector.shape_cast %parallel_loop3A_1046 : vector<1x16xf32> to vector<16xf32>
      %parallel_loop3A_1048 = arith.addf %parallel_loop3A_1047, %parallel_loop3A_1043 : vector<16xf32>
      %parallel_loop3A_1049 = arith.index_cast %parallel_loop3A_1034 : i32 to index
      %parallel_loop3A_1050 = arith.index_cast %parallel_loop3A_1039 : i32 to index
      %parallel_loop3A_1051 = tpu.vector_load %arg10[%parallel_loop3A_1049, %parallel_loop3A_1050] {strides = array<i32>} : memref<8x1024xf32, #tpu.memory_space<vmem>>, vector<1x16xf32>,
      %parallel_loop3A_1052 = vector.shape_cast %parallel_loop3A_1051 : vector<1x16xf32> to vector<16xf32>
      %parallel_loop3A_1053 = vector.shape_cast %parallel_loop3A_1048 : vector<16xf32> to vector<1x16xf32>
      tpu.vector_store %arg10[%parallel_loop3A_1049, %parallel_loop3A_1050], %parallel_loop3A_1053 {strides = array<i32>} : memref<8x1024xf32, #tpu.memory_space<vmem>>, vector<1x16xf32>,
      %parallel_loop3A_1054 = arith.index_cast %parallel_loop3A_1034 : i32 to index
      %parallel_loop3A_1055 = arith.index_cast %parallel_loop3A_1039 : i32 to index
      %parallel_loop3A_1056 = tpu.vector_load %arg11[%parallel_loop3A_1054, %parallel_loop3A_1055] {strides = array<i32>} : memref<8x1024xf32, #tpu.memory_space<vmem>>, vector<1x16xf32>,
      %parallel_loop3A_1057 = vector.shape_cast %parallel_loop3A_1056 : vector<1x16xf32> to vector<16xf32>
      %parallel_loop3A_1058 = arith.addf %parallel_loop3A_1057, %parallel_loop3A_1043 : vector<16xf32>
      %parallel_loop3A_1059 = arith.index_cast %parallel_loop3A_1034 : i32 to index
      %parallel_loop3A_1060 = arith.index_cast %parallel_loop3A_1039 : i32 to index
      %parallel_loop3A_1061 = tpu.vector_load %arg11[%parallel_loop3A_1059, %parallel_loop3A_1060] {strides = array<i32>} : memref<8x1024xf32, #tpu.memory_space<vmem>>, vector<1x16xf32>,
      %parallel_loop3A_1062 = vector.shape_cast %parallel_loop3A_1061 : vector<1x16xf32> to vector<16xf32>
      %parallel_loop3A_1063 = vector.shape_cast %parallel_loop3A_1058 : vector<16xf32> to vector<1x16xf32>
      tpu.vector_store %arg11[%parallel_loop3A_1059, %parallel_loop3A_1060], %parallel_loop3A_1063 {strides = array<i32>} : memref<8x1024xf32, #tpu.memory_space<vmem>>, vector<1x16xf32>,
      %parallel_loop3A_1064 = arith.index_cast %parallel_loop3A_1034 : i32 to index
      %parallel_loop3A_1065 = arith.index_cast %parallel_loop3A_1039 : i32 to index
      %parallel_loop3A_1066 = tpu.vector_load %arg12[%parallel_loop3A_1064, %parallel_loop3A_1065] {strides = array<i32>} : memref<8x1024xf32, #tpu.memory_space<vmem>>, vector<1x16xf32>,
      %parallel_loop3A_1067 = vector.shape_cast %parallel_loop3A_1066 : vector<1x16xf32> to vector<16xf32>
      %parallel_loop3A_1068 = arith.addf %parallel_loop3A_1067, %parallel_loop3A_1043 : vector<16xf32>
      %parallel_loop3A_1069 = arith.index_cast %parallel_loop3A_1034 : i32 to index
      %parallel_loop3A_1070 = arith.index_cast %parallel_loop3A_1039 : i32 to index
      %parallel_loop3A_1071 = tpu.vector_load %arg12[%parallel_loop3A_1069, %parallel_loop3A_1070] {strides = array<i32>} : memref<8x1024xf32, #tpu.memory_space<vmem>>, vector<1x16xf32>,
      %parallel_loop3A_1072 = vector.shape_cast %parallel_loop3A_1071 : vector<1x16xf32> to vector<16xf32>
      %parallel_loop3A_1073 = vector.shape_cast %parallel_loop3A_1068 : vector<16xf32> to vector<1x16xf32>
      tpu.vector_store %arg12[%parallel_loop3A_1069, %parallel_loop3A_1070], %parallel_loop3A_1073 {strides = array<i32>} : memref<8x1024xf32, #tpu.memory_space<vmem>>, vector<1x16xf32>,
      %parallel_loop3A_1074 = arith.index_cast %parallel_loop3A_1034 : i32 to index
      %parallel_loop3A_1075 = arith.index_cast %parallel_loop3A_1039 : i32 to index
      %parallel_loop3A_1076 = tpu.vector_load %arg13[%parallel_loop3A_1074, %parallel_loop3A_1075] {strides = array<i32>} : memref<8x1024xf32, #tpu.memory_space<vmem>>, vector<1x16xf32>,
      %parallel_loop3A_1077 = vector.shape_cast %parallel_loop3A_1076 : vector<1x16xf32> to vector<16xf32>
      %parallel_loop3A_1078 = arith.addf %parallel_loop3A_1077, %parallel_loop3A_1043 : vector<16xf32>
      %parallel_loop3A_1079 = arith.index_cast %parallel_loop3A_1034 : i32 to index
      %parallel_loop3A_1080 = arith.index_cast %parallel_loop3A_1039 : i32 to index
      %parallel_loop3A_1081 = tpu.vector_load %arg13[%parallel_loop3A_1079, %parallel_loop3A_1080] {strides = array<i32>} : memref<8x1024xf32, #tpu.memory_space<vmem>>, vector<1x16xf32>,
      %parallel_loop3A_1082 = vector.shape_cast %parallel_loop3A_1081 : vector<1x16xf32> to vector<16xf32>
      %parallel_loop3A_1083 = vector.shape_cast %parallel_loop3A_1078 : vector<16xf32> to vector<1x16xf32>
      tpu.vector_store %arg13[%parallel_loop3A_1079, %parallel_loop3A_1080], %parallel_loop3A_1083 {strides = array<i32>} : memref<8x1024xf32, #tpu.memory_space<vmem>>, vector<1x16xf32>,
    } {sc.loop_unroll_factor = 2 : i64, sc.parallel_access}
    %add3A_584 = arith.constant 0 : i32
    %add3A_585 = arith.addi %add3A_584, %mul3A_2 : i32
    %add3A_586 = arith.constant 24 : i32
    %add3A_587 = arith.addi %add3A_585, %add3A_586 : i32
    %dma_start3A_588 = arith.constant 0 : i32
    %dma_start3A_589 = tpu.memref_slice %arg5[%add3A_587, %dma_start3A_588] : memref<8192x1024xf32, #tpu.memory_space<hbm>> -> memref<8x1024xf32, #tpu.memory_space<hbm>>
    %dma_start3A_590 = arith.constant 0 : i32
    %dma_start3A_591 = tpu.memref_slice %arg5[%add3A_587, %dma_start3A_590] : memref<8192x1024xf32, #tpu.memory_space<hbm>> -> memref<8x1024xf32, #tpu.memory_space<hbm>>
    tpu.enqueue_dma source(%arg10 : memref<8x1024xf32, #tpu.memory_space<vmem>>) target(%dma_start3A_591 : memref<8x1024xf32, #tpu.memory_space<hbm>>) target_semaphore(%arg29 : memref<!tpu.dma_semaphore, #tpu.memory_space<semaphore_mem>>)
    %add3A_592 = arith.constant 2048 : i32
    %add3A_593 = arith.addi %add3A_592, %mul3A_2 : i32
    %add3A_594 = arith.constant 24 : i32
    %add3A_595 = arith.addi %add3A_593, %add3A_594 : i32
    %dma_start3A_596 = arith.constant 0 : i32
    %dma_start3A_597 = tpu.memref_slice %arg5[%add3A_595, %dma_start3A_596] : memref<8192x1024xf32, #tpu.memory_space<hbm>> -> memref<8x1024xf32, #tpu.memory_space<hbm>>
    %dma_start3A_598 = arith.constant 0 : i32
    %dma_start3A_599 = tpu.memref_slice %arg5[%add3A_595, %dma_start3A_598] : memref<8192x1024xf32, #tpu.memory_space<hbm>> -> memref<8x1024xf32, #tpu.memory_space<hbm>>
    tpu.enqueue_dma source(%arg11 : memref<8x1024xf32, #tpu.memory_space<vmem>>) target(%dma_start3A_599 : memref<8x1024xf32, #tpu.memory_space<hbm>>) target_semaphore(%arg29 : memref<!tpu.dma_semaphore, #tpu.memory_space<semaphore_mem>>)
    %add3A_600 = arith.constant 4096 : i32
    %add3A_601 = arith.addi %add3A_600, %mul3A_2 : i32
    %add3A_602 = arith.constant 24 : i32
    %add3A_603 = arith.addi %add3A_601, %add3A_602 : i32
    %dma_start3A_604 = arith.constant 0 : i32
    %dma_start3A_605 = tpu.memref_slice %arg5[%add3A_603, %dma_start3A_604] : memref<8192x1024xf32, #tpu.memory_space<hbm>> -> memref<8x1024xf32, #tpu.memory_space<hbm>>
    %dma_start3A_606 = arith.constant 0 : i32
    %dma_start3A_607 = tpu.memref_slice %arg5[%add3A_603, %dma_start3A_606] : memref<8192x1024xf32, #tpu.memory_space<hbm>> -> memref<8x1024xf32, #tpu.memory_space<hbm>>
    tpu.enqueue_dma source(%arg12 : memref<8x1024xf32, #tpu.memory_space<vmem>>) target(%dma_start3A_607 : memref<8x1024xf32, #tpu.memory_space<hbm>>) target_semaphore(%arg29 : memref<!tpu.dma_semaphore, #tpu.memory_space<semaphore_mem>>)
    %add3A_608 = arith.constant 6144 : i32
    %add3A_609 = arith.addi %add3A_608, %mul3A_2 : i32
    %add3A_610 = arith.constant 24 : i32
    %add3A_611 = arith.addi %add3A_609, %add3A_610 : i32
    %dma_start3A_612 = arith.constant 0 : i32
    %dma_start3A_613 = tpu.memref_slice %arg5[%add3A_611, %dma_start3A_612] : memref<8192x1024xf32, #tpu.memory_space<hbm>> -> memref<8x1024xf32, #tpu.memory_space<hbm>>
    %dma_start3A_614 = arith.constant 0 : i32
    %dma_start3A_615 = tpu.memref_slice %arg5[%add3A_611, %dma_start3A_614] : memref<8192x1024xf32, #tpu.memory_space<hbm>> -> memref<8x1024xf32, #tpu.memory_space<hbm>>
    tpu.enqueue_dma source(%arg13 : memref<8x1024xf32, #tpu.memory_space<vmem>>) target(%dma_start3A_615 : memref<8x1024xf32, #tpu.memory_space<hbm>>) target_semaphore(%arg29 : memref<!tpu.dma_semaphore, #tpu.memory_space<semaphore_mem>>)
    %dma_wait3A_616 = arith.constant 0 : i32
    %dma_wait3A_617 = tpu.memref_slice %arg5[%add3A_587, %dma_wait3A_616] : memref<8192x1024xf32, #tpu.memory_space<hbm>> -> memref<8x1024xf32, #tpu.memory_space<hbm>>
    %dma_wait3A_618 = arith.constant 0 : i32
    %dma_wait3A_619 = tpu.memref_slice %arg5[%add3A_587, %dma_wait3A_618] : memref<8192x1024xf32, #tpu.memory_space<hbm>> -> memref<8x1024xf32, #tpu.memory_space<hbm>>
    tpu.wait_dma2 semaphore(%arg29 : memref<!tpu.dma_semaphore, #tpu.memory_space<semaphore_mem>>) src(%arg10 : memref<8x1024xf32, #tpu.memory_space<vmem>>) dst(%dma_wait3A_619 : memref<8x1024xf32, #tpu.memory_space<hbm>>)
    %dma_wait3A_620 = arith.constant 0 : i32
    %dma_wait3A_621 = tpu.memref_slice %arg5[%add3A_595, %dma_wait3A_620] : memref<8192x1024xf32, #tpu.memory_space<hbm>> -> memref<8x1024xf32, #tpu.memory_space<hbm>>
    %dma_wait3A_622 = arith.constant 0 : i32
    %dma_wait3A_623 = tpu.memref_slice %arg5[%add3A_595, %dma_wait3A_622] : memref<8192x1024xf32, #tpu.memory_space<hbm>> -> memref<8x1024xf32, #tpu.memory_space<hbm>>
    tpu.wait_dma2 semaphore(%arg29 : memref<!tpu.dma_semaphore, #tpu.memory_space<semaphore_mem>>) src(%arg11 : memref<8x1024xf32, #tpu.memory_space<vmem>>) dst(%dma_wait3A_623 : memref<8x1024xf32, #tpu.memory_space<hbm>>)
    %dma_wait3A_624 = arith.constant 0 : i32
    %dma_wait3A_625 = tpu.memref_slice %arg5[%add3A_603, %dma_wait3A_624] : memref<8192x1024xf32, #tpu.memory_space<hbm>> -> memref<8x1024xf32, #tpu.memory_space<hbm>>
    %dma_wait3A_626 = arith.constant 0 : i32
    %dma_wait3A_627 = tpu.memref_slice %arg5[%add3A_603, %dma_wait3A_626] : memref<8192x1024xf32, #tpu.memory_space<hbm>> -> memref<8x1024xf32, #tpu.memory_space<hbm>>
    tpu.wait_dma2 semaphore(%arg29 : memref<!tpu.dma_semaphore, #tpu.memory_space<semaphore_mem>>) src(%arg12 : memref<8x1024xf32, #tpu.memory_space<vmem>>) dst(%dma_wait3A_627 : memref<8x1024xf32, #tpu.memory_space<hbm>>)
    %dma_wait3A_628 = arith.constant 0 : i32
    %dma_wait3A_629 = tpu.memref_slice %arg5[%add3A_611, %dma_wait3A_628] : memref<8192x1024xf32, #tpu.memory_space<hbm>> -> memref<8x1024xf32, #tpu.memory_space<hbm>>
    %dma_wait3A_630 = arith.constant 0 : i32
    %dma_wait3A_631 = tpu.memref_slice %arg5[%add3A_611, %dma_wait3A_630] : memref<8192x1024xf32, #tpu.memory_space<hbm>> -> memref<8x1024xf32, #tpu.memory_space<hbm>>
    tpu.wait_dma2 semaphore(%arg29 : memref<!tpu.dma_semaphore, #tpu.memory_space<semaphore_mem>>) src(%arg13 : memref<8x1024xf32, #tpu.memory_space<vmem>>) dst(%dma_wait3A_631 : memref<8x1024xf32, #tpu.memory_space<hbm>>)
    %add3A_632 = arith.constant 48 : i32
    %add3A_633 = arith.addi %mul3A_2, %add3A_632 : i32
    %dma_start3A_634 = arith.constant 0 : i32
    %dma_start3A_635 = tpu.memref_slice %arg4[%add3A_633, %dma_start3A_634] : memref<2048x1024xf32, #tpu.memory_space<hbm>> -> memref<8x1024xf32, #tpu.memory_space<hbm>>
    %dma_start3A_636 = arith.constant 0 : i32
    %dma_start3A_637 = tpu.memref_slice %arg4[%add3A_633, %dma_start3A_636] : memref<2048x1024xf32, #tpu.memory_space<hbm>> -> memref<8x1024xf32, #tpu.memory_space<hbm>>
    tpu.enqueue_dma source(%dma_start3A_637 : memref<8x1024xf32, #tpu.memory_space<hbm>>) target(%arg7 : memref<8x1024xf32, #tpu.memory_space<vmem>>) target_semaphore(%arg23 : memref<!tpu.dma_semaphore, #tpu.memory_space<semaphore_mem>>)
    %dma_start3A_638 = arith.constant 0 : i32
    %dma_start3A_639 = arith.constant 48 : i32
    %dma_start3A_640 = tpu.memref_slice %arg6[%dma_start3A_638, %dma_start3A_639] : memref<4x64xi32, #tpu.memory_space<vmem>> -> memref<1x8xi32, #tpu.memory_space<vmem>>
    %dma_start3A_641 = tpu.memref_squeeze %dma_start3A_640 : memref<1x8xi32, #tpu.memory_space<vmem>> -> memref<8xi32, #tpu.memory_space<vmem>>
    %dma_start3A_642 = arith.constant 0 : i32
    %dma_start3A_643 = arith.constant 0 : i32
    %dma_start3A_644 = tpu.memref_slice %arg3[%dma_start3A_642, %dma_start3A_643] : memref<100000x1024xf32, #tpu.memory_space<hbm>> -> memref<100000x1024xf32, #tpu.memory_space<hbm>>
    tpu.enqueue_indirect_dma source(%dma_start3A_644 : memref<100000x1024xf32, #tpu.memory_space<hbm>>) target(%arg10 : memref<8x1024xf32, #tpu.memory_space<vmem>>) offsets(%dma_start3A_641 : memref<8xi32, #tpu.memory_space<vmem>>) semaphore(%arg26 : memref<!tpu.dma_semaphore, #tpu.memory_space<semaphore_mem>>)
    %dma_start3A_645 = arith.constant 1 : i32
    %dma_start3A_646 = arith.constant 48 : i32
    %dma_start3A_647 = tpu.memref_slice %arg6[%dma_start3A_645, %dma_start3A_646] : memref<4x64xi32, #tpu.memory_space<vmem>> -> memref<1x8xi32, #tpu.memory_space<vmem>>
    %dma_start3A_648 = tpu.memref_squeeze %dma_start3A_647 : memref<1x8xi32, #tpu.memory_space<vmem>> -> memref<8xi32, #tpu.memory_space<vmem>>
    %dma_start3A_649 = arith.constant 0 : i32
    %dma_start3A_650 = arith.constant 0 : i32
    %dma_start3A_651 = tpu.memref_slice %arg3[%dma_start3A_649, %dma_start3A_650] : memref<100000x1024xf32, #tpu.memory_space<hbm>> -> memref<100000x1024xf32, #tpu.memory_space<hbm>>
    tpu.enqueue_indirect_dma source(%dma_start3A_651 : memref<100000x1024xf32, #tpu.memory_space<hbm>>) target(%arg11 : memref<8x1024xf32, #tpu.memory_space<vmem>>) offsets(%dma_start3A_648 : memref<8xi32, #tpu.memory_space<vmem>>) semaphore(%arg26 : memref<!tpu.dma_semaphore, #tpu.memory_space<semaphore_mem>>)
    %dma_start3A_652 = arith.constant 2 : i32
    %dma_start3A_653 = arith.constant 48 : i32
    %dma_start3A_654 = tpu.memref_slice %arg6[%dma_start3A_652, %dma_start3A_653] : memref<4x64xi32, #tpu.memory_space<vmem>> -> memref<1x8xi32, #tpu.memory_space<vmem>>
    %dma_start3A_655 = tpu.memref_squeeze %dma_start3A_654 : memref<1x8xi32, #tpu.memory_space<vmem>> -> memref<8xi32, #tpu.memory_space<vmem>>
    %dma_start3A_656 = arith.constant 0 : i32
    %dma_start3A_657 = arith.constant 0 : i32
    %dma_start3A_658 = tpu.memref_slice %arg3[%dma_start3A_656, %dma_start3A_657] : memref<100000x1024xf32, #tpu.memory_space<hbm>> -> memref<100000x1024xf32, #tpu.memory_space<hbm>>
    tpu.enqueue_indirect_dma source(%dma_start3A_658 : memref<100000x1024xf32, #tpu.memory_space<hbm>>) target(%arg12 : memref<8x1024xf32, #tpu.memory_space<vmem>>) offsets(%dma_start3A_655 : memref<8xi32, #tpu.memory_space<vmem>>) semaphore(%arg26 : memref<!tpu.dma_semaphore, #tpu.memory_space<semaphore_mem>>)
    %dma_start3A_659 = arith.constant 3 : i32
    %dma_start3A_660 = arith.constant 48 : i32
    %dma_start3A_661 = tpu.memref_slice %arg6[%dma_start3A_659, %dma_start3A_660] : memref<4x64xi32, #tpu.memory_space<vmem>> -> memref<1x8xi32, #tpu.memory_space<vmem>>
    %dma_start3A_662 = tpu.memref_squeeze %dma_start3A_661 : memref<1x8xi32, #tpu.memory_space<vmem>> -> memref<8xi32, #tpu.memory_space<vmem>>
    %dma_start3A_663 = arith.constant 0 : i32
    %dma_start3A_664 = arith.constant 0 : i32
    %dma_start3A_665 = tpu.memref_slice %arg3[%dma_start3A_663, %dma_start3A_664] : memref<100000x1024xf32, #tpu.memory_space<hbm>> -> memref<100000x1024xf32, #tpu.memory_space<hbm>>
    tpu.enqueue_indirect_dma source(%dma_start3A_665 : memref<100000x1024xf32, #tpu.memory_space<hbm>>) target(%arg13 : memref<8x1024xf32, #tpu.memory_space<vmem>>) offsets(%dma_start3A_662 : memref<8xi32, #tpu.memory_space<vmem>>) semaphore(%arg26 : memref<!tpu.dma_semaphore, #tpu.memory_space<semaphore_mem>>)
    %dma_wait3A_666 = arith.constant 0 : i32
    %dma_wait3A_667 = tpu.memref_slice %arg4[%add3A_399, %dma_wait3A_666] : memref<2048x1024xf32, #tpu.memory_space<hbm>> -> memref<8x1024xf32, #tpu.memory_space<hbm>>
    %dma_wait3A_668 = arith.constant 0 : i32
    %dma_wait3A_669 = tpu.memref_slice %arg4[%add3A_399, %dma_wait3A_668] : memref<2048x1024xf32, #tpu.memory_space<hbm>> -> memref<8x1024xf32, #tpu.memory_space<hbm>>
    tpu.wait_dma2 semaphore(%arg24 : memref<!tpu.dma_semaphore, #tpu.memory_space<semaphore_mem>>) src(%dma_wait3A_669 : memref<8x1024xf32, #tpu.memory_space<hbm>>) dst(%arg8 : memref<8x1024xf32, #tpu.memory_space<vmem>>)
    %dma_wait3A_670 = arith.constant 0 : i32
    %dma_wait3A_671 = arith.constant 32 : i32
    %dma_wait3A_672 = tpu.memref_slice %arg6[%dma_wait3A_670, %dma_wait3A_671] : memref<4x64xi32, #tpu.memory_space<vmem>> -> memref<1x8xi32, #tpu.memory_space<vmem>>
    %dma_wait3A_673 = tpu.memref_squeeze %dma_wait3A_672 : memref<1x8xi32, #tpu.memory_space<vmem>> -> memref<8xi32, #tpu.memory_space<vmem>>
    %dma_wait3A_674 = arith.constant 0 : i32
    %dma_wait3A_675 = arith.constant 0 : i32
    %dma_wait3A_676 = tpu.memref_slice %arg3[%dma_wait3A_674, %dma_wait3A_675] : memref<100000x1024xf32, #tpu.memory_space<hbm>> -> memref<100000x1024xf32, #tpu.memory_space<hbm>>
    tpu.wait_indirect_dma semaphore(%arg27 : memref<!tpu.dma_semaphore, #tpu.memory_space<semaphore_mem>>) src(%dma_wait3A_676 : memref<100000x1024xf32, #tpu.memory_space<hbm>>) dst(%arg14 : memref<8x1024xf32, #tpu.memory_space<vmem>>)
    %dma_wait3A_677 = arith.constant 1 : i32
    %dma_wait3A_678 = arith.constant 32 : i32
    %dma_wait3A_679 = tpu.memref_slice %arg6[%dma_wait3A_677, %dma_wait3A_678] : memref<4x64xi32, #tpu.memory_space<vmem>> -> memref<1x8xi32, #tpu.memory_space<vmem>>
    %dma_wait3A_680 = tpu.memref_squeeze %dma_wait3A_679 : memref<1x8xi32, #tpu.memory_space<vmem>> -> memref<8xi32, #tpu.memory_space<vmem>>
    %dma_wait3A_681 = arith.constant 0 : i32
    %dma_wait3A_682 = arith.constant 0 : i32
    %dma_wait3A_683 = tpu.memref_slice %arg3[%dma_wait3A_681, %dma_wait3A_682] : memref<100000x1024xf32, #tpu.memory_space<hbm>> -> memref<100000x1024xf32, #tpu.memory_space<hbm>>
    tpu.wait_indirect_dma semaphore(%arg27 : memref<!tpu.dma_semaphore, #tpu.memory_space<semaphore_mem>>) src(%dma_wait3A_683 : memref<100000x1024xf32, #tpu.memory_space<hbm>>) dst(%arg15 : memref<8x1024xf32, #tpu.memory_space<vmem>>)
    %dma_wait3A_684 = arith.constant 2 : i32
    %dma_wait3A_685 = arith.constant 32 : i32
    %dma_wait3A_686 = tpu.memref_slice %arg6[%dma_wait3A_684, %dma_wait3A_685] : memref<4x64xi32, #tpu.memory_space<vmem>> -> memref<1x8xi32, #tpu.memory_space<vmem>>
    %dma_wait3A_687 = tpu.memref_squeeze %dma_wait3A_686 : memref<1x8xi32, #tpu.memory_space<vmem>> -> memref<8xi32, #tpu.memory_space<vmem>>
    %dma_wait3A_688 = arith.constant 0 : i32
    %dma_wait3A_689 = arith.constant 0 : i32
    %dma_wait3A_690 = tpu.memref_slice %arg3[%dma_wait3A_688, %dma_wait3A_689] : memref<100000x1024xf32, #tpu.memory_space<hbm>> -> memref<100000x1024xf32, #tpu.memory_space<hbm>>
    tpu.wait_indirect_dma semaphore(%arg27 : memref<!tpu.dma_semaphore, #tpu.memory_space<semaphore_mem>>) src(%dma_wait3A_690 : memref<100000x1024xf32, #tpu.memory_space<hbm>>) dst(%arg16 : memref<8x1024xf32, #tpu.memory_space<vmem>>)
    %dma_wait3A_691 = arith.constant 3 : i32
    %dma_wait3A_692 = arith.constant 32 : i32
    %dma_wait3A_693 = tpu.memref_slice %arg6[%dma_wait3A_691, %dma_wait3A_692] : memref<4x64xi32, #tpu.memory_space<vmem>> -> memref<1x8xi32, #tpu.memory_space<vmem>>
    %dma_wait3A_694 = tpu.memref_squeeze %dma_wait3A_693 : memref<1x8xi32, #tpu.memory_space<vmem>> -> memref<8xi32, #tpu.memory_space<vmem>>
    %dma_wait3A_695 = arith.constant 0 : i32
    %dma_wait3A_696 = arith.constant 0 : i32
    %dma_wait3A_697 = tpu.memref_slice %arg3[%dma_wait3A_695, %dma_wait3A_696] : memref<100000x1024xf32, #tpu.memory_space<hbm>> -> memref<100000x1024xf32, #tpu.memory_space<hbm>>
    tpu.wait_indirect_dma semaphore(%arg27 : memref<!tpu.dma_semaphore, #tpu.memory_space<semaphore_mem>>) src(%dma_wait3A_697 : memref<100000x1024xf32, #tpu.memory_space<hbm>>) dst(%arg17 : memref<8x1024xf32, #tpu.memory_space<vmem>>)
    %parallel_loop3A_698 = arith.constant 0 : i32
    %parallel_loop3A_699 = arith.constant 512 : i32
    %parallel_loop3A_700 = arith.constant 1 : i32
    scf.for %parallel_loop3A_1032 = %parallel_loop3A_698 to %parallel_loop3A_699 step %parallel_loop3A_700  : i32 {
      %parallel_loop3A_1033 = arith.constant 6 : i32
      %parallel_loop3A_1034 = arith.shrsi %parallel_loop3A_1032, %parallel_loop3A_1033 : i32
      %parallel_loop3A_1035 = arith.constant 63 : i32
      %parallel_loop3A_1036 = arith.andi %parallel_loop3A_1032, %parallel_loop3A_1035 : i32
      %parallel_loop3A_1037 = arith.constant 4 : i32
      %parallel_loop3A_1038 = arith.shli %parallel_loop3A_1036, %parallel_loop3A_1037 : i32
      %parallel_loop3A_1039 = tpu.assume_multiple %parallel_loop3A_1038, 16 : i32
      %parallel_loop3A_1040 = arith.index_cast %parallel_loop3A_1034 : i32 to index
      %parallel_loop3A_1041 = arith.index_cast %parallel_loop3A_1039 : i32 to index
      %parallel_loop3A_1042 = tpu.vector_load %arg8[%parallel_loop3A_1040, %parallel_loop3A_1041] {strides = array<i32>} : memref<8x1024xf32, #tpu.memory_space<vmem>>, vector<1x16xf32>,
      %parallel_loop3A_1043 = vector.shape_cast %parallel_loop3A_1042 : vector<1x16xf32> to vector<16xf32>
      %parallel_loop3A_1044 = arith.index_cast %parallel_loop3A_1034 : i32 to index
      %parallel_loop3A_1045 = arith.index_cast %parallel_loop3A_1039 : i32 to index
      %parallel_loop3A_1046 = tpu.vector_load %arg14[%parallel_loop3A_1044, %parallel_loop3A_1045] {strides = array<i32>} : memref<8x1024xf32, #tpu.memory_space<vmem>>, vector<1x16xf32>,
      %parallel_loop3A_1047 = vector.shape_cast %parallel_loop3A_1046 : vector<1x16xf32> to vector<16xf32>
      %parallel_loop3A_1048 = arith.addf %parallel_loop3A_1047, %parallel_loop3A_1043 : vector<16xf32>
      %parallel_loop3A_1049 = arith.index_cast %parallel_loop3A_1034 : i32 to index
      %parallel_loop3A_1050 = arith.index_cast %parallel_loop3A_1039 : i32 to index
      %parallel_loop3A_1051 = tpu.vector_load %arg14[%parallel_loop3A_1049, %parallel_loop3A_1050] {strides = array<i32>} : memref<8x1024xf32, #tpu.memory_space<vmem>>, vector<1x16xf32>,
      %parallel_loop3A_1052 = vector.shape_cast %parallel_loop3A_1051 : vector<1x16xf32> to vector<16xf32>
      %parallel_loop3A_1053 = vector.shape_cast %parallel_loop3A_1048 : vector<16xf32> to vector<1x16xf32>
      tpu.vector_store %arg14[%parallel_loop3A_1049, %parallel_loop3A_1050], %parallel_loop3A_1053 {strides = array<i32>} : memref<8x1024xf32, #tpu.memory_space<vmem>>, vector<1x16xf32>,
      %parallel_loop3A_1054 = arith.index_cast %parallel_loop3A_1034 : i32 to index
      %parallel_loop3A_1055 = arith.index_cast %parallel_loop3A_1039 : i32 to index
      %parallel_loop3A_1056 = tpu.vector_load %arg15[%parallel_loop3A_1054, %parallel_loop3A_1055] {strides = array<i32>} : memref<8x1024xf32, #tpu.memory_space<vmem>>, vector<1x16xf32>,
      %parallel_loop3A_1057 = vector.shape_cast %parallel_loop3A_1056 : vector<1x16xf32> to vector<16xf32>
      %parallel_loop3A_1058 = arith.addf %parallel_loop3A_1057, %parallel_loop3A_1043 : vector<16xf32>
      %parallel_loop3A_1059 = arith.index_cast %parallel_loop3A_1034 : i32 to index
      %parallel_loop3A_1060 = arith.index_cast %parallel_loop3A_1039 : i32 to index
      %parallel_loop3A_1061 = tpu.vector_load %arg15[%parallel_loop3A_1059, %parallel_loop3A_1060] {strides = array<i32>} : memref<8x1024xf32, #tpu.memory_space<vmem>>, vector<1x16xf32>,
      %parallel_loop3A_1062 = vector.shape_cast %parallel_loop3A_1061 : vector<1x16xf32> to vector<16xf32>
      %parallel_loop3A_1063 = vector.shape_cast %parallel_loop3A_1058 : vector<16xf32> to vector<1x16xf32>
      tpu.vector_store %arg15[%parallel_loop3A_1059, %parallel_loop3A_1060], %parallel_loop3A_1063 {strides = array<i32>} : memref<8x1024xf32, #tpu.memory_space<vmem>>, vector<1x16xf32>,
      %parallel_loop3A_1064 = arith.index_cast %parallel_loop3A_1034 : i32 to index
      %parallel_loop3A_1065 = arith.index_cast %parallel_loop3A_1039 : i32 to index
      %parallel_loop3A_1066 = tpu.vector_load %arg16[%parallel_loop3A_1064, %parallel_loop3A_1065] {strides = array<i32>} : memref<8x1024xf32, #tpu.memory_space<vmem>>, vector<1x16xf32>,
      %parallel_loop3A_1067 = vector.shape_cast %parallel_loop3A_1066 : vector<1x16xf32> to vector<16xf32>
      %parallel_loop3A_1068 = arith.addf %parallel_loop3A_1067, %parallel_loop3A_1043 : vector<16xf32>
      %parallel_loop3A_1069 = arith.index_cast %parallel_loop3A_1034 : i32 to index
      %parallel_loop3A_1070 = arith.index_cast %parallel_loop3A_1039 : i32 to index
      %parallel_loop3A_1071 = tpu.vector_load %arg16[%parallel_loop3A_1069, %parallel_loop3A_1070] {strides = array<i32>} : memref<8x1024xf32, #tpu.memory_space<vmem>>, vector<1x16xf32>,
      %parallel_loop3A_1072 = vector.shape_cast %parallel_loop3A_1071 : vector<1x16xf32> to vector<16xf32>
      %parallel_loop3A_1073 = vector.shape_cast %parallel_loop3A_1068 : vector<16xf32> to vector<1x16xf32>
      tpu.vector_store %arg16[%parallel_loop3A_1069, %parallel_loop3A_1070], %parallel_loop3A_1073 {strides = array<i32>} : memref<8x1024xf32, #tpu.memory_space<vmem>>, vector<1x16xf32>,
      %parallel_loop3A_1074 = arith.index_cast %parallel_loop3A_1034 : i32 to index
      %parallel_loop3A_1075 = arith.index_cast %parallel_loop3A_1039 : i32 to index
      %parallel_loop3A_1076 = tpu.vector_load %arg17[%parallel_loop3A_1074, %parallel_loop3A_1075] {strides = array<i32>} : memref<8x1024xf32, #tpu.memory_space<vmem>>, vector<1x16xf32>,
      %parallel_loop3A_1077 = vector.shape_cast %parallel_loop3A_1076 : vector<1x16xf32> to vector<16xf32>
      %parallel_loop3A_1078 = arith.addf %parallel_loop3A_1077, %parallel_loop3A_1043 : vector<16xf32>
      %parallel_loop3A_1079 = arith.index_cast %parallel_loop3A_1034 : i32 to index
      %parallel_loop3A_1080 = arith.index_cast %parallel_loop3A_1039 : i32 to index
      %parallel_loop3A_1081 = tpu.vector_load %arg17[%parallel_loop3A_1079, %parallel_loop3A_1080] {strides = array<i32>} : memref<8x1024xf32, #tpu.memory_space<vmem>>, vector<1x16xf32>,
      %parallel_loop3A_1082 = vector.shape_cast %parallel_loop3A_1081 : vector<1x16xf32> to vector<16xf32>
      %parallel_loop3A_1083 = vector.shape_cast %parallel_loop3A_1078 : vector<16xf32> to vector<1x16xf32>
      tpu.vector_store %arg17[%parallel_loop3A_1079, %parallel_loop3A_1080], %parallel_loop3A_1083 {strides = array<i32>} : memref<8x1024xf32, #tpu.memory_space<vmem>>, vector<1x16xf32>,
    } {sc.loop_unroll_factor = 2 : i64, sc.parallel_access}
    %add3A_701 = arith.constant 0 : i32
    %add3A_702 = arith.addi %add3A_701, %mul3A_2 : i32
    %add3A_703 = arith.constant 32 : i32
    %add3A_704 = arith.addi %add3A_702, %add3A_703 : i32
    %dma_start3A_705 = arith.constant 0 : i32
    %dma_start3A_706 = tpu.memref_slice %arg5[%add3A_704, %dma_start3A_705] : memref<8192x1024xf32, #tpu.memory_space<hbm>> -> memref<8x1024xf32, #tpu.memory_space<hbm>>
    %dma_start3A_707 = arith.constant 0 : i32
    %dma_start3A_708 = tpu.memref_slice %arg5[%add3A_704, %dma_start3A_707] : memref<8192x1024xf32, #tpu.memory_space<hbm>> -> memref<8x1024xf32, #tpu.memory_space<hbm>>
    tpu.enqueue_dma source(%arg14 : memref<8x1024xf32, #tpu.memory_space<vmem>>) target(%dma_start3A_708 : memref<8x1024xf32, #tpu.memory_space<hbm>>) target_semaphore(%arg30 : memref<!tpu.dma_semaphore, #tpu.memory_space<semaphore_mem>>)
    %add3A_709 = arith.constant 2048 : i32
    %add3A_710 = arith.addi %add3A_709, %mul3A_2 : i32
    %add3A_711 = arith.constant 32 : i32
    %add3A_712 = arith.addi %add3A_710, %add3A_711 : i32
    %dma_start3A_713 = arith.constant 0 : i32
    %dma_start3A_714 = tpu.memref_slice %arg5[%add3A_712, %dma_start3A_713] : memref<8192x1024xf32, #tpu.memory_space<hbm>> -> memref<8x1024xf32, #tpu.memory_space<hbm>>
    %dma_start3A_715 = arith.constant 0 : i32
    %dma_start3A_716 = tpu.memref_slice %arg5[%add3A_712, %dma_start3A_715] : memref<8192x1024xf32, #tpu.memory_space<hbm>> -> memref<8x1024xf32, #tpu.memory_space<hbm>>
    tpu.enqueue_dma source(%arg15 : memref<8x1024xf32, #tpu.memory_space<vmem>>) target(%dma_start3A_716 : memref<8x1024xf32, #tpu.memory_space<hbm>>) target_semaphore(%arg30 : memref<!tpu.dma_semaphore, #tpu.memory_space<semaphore_mem>>)
    %add3A_717 = arith.constant 4096 : i32
    %add3A_718 = arith.addi %add3A_717, %mul3A_2 : i32
    %add3A_719 = arith.constant 32 : i32
    %add3A_720 = arith.addi %add3A_718, %add3A_719 : i32
    %dma_start3A_721 = arith.constant 0 : i32
    %dma_start3A_722 = tpu.memref_slice %arg5[%add3A_720, %dma_start3A_721] : memref<8192x1024xf32, #tpu.memory_space<hbm>> -> memref<8x1024xf32, #tpu.memory_space<hbm>>
    %dma_start3A_723 = arith.constant 0 : i32
    %dma_start3A_724 = tpu.memref_slice %arg5[%add3A_720, %dma_start3A_723] : memref<8192x1024xf32, #tpu.memory_space<hbm>> -> memref<8x1024xf32, #tpu.memory_space<hbm>>
    tpu.enqueue_dma source(%arg16 : memref<8x1024xf32, #tpu.memory_space<vmem>>) target(%dma_start3A_724 : memref<8x1024xf32, #tpu.memory_space<hbm>>) target_semaphore(%arg30 : memref<!tpu.dma_semaphore, #tpu.memory_space<semaphore_mem>>)
    %add3A_725 = arith.constant 6144 : i32
    %add3A_726 = arith.addi %add3A_725, %mul3A_2 : i32
    %add3A_727 = arith.constant 32 : i32
    %add3A_728 = arith.addi %add3A_726, %add3A_727 : i32
    %dma_start3A_729 = arith.constant 0 : i32
    %dma_start3A_730 = tpu.memref_slice %arg5[%add3A_728, %dma_start3A_729] : memref<8192x1024xf32, #tpu.memory_space<hbm>> -> memref<8x1024xf32, #tpu.memory_space<hbm>>
    %dma_start3A_731 = arith.constant 0 : i32
    %dma_start3A_732 = tpu.memref_slice %arg5[%add3A_728, %dma_start3A_731] : memref<8192x1024xf32, #tpu.memory_space<hbm>> -> memref<8x1024xf32, #tpu.memory_space<hbm>>
    tpu.enqueue_dma source(%arg17 : memref<8x1024xf32, #tpu.memory_space<vmem>>) target(%dma_start3A_732 : memref<8x1024xf32, #tpu.memory_space<hbm>>) target_semaphore(%arg30 : memref<!tpu.dma_semaphore, #tpu.memory_space<semaphore_mem>>)
    %dma_wait3A_733 = arith.constant 0 : i32
    %dma_wait3A_734 = tpu.memref_slice %arg5[%add3A_704, %dma_wait3A_733] : memref<8192x1024xf32, #tpu.memory_space<hbm>> -> memref<8x1024xf32, #tpu.memory_space<hbm>>
    %dma_wait3A_735 = arith.constant 0 : i32
    %dma_wait3A_736 = tpu.memref_slice %arg5[%add3A_704, %dma_wait3A_735] : memref<8192x1024xf32, #tpu.memory_space<hbm>> -> memref<8x1024xf32, #tpu.memory_space<hbm>>
    tpu.wait_dma2 semaphore(%arg30 : memref<!tpu.dma_semaphore, #tpu.memory_space<semaphore_mem>>) src(%arg14 : memref<8x1024xf32, #tpu.memory_space<vmem>>) dst(%dma_wait3A_736 : memref<8x1024xf32, #tpu.memory_space<hbm>>)
    %dma_wait3A_737 = arith.constant 0 : i32
    %dma_wait3A_738 = tpu.memref_slice %arg5[%add3A_712, %dma_wait3A_737] : memref<8192x1024xf32, #tpu.memory_space<hbm>> -> memref<8x1024xf32, #tpu.memory_space<hbm>>
    %dma_wait3A_739 = arith.constant 0 : i32
    %dma_wait3A_740 = tpu.memref_slice %arg5[%add3A_712, %dma_wait3A_739] : memref<8192x1024xf32, #tpu.memory_space<hbm>> -> memref<8x1024xf32, #tpu.memory_space<hbm>>
    tpu.wait_dma2 semaphore(%arg30 : memref<!tpu.dma_semaphore, #tpu.memory_space<semaphore_mem>>) src(%arg15 : memref<8x1024xf32, #tpu.memory_space<vmem>>) dst(%dma_wait3A_740 : memref<8x1024xf32, #tpu.memory_space<hbm>>)
    %dma_wait3A_741 = arith.constant 0 : i32
    %dma_wait3A_742 = tpu.memref_slice %arg5[%add3A_720, %dma_wait3A_741] : memref<8192x1024xf32, #tpu.memory_space<hbm>> -> memref<8x1024xf32, #tpu.memory_space<hbm>>
    %dma_wait3A_743 = arith.constant 0 : i32
    %dma_wait3A_744 = tpu.memref_slice %arg5[%add3A_720, %dma_wait3A_743] : memref<8192x1024xf32, #tpu.memory_space<hbm>> -> memref<8x1024xf32, #tpu.memory_space<hbm>>
    tpu.wait_dma2 semaphore(%arg30 : memref<!tpu.dma_semaphore, #tpu.memory_space<semaphore_mem>>) src(%arg16 : memref<8x1024xf32, #tpu.memory_space<vmem>>) dst(%dma_wait3A_744 : memref<8x1024xf32, #tpu.memory_space<hbm>>)
    %dma_wait3A_745 = arith.constant 0 : i32
    %dma_wait3A_746 = tpu.memref_slice %arg5[%add3A_728, %dma_wait3A_745] : memref<8192x1024xf32, #tpu.memory_space<hbm>> -> memref<8x1024xf32, #tpu.memory_space<hbm>>
    %dma_wait3A_747 = arith.constant 0 : i32
    %dma_wait3A_748 = tpu.memref_slice %arg5[%add3A_728, %dma_wait3A_747] : memref<8192x1024xf32, #tpu.memory_space<hbm>> -> memref<8x1024xf32, #tpu.memory_space<hbm>>
    tpu.wait_dma2 semaphore(%arg30 : memref<!tpu.dma_semaphore, #tpu.memory_space<semaphore_mem>>) src(%arg17 : memref<8x1024xf32, #tpu.memory_space<vmem>>) dst(%dma_wait3A_748 : memref<8x1024xf32, #tpu.memory_space<hbm>>)
    %add3A_749 = arith.constant 56 : i32
    %add3A_750 = arith.addi %mul3A_2, %add3A_749 : i32
    %dma_start3A_751 = arith.constant 0 : i32
    %dma_start3A_752 = tpu.memref_slice %arg4[%add3A_750, %dma_start3A_751] : memref<2048x1024xf32, #tpu.memory_space<hbm>> -> memref<8x1024xf32, #tpu.memory_space<hbm>>
    %dma_start3A_753 = arith.constant 0 : i32
    %dma_start3A_754 = tpu.memref_slice %arg4[%add3A_750, %dma_start3A_753] : memref<2048x1024xf32, #tpu.memory_space<hbm>> -> memref<8x1024xf32, #tpu.memory_space<hbm>>
    tpu.enqueue_dma source(%dma_start3A_754 : memref<8x1024xf32, #tpu.memory_space<hbm>>) target(%arg8 : memref<8x1024xf32, #tpu.memory_space<vmem>>) target_semaphore(%arg24 : memref<!tpu.dma_semaphore, #tpu.memory_space<semaphore_mem>>)
    %dma_start3A_755 = arith.constant 0 : i32
    %dma_start3A_756 = arith.constant 56 : i32
    %dma_start3A_757 = tpu.memref_slice %arg6[%dma_start3A_755, %dma_start3A_756] : memref<4x64xi32, #tpu.memory_space<vmem>> -> memref<1x8xi32, #tpu.memory_space<vmem>>
    %dma_start3A_758 = tpu.memref_squeeze %dma_start3A_757 : memref<1x8xi32, #tpu.memory_space<vmem>> -> memref<8xi32, #tpu.memory_space<vmem>>
    %dma_start3A_759 = arith.constant 0 : i32
    %dma_start3A_760 = arith.constant 0 : i32
    %dma_start3A_761 = tpu.memref_slice %arg3[%dma_start3A_759, %dma_start3A_760] : memref<100000x1024xf32, #tpu.memory_space<hbm>> -> memref<100000x1024xf32, #tpu.memory_space<hbm>>
    tpu.enqueue_indirect_dma source(%dma_start3A_761 : memref<100000x1024xf32, #tpu.memory_space<hbm>>) target(%arg14 : memref<8x1024xf32, #tpu.memory_space<vmem>>) offsets(%dma_start3A_758 : memref<8xi32, #tpu.memory_space<vmem>>) semaphore(%arg27 : memref<!tpu.dma_semaphore, #tpu.memory_space<semaphore_mem>>)
    %dma_start3A_762 = arith.constant 1 : i32
    %dma_start3A_763 = arith.constant 56 : i32
    %dma_start3A_764 = tpu.memref_slice %arg6[%dma_start3A_762, %dma_start3A_763] : memref<4x64xi32, #tpu.memory_space<vmem>> -> memref<1x8xi32, #tpu.memory_space<vmem>>
    %dma_start3A_765 = tpu.memref_squeeze %dma_start3A_764 : memref<1x8xi32, #tpu.memory_space<vmem>> -> memref<8xi32, #tpu.memory_space<vmem>>
    %dma_start3A_766 = arith.constant 0 : i32
    %dma_start3A_767 = arith.constant 0 : i32
    %dma_start3A_768 = tpu.memref_slice %arg3[%dma_start3A_766, %dma_start3A_767] : memref<100000x1024xf32, #tpu.memory_space<hbm>> -> memref<100000x1024xf32, #tpu.memory_space<hbm>>
    tpu.enqueue_indirect_dma source(%dma_start3A_768 : memref<100000x1024xf32, #tpu.memory_space<hbm>>) target(%arg15 : memref<8x1024xf32, #tpu.memory_space<vmem>>) offsets(%dma_start3A_765 : memref<8xi32, #tpu.memory_space<vmem>>) semaphore(%arg27 : memref<!tpu.dma_semaphore, #tpu.memory_space<semaphore_mem>>)
    %dma_start3A_769 = arith.constant 2 : i32
    %dma_start3A_770 = arith.constant 56 : i32
    %dma_start3A_771 = tpu.memref_slice %arg6[%dma_start3A_769, %dma_start3A_770] : memref<4x64xi32, #tpu.memory_space<vmem>> -> memref<1x8xi32, #tpu.memory_space<vmem>>
    %dma_start3A_772 = tpu.memref_squeeze %dma_start3A_771 : memref<1x8xi32, #tpu.memory_space<vmem>> -> memref<8xi32, #tpu.memory_space<vmem>>
    %dma_start3A_773 = arith.constant 0 : i32
    %dma_start3A_774 = arith.constant 0 : i32
    %dma_start3A_775 = tpu.memref_slice %arg3[%dma_start3A_773, %dma_start3A_774] : memref<100000x1024xf32, #tpu.memory_space<hbm>> -> memref<100000x1024xf32, #tpu.memory_space<hbm>>
    tpu.enqueue_indirect_dma source(%dma_start3A_775 : memref<100000x1024xf32, #tpu.memory_space<hbm>>) target(%arg16 : memref<8x1024xf32, #tpu.memory_space<vmem>>) offsets(%dma_start3A_772 : memref<8xi32, #tpu.memory_space<vmem>>) semaphore(%arg27 : memref<!tpu.dma_semaphore, #tpu.memory_space<semaphore_mem>>)
    %dma_start3A_776 = arith.constant 3 : i32
    %dma_start3A_777 = arith.constant 56 : i32
    %dma_start3A_778 = tpu.memref_slice %arg6[%dma_start3A_776, %dma_start3A_777] : memref<4x64xi32, #tpu.memory_space<vmem>> -> memref<1x8xi32, #tpu.memory_space<vmem>>
    %dma_start3A_779 = tpu.memref_squeeze %dma_start3A_778 : memref<1x8xi32, #tpu.memory_space<vmem>> -> memref<8xi32, #tpu.memory_space<vmem>>
    %dma_start3A_780 = arith.constant 0 : i32
    %dma_start3A_781 = arith.constant 0 : i32
    %dma_start3A_782 = tpu.memref_slice %arg3[%dma_start3A_780, %dma_start3A_781] : memref<100000x1024xf32, #tpu.memory_space<hbm>> -> memref<100000x1024xf32, #tpu.memory_space<hbm>>
    tpu.enqueue_indirect_dma source(%dma_start3A_782 : memref<100000x1024xf32, #tpu.memory_space<hbm>>) target(%arg17 : memref<8x1024xf32, #tpu.memory_space<vmem>>) offsets(%dma_start3A_779 : memref<8xi32, #tpu.memory_space<vmem>>) semaphore(%arg27 : memref<!tpu.dma_semaphore, #tpu.memory_space<semaphore_mem>>)
    %dma_wait3A_783 = arith.constant 0 : i32
    %dma_wait3A_784 = tpu.memref_slice %arg4[%add3A_516, %dma_wait3A_783] : memref<2048x1024xf32, #tpu.memory_space<hbm>> -> memref<8x1024xf32, #tpu.memory_space<hbm>>
    %dma_wait3A_785 = arith.constant 0 : i32
    %dma_wait3A_786 = tpu.memref_slice %arg4[%add3A_516, %dma_wait3A_785] : memref<2048x1024xf32, #tpu.memory_space<hbm>> -> memref<8x1024xf32, #tpu.memory_space<hbm>>
    tpu.wait_dma2 semaphore(%arg25 : memref<!tpu.dma_semaphore, #tpu.memory_space<semaphore_mem>>) src(%dma_wait3A_786 : memref<8x1024xf32, #tpu.memory_space<hbm>>) dst(%arg9 : memref<8x1024xf32, #tpu.memory_space<vmem>>)
    %dma_wait3A_787 = arith.constant 0 : i32
    %dma_wait3A_788 = arith.constant 40 : i32
    %dma_wait3A_789 = tpu.memref_slice %arg6[%dma_wait3A_787, %dma_wait3A_788] : memref<4x64xi32, #tpu.memory_space<vmem>> -> memref<1x8xi32, #tpu.memory_space<vmem>>
    %dma_wait3A_790 = tpu.memref_squeeze %dma_wait3A_789 : memref<1x8xi32, #tpu.memory_space<vmem>> -> memref<8xi32, #tpu.memory_space<vmem>>
    %dma_wait3A_791 = arith.constant 0 : i32
    %dma_wait3A_792 = arith.constant 0 : i32
    %dma_wait3A_793 = tpu.memref_slice %arg3[%dma_wait3A_791, %dma_wait3A_792] : memref<100000x1024xf32, #tpu.memory_space<hbm>> -> memref<100000x1024xf32, #tpu.memory_space<hbm>>
    tpu.wait_indirect_dma semaphore(%arg28 : memref<!tpu.dma_semaphore, #tpu.memory_space<semaphore_mem>>) src(%dma_wait3A_793 : memref<100000x1024xf32, #tpu.memory_space<hbm>>) dst(%arg18 : memref<8x1024xf32, #tpu.memory_space<vmem>>)
    %dma_wait3A_794 = arith.constant 1 : i32
    %dma_wait3A_795 = arith.constant 40 : i32
    %dma_wait3A_796 = tpu.memref_slice %arg6[%dma_wait3A_794, %dma_wait3A_795] : memref<4x64xi32, #tpu.memory_space<vmem>> -> memref<1x8xi32, #tpu.memory_space<vmem>>
    %dma_wait3A_797 = tpu.memref_squeeze %dma_wait3A_796 : memref<1x8xi32, #tpu.memory_space<vmem>> -> memref<8xi32, #tpu.memory_space<vmem>>
    %dma_wait3A_798 = arith.constant 0 : i32
    %dma_wait3A_799 = arith.constant 0 : i32
    %dma_wait3A_800 = tpu.memref_slice %arg3[%dma_wait3A_798, %dma_wait3A_799] : memref<100000x1024xf32, #tpu.memory_space<hbm>> -> memref<100000x1024xf32, #tpu.memory_space<hbm>>
    tpu.wait_indirect_dma semaphore(%arg28 : memref<!tpu.dma_semaphore, #tpu.memory_space<semaphore_mem>>) src(%dma_wait3A_800 : memref<100000x1024xf32, #tpu.memory_space<hbm>>) dst(%arg19 : memref<8x1024xf32, #tpu.memory_space<vmem>>)
    %dma_wait3A_801 = arith.constant 2 : i32
    %dma_wait3A_802 = arith.constant 40 : i32
    %dma_wait3A_803 = tpu.memref_slice %arg6[%dma_wait3A_801, %dma_wait3A_802] : memref<4x64xi32, #tpu.memory_space<vmem>> -> memref<1x8xi32, #tpu.memory_space<vmem>>
    %dma_wait3A_804 = tpu.memref_squeeze %dma_wait3A_803 : memref<1x8xi32, #tpu.memory_space<vmem>> -> memref<8xi32, #tpu.memory_space<vmem>>
    %dma_wait3A_805 = arith.constant 0 : i32
    %dma_wait3A_806 = arith.constant 0 : i32
    %dma_wait3A_807 = tpu.memref_slice %arg3[%dma_wait3A_805, %dma_wait3A_806] : memref<100000x1024xf32, #tpu.memory_space<hbm>> -> memref<100000x1024xf32, #tpu.memory_space<hbm>>
    tpu.wait_indirect_dma semaphore(%arg28 : memref<!tpu.dma_semaphore, #tpu.memory_space<semaphore_mem>>) src(%dma_wait3A_807 : memref<100000x1024xf32, #tpu.memory_space<hbm>>) dst(%arg20 : memref<8x1024xf32, #tpu.memory_space<vmem>>)
    %dma_wait3A_808 = arith.constant 3 : i32
    %dma_wait3A_809 = arith.constant 40 : i32
    %dma_wait3A_810 = tpu.memref_slice %arg6[%dma_wait3A_808, %dma_wait3A_809] : memref<4x64xi32, #tpu.memory_space<vmem>> -> memref<1x8xi32, #tpu.memory_space<vmem>>
    %dma_wait3A_811 = tpu.memref_squeeze %dma_wait3A_810 : memref<1x8xi32, #tpu.memory_space<vmem>> -> memref<8xi32, #tpu.memory_space<vmem>>
    %dma_wait3A_812 = arith.constant 0 : i32
    %dma_wait3A_813 = arith.constant 0 : i32
    %dma_wait3A_814 = tpu.memref_slice %arg3[%dma_wait3A_812, %dma_wait3A_813] : memref<100000x1024xf32, #tpu.memory_space<hbm>> -> memref<100000x1024xf32, #tpu.memory_space<hbm>>
    tpu.wait_indirect_dma semaphore(%arg28 : memref<!tpu.dma_semaphore, #tpu.memory_space<semaphore_mem>>) src(%dma_wait3A_814 : memref<100000x1024xf32, #tpu.memory_space<hbm>>) dst(%arg21 : memref<8x1024xf32, #tpu.memory_space<vmem>>)
    %parallel_loop3A_815 = arith.constant 0 : i32
    %parallel_loop3A_816 = arith.constant 512 : i32
    %parallel_loop3A_817 = arith.constant 1 : i32
    scf.for %parallel_loop3A_1032 = %parallel_loop3A_815 to %parallel_loop3A_816 step %parallel_loop3A_817  : i32 {
      %parallel_loop3A_1033 = arith.constant 6 : i32
      %parallel_loop3A_1034 = arith.shrsi %parallel_loop3A_1032, %parallel_loop3A_1033 : i32
      %parallel_loop3A_1035 = arith.constant 63 : i32
      %parallel_loop3A_1036 = arith.andi %parallel_loop3A_1032, %parallel_loop3A_1035 : i32
      %parallel_loop3A_1037 = arith.constant 4 : i32
      %parallel_loop3A_1038 = arith.shli %parallel_loop3A_1036, %parallel_loop3A_1037 : i32
      %parallel_loop3A_1039 = tpu.assume_multiple %parallel_loop3A_1038, 16 : i32
      %parallel_loop3A_1040 = arith.index_cast %parallel_loop3A_1034 : i32 to index
      %parallel_loop3A_1041 = arith.index_cast %parallel_loop3A_1039 : i32 to index
      %parallel_loop3A_1042 = tpu.vector_load %arg9[%parallel_loop3A_1040, %parallel_loop3A_1041] {strides = array<i32>} : memref<8x1024xf32, #tpu.memory_space<vmem>>, vector<1x16xf32>,
      %parallel_loop3A_1043 = vector.shape_cast %parallel_loop3A_1042 : vector<1x16xf32> to vector<16xf32>
      %parallel_loop3A_1044 = arith.index_cast %parallel_loop3A_1034 : i32 to index
      %parallel_loop3A_1045 = arith.index_cast %parallel_loop3A_1039 : i32 to index
      %parallel_loop3A_1046 = tpu.vector_load %arg18[%parallel_loop3A_1044, %parallel_loop3A_1045] {strides = array<i32>} : memref<8x1024xf32, #tpu.memory_space<vmem>>, vector<1x16xf32>,
      %parallel_loop3A_1047 = vector.shape_cast %parallel_loop3A_1046 : vector<1x16xf32> to vector<16xf32>
      %parallel_loop3A_1048 = arith.addf %parallel_loop3A_1047, %parallel_loop3A_1043 : vector<16xf32>
      %parallel_loop3A_1049 = arith.index_cast %parallel_loop3A_1034 : i32 to index
      %parallel_loop3A_1050 = arith.index_cast %parallel_loop3A_1039 : i32 to index
      %parallel_loop3A_1051 = tpu.vector_load %arg18[%parallel_loop3A_1049, %parallel_loop3A_1050] {strides = array<i32>} : memref<8x1024xf32, #tpu.memory_space<vmem>>, vector<1x16xf32>,
      %parallel_loop3A_1052 = vector.shape_cast %parallel_loop3A_1051 : vector<1x16xf32> to vector<16xf32>
      %parallel_loop3A_1053 = vector.shape_cast %parallel_loop3A_1048 : vector<16xf32> to vector<1x16xf32>
      tpu.vector_store %arg18[%parallel_loop3A_1049, %parallel_loop3A_1050], %parallel_loop3A_1053 {strides = array<i32>} : memref<8x1024xf32, #tpu.memory_space<vmem>>, vector<1x16xf32>,
      %parallel_loop3A_1054 = arith.index_cast %parallel_loop3A_1034 : i32 to index
      %parallel_loop3A_1055 = arith.index_cast %parallel_loop3A_1039 : i32 to index
      %parallel_loop3A_1056 = tpu.vector_load %arg19[%parallel_loop3A_1054, %parallel_loop3A_1055] {strides = array<i32>} : memref<8x1024xf32, #tpu.memory_space<vmem>>, vector<1x16xf32>,
      %parallel_loop3A_1057 = vector.shape_cast %parallel_loop3A_1056 : vector<1x16xf32> to vector<16xf32>
      %parallel_loop3A_1058 = arith.addf %parallel_loop3A_1057, %parallel_loop3A_1043 : vector<16xf32>
      %parallel_loop3A_1059 = arith.index_cast %parallel_loop3A_1034 : i32 to index
      %parallel_loop3A_1060 = arith.index_cast %parallel_loop3A_1039 : i32 to index
      %parallel_loop3A_1061 = tpu.vector_load %arg19[%parallel_loop3A_1059, %parallel_loop3A_1060] {strides = array<i32>} : memref<8x1024xf32, #tpu.memory_space<vmem>>, vector<1x16xf32>,
      %parallel_loop3A_1062 = vector.shape_cast %parallel_loop3A_1061 : vector<1x16xf32> to vector<16xf32>
      %parallel_loop3A_1063 = vector.shape_cast %parallel_loop3A_1058 : vector<16xf32> to vector<1x16xf32>
      tpu.vector_store %arg19[%parallel_loop3A_1059, %parallel_loop3A_1060], %parallel_loop3A_1063 {strides = array<i32>} : memref<8x1024xf32, #tpu.memory_space<vmem>>, vector<1x16xf32>,
      %parallel_loop3A_1064 = arith.index_cast %parallel_loop3A_1034 : i32 to index
      %parallel_loop3A_1065 = arith.index_cast %parallel_loop3A_1039 : i32 to index
      %parallel_loop3A_1066 = tpu.vector_load %arg20[%parallel_loop3A_1064, %parallel_loop3A_1065] {strides = array<i32>} : memref<8x1024xf32, #tpu.memory_space<vmem>>, vector<1x16xf32>,
      %parallel_loop3A_1067 = vector.shape_cast %parallel_loop3A_1066 : vector<1x16xf32> to vector<16xf32>
      %parallel_loop3A_1068 = arith.addf %parallel_loop3A_1067, %parallel_loop3A_1043 : vector<16xf32>
      %parallel_loop3A_1069 = arith.index_cast %parallel_loop3A_1034 : i32 to index
      %parallel_loop3A_1070 = arith.index_cast %parallel_loop3A_1039 : i32 to index
      %parallel_loop3A_1071 = tpu.vector_load %arg20[%parallel_loop3A_1069, %parallel_loop3A_1070] {strides = array<i32>} : memref<8x1024xf32, #tpu.memory_space<vmem>>, vector<1x16xf32>,
      %parallel_loop3A_1072 = vector.shape_cast %parallel_loop3A_1071 : vector<1x16xf32> to vector<16xf32>
      %parallel_loop3A_1073 = vector.shape_cast %parallel_loop3A_1068 : vector<16xf32> to vector<1x16xf32>
      tpu.vector_store %arg20[%parallel_loop3A_1069, %parallel_loop3A_1070], %parallel_loop3A_1073 {strides = array<i32>} : memref<8x1024xf32, #tpu.memory_space<vmem>>, vector<1x16xf32>,
      %parallel_loop3A_1074 = arith.index_cast %parallel_loop3A_1034 : i32 to index
      %parallel_loop3A_1075 = arith.index_cast %parallel_loop3A_1039 : i32 to index
      %parallel_loop3A_1076 = tpu.vector_load %arg21[%parallel_loop3A_1074, %parallel_loop3A_1075] {strides = array<i32>} : memref<8x1024xf32, #tpu.memory_space<vmem>>, vector<1x16xf32>,
      %parallel_loop3A_1077 = vector.shape_cast %parallel_loop3A_1076 : vector<1x16xf32> to vector<16xf32>
      %parallel_loop3A_1078 = arith.addf %parallel_loop3A_1077, %parallel_loop3A_1043 : vector<16xf32>
      %parallel_loop3A_1079 = arith.index_cast %parallel_loop3A_1034 : i32 to index
      %parallel_loop3A_1080 = arith.index_cast %parallel_loop3A_1039 : i32 to index
      %parallel_loop3A_1081 = tpu.vector_load %arg21[%parallel_loop3A_1079, %parallel_loop3A_1080] {strides = array<i32>} : memref<8x1024xf32, #tpu.memory_space<vmem>>, vector<1x16xf32>,
      %parallel_loop3A_1082 = vector.shape_cast %parallel_loop3A_1081 : vector<1x16xf32> to vector<16xf32>
      %parallel_loop3A_1083 = vector.shape_cast %parallel_loop3A_1078 : vector<16xf32> to vector<1x16xf32>
      tpu.vector_store %arg21[%parallel_loop3A_1079, %parallel_loop3A_1080], %parallel_loop3A_1083 {strides = array<i32>} : memref<8x1024xf32, #tpu.memory_space<vmem>>, vector<1x16xf32>,
    } {sc.loop_unroll_factor = 2 : i64, sc.parallel_access}
    %add3A_818 = arith.constant 0 : i32
    %add3A_819 = arith.addi %add3A_818, %mul3A_2 : i32
    %add3A_820 = arith.constant 40 : i32
    %add3A_821 = arith.addi %add3A_819, %add3A_820 : i32
    %dma_start3A_822 = arith.constant 0 : i32
    %dma_start3A_823 = tpu.memref_slice %arg5[%add3A_821, %dma_start3A_822] : memref<8192x1024xf32, #tpu.memory_space<hbm>> -> memref<8x1024xf32, #tpu.memory_space<hbm>>
    %dma_start3A_824 = arith.constant 0 : i32
    %dma_start3A_825 = tpu.memref_slice %arg5[%add3A_821, %dma_start3A_824] : memref<8192x1024xf32, #tpu.memory_space<hbm>> -> memref<8x1024xf32, #tpu.memory_space<hbm>>
    tpu.enqueue_dma source(%arg18 : memref<8x1024xf32, #tpu.memory_space<vmem>>) target(%dma_start3A_825 : memref<8x1024xf32, #tpu.memory_space<hbm>>) target_semaphore(%arg31 : memref<!tpu.dma_semaphore, #tpu.memory_space<semaphore_mem>>)
    %add3A_826 = arith.constant 2048 : i32
    %add3A_827 = arith.addi %add3A_826, %mul3A_2 : i32
    %add3A_828 = arith.constant 40 : i32
    %add3A_829 = arith.addi %add3A_827, %add3A_828 : i32
    %dma_start3A_830 = arith.constant 0 : i32
    %dma_start3A_831 = tpu.memref_slice %arg5[%add3A_829, %dma_start3A_830] : memref<8192x1024xf32, #tpu.memory_space<hbm>> -> memref<8x1024xf32, #tpu.memory_space<hbm>>
    %dma_start3A_832 = arith.constant 0 : i32
    %dma_start3A_833 = tpu.memref_slice %arg5[%add3A_829, %dma_start3A_832] : memref<8192x1024xf32, #tpu.memory_space<hbm>> -> memref<8x1024xf32, #tpu.memory_space<hbm>>
    tpu.enqueue_dma source(%arg19 : memref<8x1024xf32, #tpu.memory_space<vmem>>) target(%dma_start3A_833 : memref<8x1024xf32, #tpu.memory_space<hbm>>) target_semaphore(%arg31 : memref<!tpu.dma_semaphore, #tpu.memory_space<semaphore_mem>>)
    %add3A_834 = arith.constant 4096 : i32
    %add3A_835 = arith.addi %add3A_834, %mul3A_2 : i32
    %add3A_836 = arith.constant 40 : i32
    %add3A_837 = arith.addi %add3A_835, %add3A_836 : i32
    %dma_start3A_838 = arith.constant 0 : i32
    %dma_start3A_839 = tpu.memref_slice %arg5[%add3A_837, %dma_start3A_838] : memref<8192x1024xf32, #tpu.memory_space<hbm>> -> memref<8x1024xf32, #tpu.memory_space<hbm>>
    %dma_start3A_840 = arith.constant 0 : i32
    %dma_start3A_841 = tpu.memref_slice %arg5[%add3A_837, %dma_start3A_840] : memref<8192x1024xf32, #tpu.memory_space<hbm>> -> memref<8x1024xf32, #tpu.memory_space<hbm>>
    tpu.enqueue_dma source(%arg20 : memref<8x1024xf32, #tpu.memory_space<vmem>>) target(%dma_start3A_841 : memref<8x1024xf32, #tpu.memory_space<hbm>>) target_semaphore(%arg31 : memref<!tpu.dma_semaphore, #tpu.memory_space<semaphore_mem>>)
    %add3A_842 = arith.constant 6144 : i32
    %add3A_843 = arith.addi %add3A_842, %mul3A_2 : i32
    %add3A_844 = arith.constant 40 : i32
    %add3A_845 = arith.addi %add3A_843, %add3A_844 : i32
    %dma_start3A_846 = arith.constant 0 : i32
    %dma_start3A_847 = tpu.memref_slice %arg5[%add3A_845, %dma_start3A_846] : memref<8192x1024xf32, #tpu.memory_space<hbm>> -> memref<8x1024xf32, #tpu.memory_space<hbm>>
    %dma_start3A_848 = arith.constant 0 : i32
    %dma_start3A_849 = tpu.memref_slice %arg5[%add3A_845, %dma_start3A_848] : memref<8192x1024xf32, #tpu.memory_space<hbm>> -> memref<8x1024xf32, #tpu.memory_space<hbm>>
    tpu.enqueue_dma source(%arg21 : memref<8x1024xf32, #tpu.memory_space<vmem>>) target(%dma_start3A_849 : memref<8x1024xf32, #tpu.memory_space<hbm>>) target_semaphore(%arg31 : memref<!tpu.dma_semaphore, #tpu.memory_space<semaphore_mem>>)
    %dma_wait3A_850 = arith.constant 0 : i32
    %dma_wait3A_851 = tpu.memref_slice %arg4[%add3A_633, %dma_wait3A_850] : memref<2048x1024xf32, #tpu.memory_space<hbm>> -> memref<8x1024xf32, #tpu.memory_space<hbm>>
    %dma_wait3A_852 = arith.constant 0 : i32
    %dma_wait3A_853 = tpu.memref_slice %arg4[%add3A_633, %dma_wait3A_852] : memref<2048x1024xf32, #tpu.memory_space<hbm>> -> memref<8x1024xf32, #tpu.memory_space<hbm>>
    tpu.wait_dma2 semaphore(%arg23 : memref<!tpu.dma_semaphore, #tpu.memory_space<semaphore_mem>>) src(%dma_wait3A_853 : memref<8x1024xf32, #tpu.memory_space<hbm>>) dst(%arg7 : memref<8x1024xf32, #tpu.memory_space<vmem>>)
    %dma_wait3A_854 = arith.constant 0 : i32
    %dma_wait3A_855 = arith.constant 48 : i32
    %dma_wait3A_856 = tpu.memref_slice %arg6[%dma_wait3A_854, %dma_wait3A_855] : memref<4x64xi32, #tpu.memory_space<vmem>> -> memref<1x8xi32, #tpu.memory_space<vmem>>
    %dma_wait3A_857 = tpu.memref_squeeze %dma_wait3A_856 : memref<1x8xi32, #tpu.memory_space<vmem>> -> memref<8xi32, #tpu.memory_space<vmem>>
    %dma_wait3A_858 = arith.constant 0 : i32
    %dma_wait3A_859 = arith.constant 0 : i32
    %dma_wait3A_860 = tpu.memref_slice %arg3[%dma_wait3A_858, %dma_wait3A_859] : memref<100000x1024xf32, #tpu.memory_space<hbm>> -> memref<100000x1024xf32, #tpu.memory_space<hbm>>
    tpu.wait_indirect_dma semaphore(%arg26 : memref<!tpu.dma_semaphore, #tpu.memory_space<semaphore_mem>>) src(%dma_wait3A_860 : memref<100000x1024xf32, #tpu.memory_space<hbm>>) dst(%arg10 : memref<8x1024xf32, #tpu.memory_space<vmem>>)
    %dma_wait3A_861 = arith.constant 1 : i32
    %dma_wait3A_862 = arith.constant 48 : i32
    %dma_wait3A_863 = tpu.memref_slice %arg6[%dma_wait3A_861, %dma_wait3A_862] : memref<4x64xi32, #tpu.memory_space<vmem>> -> memref<1x8xi32, #tpu.memory_space<vmem>>
    %dma_wait3A_864 = tpu.memref_squeeze %dma_wait3A_863 : memref<1x8xi32, #tpu.memory_space<vmem>> -> memref<8xi32, #tpu.memory_space<vmem>>
    %dma_wait3A_865 = arith.constant 0 : i32
    %dma_wait3A_866 = arith.constant 0 : i32
    %dma_wait3A_867 = tpu.memref_slice %arg3[%dma_wait3A_865, %dma_wait3A_866] : memref<100000x1024xf32, #tpu.memory_space<hbm>> -> memref<100000x1024xf32, #tpu.memory_space<hbm>>
    tpu.wait_indirect_dma semaphore(%arg26 : memref<!tpu.dma_semaphore, #tpu.memory_space<semaphore_mem>>) src(%dma_wait3A_867 : memref<100000x1024xf32, #tpu.memory_space<hbm>>) dst(%arg11 : memref<8x1024xf32, #tpu.memory_space<vmem>>)
    %dma_wait3A_868 = arith.constant 2 : i32
    %dma_wait3A_869 = arith.constant 48 : i32
    %dma_wait3A_870 = tpu.memref_slice %arg6[%dma_wait3A_868, %dma_wait3A_869] : memref<4x64xi32, #tpu.memory_space<vmem>> -> memref<1x8xi32, #tpu.memory_space<vmem>>
    %dma_wait3A_871 = tpu.memref_squeeze %dma_wait3A_870 : memref<1x8xi32, #tpu.memory_space<vmem>> -> memref<8xi32, #tpu.memory_space<vmem>>
    %dma_wait3A_872 = arith.constant 0 : i32
    %dma_wait3A_873 = arith.constant 0 : i32
    %dma_wait3A_874 = tpu.memref_slice %arg3[%dma_wait3A_872, %dma_wait3A_873] : memref<100000x1024xf32, #tpu.memory_space<hbm>> -> memref<100000x1024xf32, #tpu.memory_space<hbm>>
    tpu.wait_indirect_dma semaphore(%arg26 : memref<!tpu.dma_semaphore, #tpu.memory_space<semaphore_mem>>) src(%dma_wait3A_874 : memref<100000x1024xf32, #tpu.memory_space<hbm>>) dst(%arg12 : memref<8x1024xf32, #tpu.memory_space<vmem>>)
    %dma_wait3A_875 = arith.constant 3 : i32
    %dma_wait3A_876 = arith.constant 48 : i32
    %dma_wait3A_877 = tpu.memref_slice %arg6[%dma_wait3A_875, %dma_wait3A_876] : memref<4x64xi32, #tpu.memory_space<vmem>> -> memref<1x8xi32, #tpu.memory_space<vmem>>
    %dma_wait3A_878 = tpu.memref_squeeze %dma_wait3A_877 : memref<1x8xi32, #tpu.memory_space<vmem>> -> memref<8xi32, #tpu.memory_space<vmem>>
    %dma_wait3A_879 = arith.constant 0 : i32
    %dma_wait3A_880 = arith.constant 0 : i32
    %dma_wait3A_881 = tpu.memref_slice %arg3[%dma_wait3A_879, %dma_wait3A_880] : memref<100000x1024xf32, #tpu.memory_space<hbm>> -> memref<100000x1024xf32, #tpu.memory_space<hbm>>
    tpu.wait_indirect_dma semaphore(%arg26 : memref<!tpu.dma_semaphore, #tpu.memory_space<semaphore_mem>>) src(%dma_wait3A_881 : memref<100000x1024xf32, #tpu.memory_space<hbm>>) dst(%arg13 : memref<8x1024xf32, #tpu.memory_space<vmem>>)
    %parallel_loop3A_882 = arith.constant 0 : i32
    %parallel_loop3A_883 = arith.constant 512 : i32
    %parallel_loop3A_884 = arith.constant 1 : i32
    scf.for %parallel_loop3A_1032 = %parallel_loop3A_882 to %parallel_loop3A_883 step %parallel_loop3A_884  : i32 {
      %parallel_loop3A_1033 = arith.constant 6 : i32
      %parallel_loop3A_1034 = arith.shrsi %parallel_loop3A_1032, %parallel_loop3A_1033 : i32
      %parallel_loop3A_1035 = arith.constant 63 : i32
      %parallel_loop3A_1036 = arith.andi %parallel_loop3A_1032, %parallel_loop3A_1035 : i32
      %parallel_loop3A_1037 = arith.constant 4 : i32
      %parallel_loop3A_1038 = arith.shli %parallel_loop3A_1036, %parallel_loop3A_1037 : i32
      %parallel_loop3A_1039 = tpu.assume_multiple %parallel_loop3A_1038, 16 : i32
      %parallel_loop3A_1040 = arith.index_cast %parallel_loop3A_1034 : i32 to index
      %parallel_loop3A_1041 = arith.index_cast %parallel_loop3A_1039 : i32 to index
      %parallel_loop3A_1042 = tpu.vector_load %arg7[%parallel_loop3A_1040, %parallel_loop3A_1041] {strides = array<i32>} : memref<8x1024xf32, #tpu.memory_space<vmem>>, vector<1x16xf32>,
      %parallel_loop3A_1043 = vector.shape_cast %parallel_loop3A_1042 : vector<1x16xf32> to vector<16xf32>
      %parallel_loop3A_1044 = arith.index_cast %parallel_loop3A_1034 : i32 to index
      %parallel_loop3A_1045 = arith.index_cast %parallel_loop3A_1039 : i32 to index
      %parallel_loop3A_1046 = tpu.vector_load %arg10[%parallel_loop3A_1044, %parallel_loop3A_1045] {strides = array<i32>} : memref<8x1024xf32, #tpu.memory_space<vmem>>, vector<1x16xf32>,
      %parallel_loop3A_1047 = vector.shape_cast %parallel_loop3A_1046 : vector<1x16xf32> to vector<16xf32>
      %parallel_loop3A_1048 = arith.addf %parallel_loop3A_1047, %parallel_loop3A_1043 : vector<16xf32>
      %parallel_loop3A_1049 = arith.index_cast %parallel_loop3A_1034 : i32 to index
      %parallel_loop3A_1050 = arith.index_cast %parallel_loop3A_1039 : i32 to index
      %parallel_loop3A_1051 = tpu.vector_load %arg10[%parallel_loop3A_1049, %parallel_loop3A_1050] {strides = array<i32>} : memref<8x1024xf32, #tpu.memory_space<vmem>>, vector<1x16xf32>,
      %parallel_loop3A_1052 = vector.shape_cast %parallel_loop3A_1051 : vector<1x16xf32> to vector<16xf32>
      %parallel_loop3A_1053 = vector.shape_cast %parallel_loop3A_1048 : vector<16xf32> to vector<1x16xf32>
      tpu.vector_store %arg10[%parallel_loop3A_1049, %parallel_loop3A_1050], %parallel_loop3A_1053 {strides = array<i32>} : memref<8x1024xf32, #tpu.memory_space<vmem>>, vector<1x16xf32>,
      %parallel_loop3A_1054 = arith.index_cast %parallel_loop3A_1034 : i32 to index
      %parallel_loop3A_1055 = arith.index_cast %parallel_loop3A_1039 : i32 to index
      %parallel_loop3A_1056 = tpu.vector_load %arg11[%parallel_loop3A_1054, %parallel_loop3A_1055] {strides = array<i32>} : memref<8x1024xf32, #tpu.memory_space<vmem>>, vector<1x16xf32>,
      %parallel_loop3A_1057 = vector.shape_cast %parallel_loop3A_1056 : vector<1x16xf32> to vector<16xf32>
      %parallel_loop3A_1058 = arith.addf %parallel_loop3A_1057, %parallel_loop3A_1043 : vector<16xf32>
      %parallel_loop3A_1059 = arith.index_cast %parallel_loop3A_1034 : i32 to index
      %parallel_loop3A_1060 = arith.index_cast %parallel_loop3A_1039 : i32 to index
      %parallel_loop3A_1061 = tpu.vector_load %arg11[%parallel_loop3A_1059, %parallel_loop3A_1060] {strides = array<i32>} : memref<8x1024xf32, #tpu.memory_space<vmem>>, vector<1x16xf32>,
      %parallel_loop3A_1062 = vector.shape_cast %parallel_loop3A_1061 : vector<1x16xf32> to vector<16xf32>
      %parallel_loop3A_1063 = vector.shape_cast %parallel_loop3A_1058 : vector<16xf32> to vector<1x16xf32>
      tpu.vector_store %arg11[%parallel_loop3A_1059, %parallel_loop3A_1060], %parallel_loop3A_1063 {strides = array<i32>} : memref<8x1024xf32, #tpu.memory_space<vmem>>, vector<1x16xf32>,
      %parallel_loop3A_1064 = arith.index_cast %parallel_loop3A_1034 : i32 to index
      %parallel_loop3A_1065 = arith.index_cast %parallel_loop3A_1039 : i32 to index
      %parallel_loop3A_1066 = tpu.vector_load %arg12[%parallel_loop3A_1064, %parallel_loop3A_1065] {strides = array<i32>} : memref<8x1024xf32, #tpu.memory_space<vmem>>, vector<1x16xf32>,
      %parallel_loop3A_1067 = vector.shape_cast %parallel_loop3A_1066 : vector<1x16xf32> to vector<16xf32>
      %parallel_loop3A_1068 = arith.addf %parallel_loop3A_1067, %parallel_loop3A_1043 : vector<16xf32>
      %parallel_loop3A_1069 = arith.index_cast %parallel_loop3A_1034 : i32 to index
      %parallel_loop3A_1070 = arith.index_cast %parallel_loop3A_1039 : i32 to index
      %parallel_loop3A_1071 = tpu.vector_load %arg12[%parallel_loop3A_1069, %parallel_loop3A_1070] {strides = array<i32>} : memref<8x1024xf32, #tpu.memory_space<vmem>>, vector<1x16xf32>,
      %parallel_loop3A_1072 = vector.shape_cast %parallel_loop3A_1071 : vector<1x16xf32> to vector<16xf32>
      %parallel_loop3A_1073 = vector.shape_cast %parallel_loop3A_1068 : vector<16xf32> to vector<1x16xf32>
      tpu.vector_store %arg12[%parallel_loop3A_1069, %parallel_loop3A_1070], %parallel_loop3A_1073 {strides = array<i32>} : memref<8x1024xf32, #tpu.memory_space<vmem>>, vector<1x16xf32>,
      %parallel_loop3A_1074 = arith.index_cast %parallel_loop3A_1034 : i32 to index
      %parallel_loop3A_1075 = arith.index_cast %parallel_loop3A_1039 : i32 to index
      %parallel_loop3A_1076 = tpu.vector_load %arg13[%parallel_loop3A_1074, %parallel_loop3A_1075] {strides = array<i32>} : memref<8x1024xf32, #tpu.memory_space<vmem>>, vector<1x16xf32>,
      %parallel_loop3A_1077 = vector.shape_cast %parallel_loop3A_1076 : vector<1x16xf32> to vector<16xf32>
      %parallel_loop3A_1078 = arith.addf %parallel_loop3A_1077, %parallel_loop3A_1043 : vector<16xf32>
      %parallel_loop3A_1079 = arith.index_cast %parallel_loop3A_1034 : i32 to index
      %parallel_loop3A_1080 = arith.index_cast %parallel_loop3A_1039 : i32 to index
      %parallel_loop3A_1081 = tpu.vector_load %arg13[%parallel_loop3A_1079, %parallel_loop3A_1080] {strides = array<i32>} : memref<8x1024xf32, #tpu.memory_space<vmem>>, vector<1x16xf32>,
      %parallel_loop3A_1082 = vector.shape_cast %parallel_loop3A_1081 : vector<1x16xf32> to vector<16xf32>
      %parallel_loop3A_1083 = vector.shape_cast %parallel_loop3A_1078 : vector<16xf32> to vector<1x16xf32>
      tpu.vector_store %arg13[%parallel_loop3A_1079, %parallel_loop3A_1080], %parallel_loop3A_1083 {strides = array<i32>} : memref<8x1024xf32, #tpu.memory_space<vmem>>, vector<1x16xf32>,
    } {sc.loop_unroll_factor = 2 : i64, sc.parallel_access}
    %add3A_885 = arith.constant 0 : i32
    %add3A_886 = arith.addi %add3A_885, %mul3A_2 : i32
    %add3A_887 = arith.constant 48 : i32
    %add3A_888 = arith.addi %add3A_886, %add3A_887 : i32
    %dma_start3A_889 = arith.constant 0 : i32
    %dma_start3A_890 = tpu.memref_slice %arg5[%add3A_888, %dma_start3A_889] : memref<8192x1024xf32, #tpu.memory_space<hbm>> -> memref<8x1024xf32, #tpu.memory_space<hbm>>
    %dma_start3A_891 = arith.constant 0 : i32
    %dma_start3A_892 = tpu.memref_slice %arg5[%add3A_888, %dma_start3A_891] : memref<8192x1024xf32, #tpu.memory_space<hbm>> -> memref<8x1024xf32, #tpu.memory_space<hbm>>
    tpu.enqueue_dma source(%arg10 : memref<8x1024xf32, #tpu.memory_space<vmem>>) target(%dma_start3A_892 : memref<8x1024xf32, #tpu.memory_space<hbm>>) target_semaphore(%arg29 : memref<!tpu.dma_semaphore, #tpu.memory_space<semaphore_mem>>)
    %add3A_893 = arith.constant 2048 : i32
    %add3A_894 = arith.addi %add3A_893, %mul3A_2 : i32
    %add3A_895 = arith.constant 48 : i32
    %add3A_896 = arith.addi %add3A_894, %add3A_895 : i32
    %dma_start3A_897 = arith.constant 0 : i32
    %dma_start3A_898 = tpu.memref_slice %arg5[%add3A_896, %dma_start3A_897] : memref<8192x1024xf32, #tpu.memory_space<hbm>> -> memref<8x1024xf32, #tpu.memory_space<hbm>>
    %dma_start3A_899 = arith.constant 0 : i32
    %dma_start3A_900 = tpu.memref_slice %arg5[%add3A_896, %dma_start3A_899] : memref<8192x1024xf32, #tpu.memory_space<hbm>> -> memref<8x1024xf32, #tpu.memory_space<hbm>>
    tpu.enqueue_dma source(%arg11 : memref<8x1024xf32, #tpu.memory_space<vmem>>) target(%dma_start3A_900 : memref<8x1024xf32, #tpu.memory_space<hbm>>) target_semaphore(%arg29 : memref<!tpu.dma_semaphore, #tpu.memory_space<semaphore_mem>>)
    %add3A_901 = arith.constant 4096 : i32
    %add3A_902 = arith.addi %add3A_901, %mul3A_2 : i32
    %add3A_903 = arith.constant 48 : i32
    %add3A_904 = arith.addi %add3A_902, %add3A_903 : i32
    %dma_start3A_905 = arith.constant 0 : i32
    %dma_start3A_906 = tpu.memref_slice %arg5[%add3A_904, %dma_start3A_905] : memref<8192x1024xf32, #tpu.memory_space<hbm>> -> memref<8x1024xf32, #tpu.memory_space<hbm>>
    %dma_start3A_907 = arith.constant 0 : i32
    %dma_start3A_908 = tpu.memref_slice %arg5[%add3A_904, %dma_start3A_907] : memref<8192x1024xf32, #tpu.memory_space<hbm>> -> memref<8x1024xf32, #tpu.memory_space<hbm>>
    tpu.enqueue_dma source(%arg12 : memref<8x1024xf32, #tpu.memory_space<vmem>>) target(%dma_start3A_908 : memref<8x1024xf32, #tpu.memory_space<hbm>>) target_semaphore(%arg29 : memref<!tpu.dma_semaphore, #tpu.memory_space<semaphore_mem>>)
    %add3A_909 = arith.constant 6144 : i32
    %add3A_910 = arith.addi %add3A_909, %mul3A_2 : i32
    %add3A_911 = arith.constant 48 : i32
    %add3A_912 = arith.addi %add3A_910, %add3A_911 : i32
    %dma_start3A_913 = arith.constant 0 : i32
    %dma_start3A_914 = tpu.memref_slice %arg5[%add3A_912, %dma_start3A_913] : memref<8192x1024xf32, #tpu.memory_space<hbm>> -> memref<8x1024xf32, #tpu.memory_space<hbm>>
    %dma_start3A_915 = arith.constant 0 : i32
    %dma_start3A_916 = tpu.memref_slice %arg5[%add3A_912, %dma_start3A_915] : memref<8192x1024xf32, #tpu.memory_space<hbm>> -> memref<8x1024xf32, #tpu.memory_space<hbm>>
    tpu.enqueue_dma source(%arg13 : memref<8x1024xf32, #tpu.memory_space<vmem>>) target(%dma_start3A_916 : memref<8x1024xf32, #tpu.memory_space<hbm>>) target_semaphore(%arg29 : memref<!tpu.dma_semaphore, #tpu.memory_space<semaphore_mem>>)
    %dma_wait3A_917 = arith.constant 0 : i32
    %dma_wait3A_918 = tpu.memref_slice %arg4[%add3A_750, %dma_wait3A_917] : memref<2048x1024xf32, #tpu.memory_space<hbm>> -> memref<8x1024xf32, #tpu.memory_space<hbm>>
    %dma_wait3A_919 = arith.constant 0 : i32
    %dma_wait3A_920 = tpu.memref_slice %arg4[%add3A_750, %dma_wait3A_919] : memref<2048x1024xf32, #tpu.memory_space<hbm>> -> memref<8x1024xf32, #tpu.memory_space<hbm>>
    tpu.wait_dma2 semaphore(%arg24 : memref<!tpu.dma_semaphore, #tpu.memory_space<semaphore_mem>>) src(%dma_wait3A_920 : memref<8x1024xf32, #tpu.memory_space<hbm>>) dst(%arg8 : memref<8x1024xf32, #tpu.memory_space<vmem>>)
    %dma_wait3A_921 = arith.constant 0 : i32
    %dma_wait3A_922 = arith.constant 56 : i32
    %dma_wait3A_923 = tpu.memref_slice %arg6[%dma_wait3A_921, %dma_wait3A_922] : memref<4x64xi32, #tpu.memory_space<vmem>> -> memref<1x8xi32, #tpu.memory_space<vmem>>
    %dma_wait3A_924 = tpu.memref_squeeze %dma_wait3A_923 : memref<1x8xi32, #tpu.memory_space<vmem>> -> memref<8xi32, #tpu.memory_space<vmem>>
    %dma_wait3A_925 = arith.constant 0 : i32
    %dma_wait3A_926 = arith.constant 0 : i32
    %dma_wait3A_927 = tpu.memref_slice %arg3[%dma_wait3A_925, %dma_wait3A_926] : memref<100000x1024xf32, #tpu.memory_space<hbm>> -> memref<100000x1024xf32, #tpu.memory_space<hbm>>
    tpu.wait_indirect_dma semaphore(%arg27 : memref<!tpu.dma_semaphore, #tpu.memory_space<semaphore_mem>>) src(%dma_wait3A_927 : memref<100000x1024xf32, #tpu.memory_space<hbm>>) dst(%arg14 : memref<8x1024xf32, #tpu.memory_space<vmem>>)
    %dma_wait3A_928 = arith.constant 1 : i32
    %dma_wait3A_929 = arith.constant 56 : i32
    %dma_wait3A_930 = tpu.memref_slice %arg6[%dma_wait3A_928, %dma_wait3A_929] : memref<4x64xi32, #tpu.memory_space<vmem>> -> memref<1x8xi32, #tpu.memory_space<vmem>>
    %dma_wait3A_931 = tpu.memref_squeeze %dma_wait3A_930 : memref<1x8xi32, #tpu.memory_space<vmem>> -> memref<8xi32, #tpu.memory_space<vmem>>
    %dma_wait3A_932 = arith.constant 0 : i32
    %dma_wait3A_933 = arith.constant 0 : i32
    %dma_wait3A_934 = tpu.memref_slice %arg3[%dma_wait3A_932, %dma_wait3A_933] : memref<100000x1024xf32, #tpu.memory_space<hbm>> -> memref<100000x1024xf32, #tpu.memory_space<hbm>>
    tpu.wait_indirect_dma semaphore(%arg27 : memref<!tpu.dma_semaphore, #tpu.memory_space<semaphore_mem>>) src(%dma_wait3A_934 : memref<100000x1024xf32, #tpu.memory_space<hbm>>) dst(%arg15 : memref<8x1024xf32, #tpu.memory_space<vmem>>)
    %dma_wait3A_935 = arith.constant 2 : i32
    %dma_wait3A_936 = arith.constant 56 : i32
    %dma_wait3A_937 = tpu.memref_slice %arg6[%dma_wait3A_935, %dma_wait3A_936] : memref<4x64xi32, #tpu.memory_space<vmem>> -> memref<1x8xi32, #tpu.memory_space<vmem>>
    %dma_wait3A_938 = tpu.memref_squeeze %dma_wait3A_937 : memref<1x8xi32, #tpu.memory_space<vmem>> -> memref<8xi32, #tpu.memory_space<vmem>>
    %dma_wait3A_939 = arith.constant 0 : i32
    %dma_wait3A_940 = arith.constant 0 : i32
    %dma_wait3A_941 = tpu.memref_slice %arg3[%dma_wait3A_939, %dma_wait3A_940] : memref<100000x1024xf32, #tpu.memory_space<hbm>> -> memref<100000x1024xf32, #tpu.memory_space<hbm>>
    tpu.wait_indirect_dma semaphore(%arg27 : memref<!tpu.dma_semaphore, #tpu.memory_space<semaphore_mem>>) src(%dma_wait3A_941 : memref<100000x1024xf32, #tpu.memory_space<hbm>>) dst(%arg16 : memref<8x1024xf32, #tpu.memory_space<vmem>>)
    %dma_wait3A_942 = arith.constant 3 : i32
    %dma_wait3A_943 = arith.constant 56 : i32
    %dma_wait3A_944 = tpu.memref_slice %arg6[%dma_wait3A_942, %dma_wait3A_943] : memref<4x64xi32, #tpu.memory_space<vmem>> -> memref<1x8xi32, #tpu.memory_space<vmem>>
    %dma_wait3A_945 = tpu.memref_squeeze %dma_wait3A_944 : memref<1x8xi32, #tpu.memory_space<vmem>> -> memref<8xi32, #tpu.memory_space<vmem>>
    %dma_wait3A_946 = arith.constant 0 : i32
    %dma_wait3A_947 = arith.constant 0 : i32
    %dma_wait3A_948 = tpu.memref_slice %arg3[%dma_wait3A_946, %dma_wait3A_947] : memref<100000x1024xf32, #tpu.memory_space<hbm>> -> memref<100000x1024xf32, #tpu.memory_space<hbm>>
    tpu.wait_indirect_dma semaphore(%arg27 : memref<!tpu.dma_semaphore, #tpu.memory_space<semaphore_mem>>) src(%dma_wait3A_948 : memref<100000x1024xf32, #tpu.memory_space<hbm>>) dst(%arg17 : memref<8x1024xf32, #tpu.memory_space<vmem>>)
    %parallel_loop3A_949 = arith.constant 0 : i32
    %parallel_loop3A_950 = arith.constant 512 : i32
    %parallel_loop3A_951 = arith.constant 1 : i32
    scf.for %parallel_loop3A_1032 = %parallel_loop3A_949 to %parallel_loop3A_950 step %parallel_loop3A_951  : i32 {
      %parallel_loop3A_1033 = arith.constant 6 : i32
      %parallel_loop3A_1034 = arith.shrsi %parallel_loop3A_1032, %parallel_loop3A_1033 : i32
      %parallel_loop3A_1035 = arith.constant 63 : i32
      %parallel_loop3A_1036 = arith.andi %parallel_loop3A_1032, %parallel_loop3A_1035 : i32
      %parallel_loop3A_1037 = arith.constant 4 : i32
      %parallel_loop3A_1038 = arith.shli %parallel_loop3A_1036, %parallel_loop3A_1037 : i32
      %parallel_loop3A_1039 = tpu.assume_multiple %parallel_loop3A_1038, 16 : i32
      %parallel_loop3A_1040 = arith.index_cast %parallel_loop3A_1034 : i32 to index
      %parallel_loop3A_1041 = arith.index_cast %parallel_loop3A_1039 : i32 to index
      %parallel_loop3A_1042 = tpu.vector_load %arg8[%parallel_loop3A_1040, %parallel_loop3A_1041] {strides = array<i32>} : memref<8x1024xf32, #tpu.memory_space<vmem>>, vector<1x16xf32>,
      %parallel_loop3A_1043 = vector.shape_cast %parallel_loop3A_1042 : vector<1x16xf32> to vector<16xf32>
      %parallel_loop3A_1044 = arith.index_cast %parallel_loop3A_1034 : i32 to index
      %parallel_loop3A_1045 = arith.index_cast %parallel_loop3A_1039 : i32 to index
      %parallel_loop3A_1046 = tpu.vector_load %arg14[%parallel_loop3A_1044, %parallel_loop3A_1045] {strides = array<i32>} : memref<8x1024xf32, #tpu.memory_space<vmem>>, vector<1x16xf32>,
      %parallel_loop3A_1047 = vector.shape_cast %parallel_loop3A_1046 : vector<1x16xf32> to vector<16xf32>
      %parallel_loop3A_1048 = arith.addf %parallel_loop3A_1047, %parallel_loop3A_1043 : vector<16xf32>
      %parallel_loop3A_1049 = arith.index_cast %parallel_loop3A_1034 : i32 to index
      %parallel_loop3A_1050 = arith.index_cast %parallel_loop3A_1039 : i32 to index
      %parallel_loop3A_1051 = tpu.vector_load %arg14[%parallel_loop3A_1049, %parallel_loop3A_1050] {strides = array<i32>} : memref<8x1024xf32, #tpu.memory_space<vmem>>, vector<1x16xf32>,
      %parallel_loop3A_1052 = vector.shape_cast %parallel_loop3A_1051 : vector<1x16xf32> to vector<16xf32>
      %parallel_loop3A_1053 = vector.shape_cast %parallel_loop3A_1048 : vector<16xf32> to vector<1x16xf32>
      tpu.vector_store %arg14[%parallel_loop3A_1049, %parallel_loop3A_1050], %parallel_loop3A_1053 {strides = array<i32>} : memref<8x1024xf32, #tpu.memory_space<vmem>>, vector<1x16xf32>,
      %parallel_loop3A_1054 = arith.index_cast %parallel_loop3A_1034 : i32 to index
      %parallel_loop3A_1055 = arith.index_cast %parallel_loop3A_1039 : i32 to index
      %parallel_loop3A_1056 = tpu.vector_load %arg15[%parallel_loop3A_1054, %parallel_loop3A_1055] {strides = array<i32>} : memref<8x1024xf32, #tpu.memory_space<vmem>>, vector<1x16xf32>,
      %parallel_loop3A_1057 = vector.shape_cast %parallel_loop3A_1056 : vector<1x16xf32> to vector<16xf32>
      %parallel_loop3A_1058 = arith.addf %parallel_loop3A_1057, %parallel_loop3A_1043 : vector<16xf32>
      %parallel_loop3A_1059 = arith.index_cast %parallel_loop3A_1034 : i32 to index
      %parallel_loop3A_1060 = arith.index_cast %parallel_loop3A_1039 : i32 to index
      %parallel_loop3A_1061 = tpu.vector_load %arg15[%parallel_loop3A_1059, %parallel_loop3A_1060] {strides = array<i32>} : memref<8x1024xf32, #tpu.memory_space<vmem>>, vector<1x16xf32>,
      %parallel_loop3A_1062 = vector.shape_cast %parallel_loop3A_1061 : vector<1x16xf32> to vector<16xf32>
      %parallel_loop3A_1063 = vector.shape_cast %parallel_loop3A_1058 : vector<16xf32> to vector<1x16xf32>
      tpu.vector_store %arg15[%parallel_loop3A_1059, %parallel_loop3A_1060], %parallel_loop3A_1063 {strides = array<i32>} : memref<8x1024xf32, #tpu.memory_space<vmem>>, vector<1x16xf32>,
      %parallel_loop3A_1064 = arith.index_cast %parallel_loop3A_1034 : i32 to index
      %parallel_loop3A_1065 = arith.index_cast %parallel_loop3A_1039 : i32 to index
      %parallel_loop3A_1066 = tpu.vector_load %arg16[%parallel_loop3A_1064, %parallel_loop3A_1065] {strides = array<i32>} : memref<8x1024xf32, #tpu.memory_space<vmem>>, vector<1x16xf32>,
      %parallel_loop3A_1067 = vector.shape_cast %parallel_loop3A_1066 : vector<1x16xf32> to vector<16xf32>
      %parallel_loop3A_1068 = arith.addf %parallel_loop3A_1067, %parallel_loop3A_1043 : vector<16xf32>
      %parallel_loop3A_1069 = arith.index_cast %parallel_loop3A_1034 : i32 to index
      %parallel_loop3A_1070 = arith.index_cast %parallel_loop3A_1039 : i32 to index
      %parallel_loop3A_1071 = tpu.vector_load %arg16[%parallel_loop3A_1069, %parallel_loop3A_1070] {strides = array<i32>} : memref<8x1024xf32, #tpu.memory_space<vmem>>, vector<1x16xf32>,
      %parallel_loop3A_1072 = vector.shape_cast %parallel_loop3A_1071 : vector<1x16xf32> to vector<16xf32>
      %parallel_loop3A_1073 = vector.shape_cast %parallel_loop3A_1068 : vector<16xf32> to vector<1x16xf32>
      tpu.vector_store %arg16[%parallel_loop3A_1069, %parallel_loop3A_1070], %parallel_loop3A_1073 {strides = array<i32>} : memref<8x1024xf32, #tpu.memory_space<vmem>>, vector<1x16xf32>,
      %parallel_loop3A_1074 = arith.index_cast %parallel_loop3A_1034 : i32 to index
      %parallel_loop3A_1075 = arith.index_cast %parallel_loop3A_1039 : i32 to index
      %parallel_loop3A_1076 = tpu.vector_load %arg17[%parallel_loop3A_1074, %parallel_loop3A_1075] {strides = array<i32>} : memref<8x1024xf32, #tpu.memory_space<vmem>>, vector<1x16xf32>,
      %parallel_loop3A_1077 = vector.shape_cast %parallel_loop3A_1076 : vector<1x16xf32> to vector<16xf32>
      %parallel_loop3A_1078 = arith.addf %parallel_loop3A_1077, %parallel_loop3A_1043 : vector<16xf32>
      %parallel_loop3A_1079 = arith.index_cast %parallel_loop3A_1034 : i32 to index
      %parallel_loop3A_1080 = arith.index_cast %parallel_loop3A_1039 : i32 to index
      %parallel_loop3A_1081 = tpu.vector_load %arg17[%parallel_loop3A_1079, %parallel_loop3A_1080] {strides = array<i32>} : memref<8x1024xf32, #tpu.memory_space<vmem>>, vector<1x16xf32>,
      %parallel_loop3A_1082 = vector.shape_cast %parallel_loop3A_1081 : vector<1x16xf32> to vector<16xf32>
      %parallel_loop3A_1083 = vector.shape_cast %parallel_loop3A_1078 : vector<16xf32> to vector<1x16xf32>
      tpu.vector_store %arg17[%parallel_loop3A_1079, %parallel_loop3A_1080], %parallel_loop3A_1083 {strides = array<i32>} : memref<8x1024xf32, #tpu.memory_space<vmem>>, vector<1x16xf32>,
    } {sc.loop_unroll_factor = 2 : i64, sc.parallel_access}
    %add3A_952 = arith.constant 0 : i32
    %add3A_953 = arith.addi %add3A_952, %mul3A_2 : i32
    %add3A_954 = arith.constant 56 : i32
    %add3A_955 = arith.addi %add3A_953, %add3A_954 : i32
    %dma_start3A_956 = arith.constant 0 : i32
    %dma_start3A_957 = tpu.memref_slice %arg5[%add3A_955, %dma_start3A_956] : memref<8192x1024xf32, #tpu.memory_space<hbm>> -> memref<8x1024xf32, #tpu.memory_space<hbm>>
    %dma_start3A_958 = arith.constant 0 : i32
    %dma_start3A_959 = tpu.memref_slice %arg5[%add3A_955, %dma_start3A_958] : memref<8192x1024xf32, #tpu.memory_space<hbm>> -> memref<8x1024xf32, #tpu.memory_space<hbm>>
    tpu.enqueue_dma source(%arg14 : memref<8x1024xf32, #tpu.memory_space<vmem>>) target(%dma_start3A_959 : memref<8x1024xf32, #tpu.memory_space<hbm>>) target_semaphore(%arg30 : memref<!tpu.dma_semaphore, #tpu.memory_space<semaphore_mem>>)
    %add3A_960 = arith.constant 2048 : i32
    %add3A_961 = arith.addi %add3A_960, %mul3A_2 : i32
    %add3A_962 = arith.constant 56 : i32
    %add3A_963 = arith.addi %add3A_961, %add3A_962 : i32
    %dma_start3A_964 = arith.constant 0 : i32
    %dma_start3A_965 = tpu.memref_slice %arg5[%add3A_963, %dma_start3A_964] : memref<8192x1024xf32, #tpu.memory_space<hbm>> -> memref<8x1024xf32, #tpu.memory_space<hbm>>
    %dma_start3A_966 = arith.constant 0 : i32
    %dma_start3A_967 = tpu.memref_slice %arg5[%add3A_963, %dma_start3A_966] : memref<8192x1024xf32, #tpu.memory_space<hbm>> -> memref<8x1024xf32, #tpu.memory_space<hbm>>
    tpu.enqueue_dma source(%arg15 : memref<8x1024xf32, #tpu.memory_space<vmem>>) target(%dma_start3A_967 : memref<8x1024xf32, #tpu.memory_space<hbm>>) target_semaphore(%arg30 : memref<!tpu.dma_semaphore, #tpu.memory_space<semaphore_mem>>)
    %add3A_968 = arith.constant 4096 : i32
    %add3A_969 = arith.addi %add3A_968, %mul3A_2 : i32
    %add3A_970 = arith.constant 56 : i32
    %add3A_971 = arith.addi %add3A_969, %add3A_970 : i32
    %dma_start3A_972 = arith.constant 0 : i32
    %dma_start3A_973 = tpu.memref_slice %arg5[%add3A_971, %dma_start3A_972] : memref<8192x1024xf32, #tpu.memory_space<hbm>> -> memref<8x1024xf32, #tpu.memory_space<hbm>>
    %dma_start3A_974 = arith.constant 0 : i32
    %dma_start3A_975 = tpu.memref_slice %arg5[%add3A_971, %dma_start3A_974] : memref<8192x1024xf32, #tpu.memory_space<hbm>> -> memref<8x1024xf32, #tpu.memory_space<hbm>>
    tpu.enqueue_dma source(%arg16 : memref<8x1024xf32, #tpu.memory_space<vmem>>) target(%dma_start3A_975 : memref<8x1024xf32, #tpu.memory_space<hbm>>) target_semaphore(%arg30 : memref<!tpu.dma_semaphore, #tpu.memory_space<semaphore_mem>>)
    %add3A_976 = arith.constant 6144 : i32
    %add3A_977 = arith.addi %add3A_976, %mul3A_2 : i32
    %add3A_978 = arith.constant 56 : i32
    %add3A_979 = arith.addi %add3A_977, %add3A_978 : i32
    %dma_start3A_980 = arith.constant 0 : i32
    %dma_start3A_981 = tpu.memref_slice %arg5[%add3A_979, %dma_start3A_980] : memref<8192x1024xf32, #tpu.memory_space<hbm>> -> memref<8x1024xf32, #tpu.memory_space<hbm>>
    %dma_start3A_982 = arith.constant 0 : i32
    %dma_start3A_983 = tpu.memref_slice %arg5[%add3A_979, %dma_start3A_982] : memref<8192x1024xf32, #tpu.memory_space<hbm>> -> memref<8x1024xf32, #tpu.memory_space<hbm>>
    tpu.enqueue_dma source(%arg17 : memref<8x1024xf32, #tpu.memory_space<vmem>>) target(%dma_start3A_983 : memref<8x1024xf32, #tpu.memory_space<hbm>>) target_semaphore(%arg30 : memref<!tpu.dma_semaphore, #tpu.memory_space<semaphore_mem>>)
    %dma_wait3A_984 = arith.constant 0 : i32
    %dma_wait3A_985 = tpu.memref_slice %arg5[%add3A_888, %dma_wait3A_984] : memref<8192x1024xf32, #tpu.memory_space<hbm>> -> memref<8x1024xf32, #tpu.memory_space<hbm>>
    %dma_wait3A_986 = arith.constant 0 : i32
    %dma_wait3A_987 = tpu.memref_slice %arg5[%add3A_888, %dma_wait3A_986] : memref<8192x1024xf32, #tpu.memory_space<hbm>> -> memref<8x1024xf32, #tpu.memory_space<hbm>>
    tpu.wait_dma2 semaphore(%arg29 : memref<!tpu.dma_semaphore, #tpu.memory_space<semaphore_mem>>) src(%arg10 : memref<8x1024xf32, #tpu.memory_space<vmem>>) dst(%dma_wait3A_987 : memref<8x1024xf32, #tpu.memory_space<hbm>>)
    %dma_wait3A_988 = arith.constant 0 : i32
    %dma_wait3A_989 = tpu.memref_slice %arg5[%add3A_896, %dma_wait3A_988] : memref<8192x1024xf32, #tpu.memory_space<hbm>> -> memref<8x1024xf32, #tpu.memory_space<hbm>>
    %dma_wait3A_990 = arith.constant 0 : i32
    %dma_wait3A_991 = tpu.memref_slice %arg5[%add3A_896, %dma_wait3A_990] : memref<8192x1024xf32, #tpu.memory_space<hbm>> -> memref<8x1024xf32, #tpu.memory_space<hbm>>
    tpu.wait_dma2 semaphore(%arg29 : memref<!tpu.dma_semaphore, #tpu.memory_space<semaphore_mem>>) src(%arg11 : memref<8x1024xf32, #tpu.memory_space<vmem>>) dst(%dma_wait3A_991 : memref<8x1024xf32, #tpu.memory_space<hbm>>)
    %dma_wait3A_992 = arith.constant 0 : i32
    %dma_wait3A_993 = tpu.memref_slice %arg5[%add3A_904, %dma_wait3A_992] : memref<8192x1024xf32, #tpu.memory_space<hbm>> -> memref<8x1024xf32, #tpu.memory_space<hbm>>
    %dma_wait3A_994 = arith.constant 0 : i32
    %dma_wait3A_995 = tpu.memref_slice %arg5[%add3A_904, %dma_wait3A_994] : memref<8192x1024xf32, #tpu.memory_space<hbm>> -> memref<8x1024xf32, #tpu.memory_space<hbm>>
    tpu.wait_dma2 semaphore(%arg29 : memref<!tpu.dma_semaphore, #tpu.memory_space<semaphore_mem>>) src(%arg12 : memref<8x1024xf32, #tpu.memory_space<vmem>>) dst(%dma_wait3A_995 : memref<8x1024xf32, #tpu.memory_space<hbm>>)
    %dma_wait3A_996 = arith.constant 0 : i32
    %dma_wait3A_997 = tpu.memref_slice %arg5[%add3A_912, %dma_wait3A_996] : memref<8192x1024xf32, #tpu.memory_space<hbm>> -> memref<8x1024xf32, #tpu.memory_space<hbm>>
    %dma_wait3A_998 = arith.constant 0 : i32
    %dma_wait3A_999 = tpu.memref_slice %arg5[%add3A_912, %dma_wait3A_998] : memref<8192x1024xf32, #tpu.memory_space<hbm>> -> memref<8x1024xf32, #tpu.memory_space<hbm>>
    tpu.wait_dma2 semaphore(%arg29 : memref<!tpu.dma_semaphore, #tpu.memory_space<semaphore_mem>>) src(%arg13 : memref<8x1024xf32, #tpu.memory_space<vmem>>) dst(%dma_wait3A_999 : memref<8x1024xf32, #tpu.memory_space<hbm>>)
    %dma_wait3A_1000 = arith.constant 0 : i32
    %dma_wait3A_1001 = tpu.memref_slice %arg5[%add3A_955, %dma_wait3A_1000] : memref<8192x1024xf32, #tpu.memory_space<hbm>> -> memref<8x1024xf32, #tpu.memory_space<hbm>>
    %dma_wait3A_1002 = arith.constant 0 : i32
    %dma_wait3A_1003 = tpu.memref_slice %arg5[%add3A_955, %dma_wait3A_1002] : memref<8192x1024xf32, #tpu.memory_space<hbm>> -> memref<8x1024xf32, #tpu.memory_space<hbm>>
    tpu.wait_dma2 semaphore(%arg30 : memref<!tpu.dma_semaphore, #tpu.memory_space<semaphore_mem>>) src(%arg14 : memref<8x1024xf32, #tpu.memory_space<vmem>>) dst(%dma_wait3A_1003 : memref<8x1024xf32, #tpu.memory_space<hbm>>)
    %dma_wait3A_1004 = arith.constant 0 : i32
    %dma_wait3A_1005 = tpu.memref_slice %arg5[%add3A_963, %dma_wait3A_1004] : memref<8192x1024xf32, #tpu.memory_space<hbm>> -> memref<8x1024xf32, #tpu.memory_space<hbm>>
    %dma_wait3A_1006 = arith.constant 0 : i32
    %dma_wait3A_1007 = tpu.memref_slice %arg5[%add3A_963, %dma_wait3A_1006] : memref<8192x1024xf32, #tpu.memory_space<hbm>> -> memref<8x1024xf32, #tpu.memory_space<hbm>>
    tpu.wait_dma2 semaphore(%arg30 : memref<!tpu.dma_semaphore, #tpu.memory_space<semaphore_mem>>) src(%arg15 : memref<8x1024xf32, #tpu.memory_space<vmem>>) dst(%dma_wait3A_1007 : memref<8x1024xf32, #tpu.memory_space<hbm>>)
    %dma_wait3A_1008 = arith.constant 0 : i32
    %dma_wait3A_1009 = tpu.memref_slice %arg5[%add3A_971, %dma_wait3A_1008] : memref<8192x1024xf32, #tpu.memory_space<hbm>> -> memref<8x1024xf32, #tpu.memory_space<hbm>>
    %dma_wait3A_1010 = arith.constant 0 : i32
    %dma_wait3A_1011 = tpu.memref_slice %arg5[%add3A_971, %dma_wait3A_1010] : memref<8192x1024xf32, #tpu.memory_space<hbm>> -> memref<8x1024xf32, #tpu.memory_space<hbm>>
    tpu.wait_dma2 semaphore(%arg30 : memref<!tpu.dma_semaphore, #tpu.memory_space<semaphore_mem>>) src(%arg16 : memref<8x1024xf32, #tpu.memory_space<vmem>>) dst(%dma_wait3A_1011 : memref<8x1024xf32, #tpu.memory_space<hbm>>)
    %dma_wait3A_1012 = arith.constant 0 : i32
    %dma_wait3A_1013 = tpu.memref_slice %arg5[%add3A_979, %dma_wait3A_1012] : memref<8192x1024xf32, #tpu.memory_space<hbm>> -> memref<8x1024xf32, #tpu.memory_space<hbm>>
    %dma_wait3A_1014 = arith.constant 0 : i32
    %dma_wait3A_1015 = tpu.memref_slice %arg5[%add3A_979, %dma_wait3A_1014] : memref<8192x1024xf32, #tpu.memory_space<hbm>> -> memref<8x1024xf32, #tpu.memory_space<hbm>>
    tpu.wait_dma2 semaphore(%arg30 : memref<!tpu.dma_semaphore, #tpu.memory_space<semaphore_mem>>) src(%arg17 : memref<8x1024xf32, #tpu.memory_space<vmem>>) dst(%dma_wait3A_1015 : memref<8x1024xf32, #tpu.memory_space<hbm>>)
    %dma_wait3A_1016 = arith.constant 0 : i32
    %dma_wait3A_1017 = tpu.memref_slice %arg5[%add3A_821, %dma_wait3A_1016] : memref<8192x1024xf32, #tpu.memory_space<hbm>> -> memref<8x1024xf32, #tpu.memory_space<hbm>>
    %dma_wait3A_1018 = arith.constant 0 : i32
    %dma_wait3A_1019 = tpu.memref_slice %arg5[%add3A_821, %dma_wait3A_1018] : memref<8192x1024xf32, #tpu.memory_space<hbm>> -> memref<8x1024xf32, #tpu.memory_space<hbm>>
    tpu.wait_dma2 semaphore(%arg31 : memref<!tpu.dma_semaphore, #tpu.memory_space<semaphore_mem>>) src(%arg18 : memref<8x1024xf32, #tpu.memory_space<vmem>>) dst(%dma_wait3A_1019 : memref<8x1024xf32, #tpu.memory_space<hbm>>)
    %dma_wait3A_1020 = arith.constant 0 : i32
    %dma_wait3A_1021 = tpu.memref_slice %arg5[%add3A_829, %dma_wait3A_1020] : memref<8192x1024xf32, #tpu.memory_space<hbm>> -> memref<8x1024xf32, #tpu.memory_space<hbm>>
    %dma_wait3A_1022 = arith.constant 0 : i32
    %dma_wait3A_1023 = tpu.memref_slice %arg5[%add3A_829, %dma_wait3A_1022] : memref<8192x1024xf32, #tpu.memory_space<hbm>> -> memref<8x1024xf32, #tpu.memory_space<hbm>>
    tpu.wait_dma2 semaphore(%arg31 : memref<!tpu.dma_semaphore, #tpu.memory_space<semaphore_mem>>) src(%arg19 : memref<8x1024xf32, #tpu.memory_space<vmem>>) dst(%dma_wait3A_1023 : memref<8x1024xf32, #tpu.memory_space<hbm>>)
    %dma_wait3A_1024 = arith.constant 0 : i32
    %dma_wait3A_1025 = tpu.memref_slice %arg5[%add3A_837, %dma_wait3A_1024] : memref<8192x1024xf32, #tpu.memory_space<hbm>> -> memref<8x1024xf32, #tpu.memory_space<hbm>>
    %dma_wait3A_1026 = arith.constant 0 : i32
    %dma_wait3A_1027 = tpu.memref_slice %arg5[%add3A_837, %dma_wait3A_1026] : memref<8192x1024xf32, #tpu.memory_space<hbm>> -> memref<8x1024xf32, #tpu.memory_space<hbm>>
    tpu.wait_dma2 semaphore(%arg31 : memref<!tpu.dma_semaphore, #tpu.memory_space<semaphore_mem>>) src(%arg20 : memref<8x1024xf32, #tpu.memory_space<vmem>>) dst(%dma_wait3A_1027 : memref<8x1024xf32, #tpu.memory_space<hbm>>)
    %dma_wait3A_1028 = arith.constant 0 : i32
    %dma_wait3A_1029 = tpu.memref_slice %arg5[%add3A_845, %dma_wait3A_1028] : memref<8192x1024xf32, #tpu.memory_space<hbm>> -> memref<8x1024xf32, #tpu.memory_space<hbm>>
    %dma_wait3A_1030 = arith.constant 0 : i32
    %dma_wait3A_1031 = tpu.memref_slice %arg5[%add3A_845, %dma_wait3A_1030] : memref<8192x1024xf32, #tpu.memory_space<hbm>> -> memref<8x1024xf32, #tpu.memory_space<hbm>>
    tpu.wait_dma2 semaphore(%arg31 : memref<!tpu.dma_semaphore, #tpu.memory_space<semaphore_mem>>) src(%arg21 : memref<8x1024xf32, #tpu.memory_space<vmem>>) dst(%dma_wait3A_1031 : memref<8x1024xf32, #tpu.memory_space<hbm>>)
    return
  }
}

</mosaic_0001>

<sc_bundles>
// kernel: kernel.3.cloned.1.call-start
scs
__scs_entry_jumppad:
0x0: {  	(pc) =	sbr.rel $0x88, $3  }
0x1: {  	(tag) =	ssettag $0x0;
	lr =	simm.s32 $0x1  }
0x2: {  	[smem:$0x3F9E] =	sst lr;
	_ =	strace $0xD0000000  }
0x3: {  	_ = 	snop  }
0x4: {  	_ = 	snop  }
0x5: {  	_ = 	snop  }
0x6: {  	_ = 	snop  }
0x7: {  	_ = 	snop  }
__scs_overlays_trampoline_lowered:
0x8: {  	[smem:$0x3FAD] =	sst s0  }
0x9: {  	[smem:$0x3FAE] =	sst s1  }
0xa: {  	[smem:$0x3FAF] =	sst s2  }
0xb: {  	[smem:$0x3FB0] =	sst s3  }
0xc: {  	[smem:$0x3FB1] =	sst s4  }
0xd: {  	[smem:$0x3FB2] =	sst s5  }
0xe: {  	[smem:$0x3FB3] =	sst s6  }
0xf: {  	[smem:$0x3FB4] =	sst s7  }
0x10: {  	[smem:$0x3FB5] =	sst s8  }
0x11: {  	[smem:$0x3FB6] =	sst s9;
	s0 =	simm.s32 @!p0 $0x0  }
0x12: {  	s1 =	sld [smem:$0x3F9C];
	s0 =	simm.s32 @p0 $0x1  }
0x13: {  	[smem:$0x3FB7] =	sst s0;
	s0 =	simm.s32 @!p1 $0x0  }
0x14: {  	s2 =	sld [smem:$0x3F9B];
	s0 =	simm.s32 @p1 $0x1  }
0x15: {  	[smem:$0x3FB8] =	sst s0;
	s0 =	simm.s32 @!p2 $0x0  }
0x16: {  	s3 =	sld [smem:$0x3FDB];
	s0 =	simm.s32 @p2 $0x1  }
0x17: {  	s4 =	simm.s32 $0x1BF5;
	[smem:$0x3FBA] =	sst s0  }
0x18: {  	s0 =	sld [smem:$0x3F9D];
	_ =	swait.ge [sflag:s4], $0x0  }
0x19: {  	s7 =	sld [smem:$0x3F9E]  }
0x1a: {  	s8 =	sadd.s32 $0xFFFFE003, lr  }
0x1b: {  	s9 =	sadd.s32 $0xFFFFFEF7, lr;
	s5 =	simm.s32 $0xFFFFFFFF;
	p2 =	slt.u32 s8, $0xFFFFF086  }
0x1c: {  	p1 =	slt.u32 s9, $0xF7A;
	s5 =	simm.s32 @!p2 $0x0  }
0x1d: {  	s5 =	simm.s32 @p1 $0x1;
	p0 =	seq.s32 s7, s2  }
0x1e: {  	s7 =	smul.u32 @!p0 $0xF7A, s2;
	p2 =	seq.s32 @!p0 s5, $0x0  }
0x1f: {  	s9 =	smul.u32 $0xF7A, s1;
	s8 =	simm.s32 @!p0 $0x1BF5;
	p2 =	por !p2, p0  }
0x20: {  	[sflag:s8] =	ssyncset.s32 @!p0 $0xFFFFF086;
	s6 =	sadd.s32 @!p0 s3, s7;
	s7 =	simm.s32 @!p0 $0x108  }
0x21: {  	s3 =	sadd.s32 s3, s9;
	s6 =	sadd.s32 @!p0 $0x88, s6;
	s7 =	simm.s32 @p2 $0x1082  }
0x22: {  	[simem:s7], [sflag:s8] =	dma.local @!p0 [hbm:s6], $0xF7A  }
0x23: {  	s9 =	sor.u32 $0xD0000000, s2;
	s6 =	simm.s32 $0x108;
	_ =	swait.ge @!p0 [sflag:s8], $0x0  }
0x24: {  	s3 =	sadd.s32 $0x88, s3;
	s6 =	simm.s32 @!p1 $0x1082;
	[sflag:s4] =	ssyncset.s32 $0xFFFFF086  }
0x25: {  	[simem:s6], [sflag:s4] =	dma.local [hbm:s3], $0xF7A  }
0x26: {  	[smem:$0x3F9E] =	sst s1;
	(tag) =	ssettag s2;
	_ =	strace s9  }
0x27: {  	s1 =	sld [smem:$0x3FAE]  }
0x28: {  	s2 =	sld [smem:$0x3FAF]  }
0x29: {  	s4 =	sld [smem:$0x3FB1]  }
0x2a: {  	p0 =	seq.s32 s5, $0x0;
	s5 =	sld [smem:$0x3FB2]  }
0x2b: {  	s6 =	sld [smem:$0x3FB3]  }
0x2c: {  	s7 =	sld [smem:$0x3FB4]  }
0x2d: {  	s3 =	simm.s32 $0x108;
	s8 =	sld [smem:$0x3FB5]  }
0x2e: {  	s3 =	simm.s32 @!p0 $0x1082;
	s9 =	sld [smem:$0x3FB6]  }
0x2f: {  	lr =	sadd.s32 s0, s3;
	s0 =	sld [smem:$0x3FAD]  }
0x30: {  	s3 =	sld [smem:$0x3FB0]  }
0x31: {  	[smem:$0x3FB9] =	sst s10  }
0x32: {  	s10 =	sld [smem:$0x3FB7];
	_ =	sdelay $0x3  }
0x33: {  	p0 =	seq.s32 s10, $0x1;
	s10 =	sld [smem:$0x3FB9];
	_ =	sdelay $0x3  }
0x34: {  	[smem:$0x3FB9] =	sst s10  }
0x35: {  	s10 =	sld [smem:$0x3FB8];
	_ =	sdelay $0x3  }
0x36: {  	p1 =	seq.s32 s10, $0x1;
	s10 =	sld [smem:$0x3FB9];
	_ =	sdelay $0x3  }
0x37: {  	[smem:$0x3FB9] =	sst s10  }
0x38: {  	s10 =	sld [smem:$0x3FBA]  }
0x39: {  	_ = 	snop;
	(pc) =	sbr.ind lr, $3  }
0x3a: {  	_ = 	snop  }
0x3b: {  	_ = 	snop  }
0x3c: {  	p2 =	seq.s32 s10, $0x1;
	s10 =	sld [smem:$0x3FB9]  }
0x3d: {  	_ =	shalt  }
0x3e: {  	_ =	shalt  }
0x3f: {  	_ =	shalt  }
0x40: {  	_ =	shalt  }
0x41: {  	_ =	shalt  }
0x42: {  	_ =	shalt  }
0x43: {  	_ =	shalt  }
0x44: {  	_ =	shalt  }
0x45: {  	_ =	shalt  }
0x46: {  	_ =	shalt  }
0x47: {  	_ =	shalt  }
0x48: {  	_ =	shalt  }
0x49: {  	_ =	shalt  }
0x4a: {  	_ =	shalt  }
0x4b: {  	_ =	shalt  }
0x4c: {  	_ =	shalt  }
0x4d: {  	_ =	shalt  }
0x4e: {  	_ =	shalt  }
0x4f: {  	_ =	shalt  }
0x50: {  	_ =	shalt  }
0x51: {  	_ =	shalt  }
0x52: {  	_ =	shalt  }
0x53: {  	_ =	shalt  }
0x54: {  	_ =	shalt  }
0x55: {  	_ =	shalt  }
0x56: {  	_ =	shalt  }
0x57: {  	_ =	shalt  }
0x58: {  	_ =	shalt  }
0x59: {  	_ =	shalt  }
0x5a: {  	_ =	shalt  }
0x5b: {  	_ =	shalt  }
0x5c: {  	_ =	shalt  }
0x5d: {  	_ =	shalt  }
0x5e: {  	_ =	shalt  }
0x5f: {  	_ =	shalt  }
0x60: {  	_ =	shalt  }
0x61: {  	_ =	shalt  }
0x62: {  	_ =	shalt  }
0x63: {  	_ =	shalt  }
0x64: {  	_ =	shalt  }
0x65: {  	_ =	shalt  }
0x66: {  	_ =	shalt  }
0x67: {  	_ =	shalt  }
0x68: {  	_ =	shalt  }
0x69: {  	_ =	shalt  }
0x6a: {  	_ =	shalt  }
0x6b: {  	_ =	shalt  }
0x6c: {  	_ =	shalt  }
0x6d: {  	_ =	shalt  }
0x6e: {  	_ =	shalt  }
0x6f: {  	_ =	shalt  }
0x70: {  	_ =	shalt  }
0x71: {  	_ =	shalt  }
0x72: {  	_ =	shalt  }
0x73: {  	_ =	shalt  }
0x74: {  	_ =	shalt  }
0x75: {  	_ =	shalt  }
0x76: {  	_ =	shalt  }
0x77: {  	_ =	shalt  }
0x78: {  	_ =	shalt  }
0x79: {  	_ =	shalt  }
0x7a: {  	_ =	shalt  }
0x7b: {  	_ =	shalt  }
0x7c: {  	_ =	shalt  }
0x7d: {  	_ =	shalt  }
0x7e: {  	_ =	shalt  }
0x7f: {  	_ =	shalt  }
0x80: {  	_ =	shalt  }
0x81: {  	_ =	shalt  }
0x82: {  	_ =	shalt  }
0x83: {  	_ =	shalt  }
0x84: {  	_ =	shalt  }
0x85: {  	_ =	shalt  }
0x86: {  	_ =	shalt  }
0x87: {  	_ =	shalt  }
.Lfunc_end0:
.L_simem_size_0:
called_computation_lowered:
.L_overlay_start_0:
0x88: {  	s2 =	sld [smem:$0x3FD9]  }
0x89: {  	s3 =	sld [smem:$0x3FFE];
	_ =	sdelay $0x1  }
0x8a: {  	s1 =	srdreg.scid  }
0x8b: {  	s0 =	sand.u32 $0x1, s1  }
0x8c: {  	s18 =	sshll.u32 s0, $0xA;
	s2 =	sadd.s32 s3, s2  }
0x8d: {  	s2 =	sadd.s32 s2, s18  }
0x8e: {  	[smem:$0x3FC5] =	sst s2  }
0x8f: {  	_ = 	snop  }
0x90: {  	s2 =	sld [smem:$0x3FC9]  }
0x91: {  	s19 =	sld [smem:$0x3FC8]  }
0x92: {  	s4 =	sld [smem:$0x3FC7]  }
0x93: {  	s5 =	sld [smem:$0x3FD0];
	(tm) =	ssettm $0x1  }
0x94: {  	s6 =	sld [smem:$0x3FFB];
	_ =	sdelay $0x3  }
0x95: {  	_ =	strace s6  }
0x96: {  	s6 =	sld [smem:$0x3FFC];
	_ =	sdelay $0x3  }
0x97: {  	_ =	strace s6  }
0x98: {  	s6 =	sld [smem:$0x3FFD];
	_ =	sdelay $0x3  }
0x99: {  	_ =	strace s6  }
0x9a: {  	_ =	strace $0x8FFFFFFF  }
0x9b: {  	s20 =	sld [smem:$0x3FDB];
	_ =	sdelay $0x1  }
0x9c: {  	s7 =	simm.s32 $_scs_section_size  }
0x9d: {  	s8 =	simm.s32 $_size__tile_overlayer_lowered;
	s9 =	simm.s32 $_tile_overlayer_lowered  }
0x9e: {  	s23 =	simm.s32 $0x1BFF;
	s22 =	sshll.u32 s9, $0x1;
	s6 =	sadd.s32 s7, s20  }
0x9f: {  	s10 =	simm.s32 $0x0;
	s21 =	sshll.u32 s8, $0x1;
	s8 =	sadd.s32 s22, s6  }
0xa0: {  	[timem:s10], [sflag:s23] =	dma.local [hbm:s8], s21  }
0xa1: {  	_ =	swait.ge [sflag:s23], s21  }
0xa2: {  	s7 =	ssub.s32 $0x0, s21;
	[sflag:s23] =	ssyncset.done $0x0  }
0xa3: {  	[sflag:s23] =	ssyncadd.s32 s7;
	_ =	sdelay $0x1  }
0xa4: {  	s24 =	simm.s32 $0x1B8B  }
0xa5: {  	_ =	swait.ge [sflag:s24], $0x1  }
0xa6: {  	[sflag:s24] =	ssyncset.done $0x0  }
0xa7: {  	s25 =	simm.s32 $0x1B8E;
	[sflag:s24] =	ssyncadd.s32 $0xFFFFFFFF  }
0xa8: {  	s26 =	simm.s32 $execute0_lowered;
	[smem:$0x3FD2] =	sst s25  }
0xa9: {  	s7 =	sshll.u32 s26, $0x1;
	_ =	strace $0x80000046;
	[dreg:$0x1] =	wrdreg $0xFFFFFFFF  }
0xaa: {  	s28 =	simm.s32 $_size_execute0_lowered;
	s6 =	sadd.s32 s6, s7;
	[dreg:$0x0] =	wrdreg $0x0  }
0xab: {  	s7 =	sshll.u32 s28, $0x1;
	[dreg:$0x2] =	wrdreg s6  }
0xac: {  	[dreg:$0x3] =	wrdreg s7  }
0xad: {  	[dreg:$0x4] =	wrdreg $0xC0  }
0xae: {  	_ =	task [dreg:s10], $0x5FFFF  }
0xaf: {  	[dreg:$0x1] =	wrdreg $0xFFFFFFFF  }
0xb0: {  	[dreg:$0x0] =	wrdreg $0x60  }
0xb1: {  	[dreg:$0x2] =	wrdreg s2  }
0xb2: {  	[dreg:$0x3] =	wrdreg s19  }
0xb3: {  	[dreg:$0x4] =	wrdreg s4  }
0xb4: {  	[dreg:$0x5] =	wrdreg s5  }
0xb5: {  	[dreg:$0x6] =	wrdreg $0x9  }
0xb6: {  	_ =	task.clear_ibuf [dreg:s10], $0x7FFFF;
	_ =	strace $0x90000046  }
0xb7: {  	s29 =	simm.s32 $0x9;
	_ =	strace $0x80000048  }
0xb8: {  	_ =	swait.ge [sflag:s29], $0x1  }
0xb9: {  	[sflag:s29] =	ssyncadd.s32 $0xFFFFFFFF  }
0xba: {  	_ =	strace $0x90000048  }
0xbb: {  	_ =	sfence  }
0xbc: {  	s30 =	sld [smem:$0x0];
	_ =	sdelay $0x2  }
0xbd: {  	s31 =	sshll.u32 s1, $0xD;
	s1 =	sshrl.u32 s1, $0x2  }
0xbe: {  	s3 =	sand.u32 $0x4000, s31;
	s1 =	sadd.s32 s1, s30  }
0xbf: {  	s0 =	sor.u32 s3, s0;
	s1 =	sshll.u32 s1, $0x11  }
0xc0: {  	s0 =	sor.u32 s1, s0  }
0xc1: {  	s0 =	sadd.s32 $0x8F2B, s0  }
0xc2: {  	[sflag:s0] =	ssyncadd.remote.s32 $0x1  }
0xc3: {  	_ =	sfence.sel $0xFFFF  }
0xc4: {  	[dreg:$0x0] =	wrdreg $0xFFFFFFFF;
	(pc) =	sbr.abs _section_cstart, $3  }
0xc5: {  	[dreg:$0x1] =	wrdreg $0xFFFFFFFF  }
0xc6: {  	_ =	task.clear_ibuf [dreg:s10], $0x2FFFF;
	_ =	strace $0x9FFFFFFF  }
0xc7: {  	(tm) =	ssettm $0x7FFFFFFF  }
tec
execute0_lowered:
.L_overlay_start_1:
0x0: {  	(tag) =	ssettag $0x1  }
0x1: {  	s2 =	srdreg.scid  }
0x2: {  	s0 =	rddreg [dreg:$0x0];
	s3 =	stileid.u32;
	s2 =	sand.u32 $0x1, s2  }
0x3: {  	s1 =	rddreg [dreg:$0x1];
	s3 =	sshll.u32 s3, $0x7;
	s5 =	sshll.u32 s2, $0x6  }
0x4: {  	s4 =	rddreg [dreg:$0x2];
	s7 =	sor.u32 s5, s3;
	s3 =	simm.s32 $0x0  }
0x5: {  	s8 =	sshll.u32 s7, $0x2;
	[smem:$0x7FF] =	sst s3;
	s7 =	sshll.u32 s7, $0x7  }
0x6: {  	s6 =	rddreg [dreg:$0x3];
	_ =	strace $0x80000047;
	s20 =	sadd.s32 s4, s7  }
0x7: {  	s21 =	sor.u32 $0x400, s7;
	s10 =	sadd.s32 s6, s7;
	[dreg:$0x9] =	wrdreg s20  }
0x8: {  	s23 =	sor.u32 $0x800, s7;
	s22 =	sadd.s32 s4, s21;
	[dreg:$0xc] =	wrdreg s10  }
0x9: {  	s24 =	sor.u32 $0xC00, s7;
	s25 =	sadd.s32 s4, s23;
	[dreg:$0xa] =	wrdreg s22  }
0xa: {  	s12 =	sor.u32 $0x1400, s7;
	s26 =	sadd.s32 s4, s24;
	[dreg:$0xb] =	wrdreg s25  }
0xb: {  	s13 =	sadd.s32 s4, s12;
	[dreg:$0xd] =	wrdreg s26  }
0xc: {  	s15 =	sor.u32 $0x1800, s7;
	s14 =	sadd.s32 s6, s24;
	[dreg:$0x11] =	wrdreg s13  }
0xd: {  	s16 =	sadd.s32 s4, s15;
	[dreg:$0x12] =	wrdreg s14  }
0xe: {  	[dreg:$0x13] =	wrdreg s16;
	s22 =	sadd.s32 $0x40000, s10  }
0xf: {  	s25 =	sadd.s32 $0xC0000, s10;
	[dreg:$0x1a] =	wrdreg s22  }
0x10: {  	s9 =	sand.u32 $0x1E00, s8;
	s13 =	sadd.s32 $0x41000, s10;
	[dreg:$0x1c] =	wrdreg s25  }
0x11: {  	s9 =	sor.u32 s5, s9;
	s14 =	sadd.s32 $0x81000, s10;
	[smem:$0x7F2] =	sst s13  }
0x12: {  	s9 =	sshrl.u32 s9, $0x3;
	s16 =	sadd.s32 $0x41400, s10;
	[smem:$0x7F3] =	sst s14  }
0x13: {  	s9 =	sadd.s32 s0, s9;
	[smem:$0x7F5] =	sst s16  }
0x14: {  	s5 =	sor.u32 s5, s8;
	s22 =	sadd.s32 $0x41C00, s10;
	[dreg:$0x5] =	wrdreg s9  }
0x15: {  	s5 =	sshrl.u32 s5, $0x3;
	s25 =	sadd.s32 $0xC1C00, s10;
	[smem:$0x7FB] =	sst s22  }
0x16: {  	s19 =	sor.u32 $0x20, s5;
	s18 =	sadd.s32 $0x10, s9;
	[smem:$0x7FD] =	sst s25  }
0x17: {  	s5 =	sor.u32 $0x30, s5;
	s8 =	sadd.s32 s0, s19;
	[dreg:$0x6] =	wrdreg s18  }
0x18: {  	s0 =	sadd.s32 s0, s5;
	[dreg:$0x7] =	wrdreg s8  }
0x19: {  	s5 =	sadd.s32 s6, s23;
	[dreg:$0x8] =	wrdreg s0  }
0x1a: {  	s29 =	simm.s32 $0x1;
	s19 =	sadd.s32 s6, s15;
	[dreg:$0x10] =	wrdreg s5  }
0x1b: {  	s2 =	ssub.s32 $0x2, s2;
	s23 =	sadd.s32 $0x80000, s10;
	[dreg:$0x17] =	wrdreg s19  }
0x1c: {  	s17 =	sshrl.u32 s2, $0x1;
	s15 =	sadd.s32 $0xC1000, s10;
	[dreg:$0x1b] =	wrdreg s23  }
0x1d: {  	s9 =	sor.u32 $0x1000, s7;
	s0 =	sadd.s32 s6, s21;
	[smem:$0x7F4] =	sst s15  }
0x1e: {  	s7 =	sor.u32 $0x1C00, s7;
	s11 =	sadd.s32 s4, s9;
	[dreg:$0xe] =	wrdreg s0  }
0x1f: {  	s2 =	ssub.s32 s2, s17;
	s17 =	sadd.s32 s4, s7;
	[dreg:$0xf] =	wrdreg s11  }
0x20: {  	s30 =	simm.s32 $0x6;
	s18 =	sadd.s32 s6, s12;
	[dreg:$0x15] =	wrdreg s17  }
0x21: {  	s31 =	simm.s32 $0x9;
	s20 =	sadd.s32 s6, s7;
	[dreg:$0x16] =	wrdreg s18  }
0x22: {  	s28 =	sadd.s32 $0x300, s1;
	s21 =	smax.u32 s2, $0x1;
	[dreg:$0x18] =	wrdreg s20  }
0x23: {  	s24 =	sadd.s32 $0x100, s1;
	s2 =	sadd.s32 $0x40400, s10;
	[dreg:$0x19] =	wrdreg s21  }
0x24: {  	s26 =	sadd.s32 $0x200, s1;
	s4 =	sadd.s32 $0x80400, s10;
	[dreg:$0x1d] =	wrdreg s2  }
0x25: {  	s13 =	simm.s32 $0x10200;
	s5 =	sadd.s32 $0xC0400, s10;
	[dreg:$0x1e] =	wrdreg s4  }
0x26: {  	s14 =	simm.s32 $0x12200;
	s7 =	sadd.s32 $0x80800, s10;
	[dreg:$0x1f] =	wrdreg s5  }
0x27: {  	s16 =	simm.s32 $0x14200;
	s8 =	sadd.s32 $0xC0800, s10;
	[smem:$0x7ED] =	sst s7  }
0x28: {  	s22 =	simm.s32 $0x8;
	s12 =	sadd.s32 $0xC0C00, s10;
	[smem:$0x7EE] =	sst s8  }
0x29: {  	s25 =	simm.s32 $0x3;
	s19 =	sadd.s32 $0x41800, s10;
	[smem:$0x7F1] =	sst s12  }
0x2a: {  	s23 =	sadd.s32 $0x81C00, s10;
	s15 =	simm.s32 $0xA200;
	[smem:$0x7F8] =	sst s19  }
0x2b: {  	s0 =	sadd.s32 s6, s9;
	s6 =	sadd.s32 $0x40800, s10;
	[smem:$0x7FC] =	sst s23  }
0x2c: {  	s9 =	sadd.s32 $0x40C00, s10;
	s11 =	sadd.s32 $0x80C00, s10;
	[dreg:$0x14] =	wrdreg s0  }
0x2d: {  	s17 =	sadd.s32 $0x81400, s10;
	s18 =	sadd.s32 $0xC1400, s10;
	[smem:$0x7EC] =	sst s6  }
0x2e: {  	s20 =	sadd.s32 $0x81800, s10;
	s21 =	sadd.s32 $0xC1800, s10;
	[smem:$0x7EF] =	sst s9  }
0x2f: {  	s4 =	simm.s32 $0x6200;
	s10 =	simm.s32 $0x8200;
	[smem:$0x7F0] =	sst s11  }
0x30: {  	s19 =	simm.s32 $0xC200;
	s12 =	simm.s32 $0xE200;
	[smem:$0x7F6] =	sst s17  }
0x31: {  	s23 =	simm.s32 $0x16200;
	s5 =	simm.s32 $0x18200;
	[smem:$0x7F7] =	sst s18  }
0x32: {  	v0 =	vlaneseq.u32;
	s2 =	simm.s32 $0x1A200;
	s7 =	simm.s32 $0x7;
	[smem:$0x7F9] =	sst s20  }
0x33: {  	v1 =	vshrl.u32 v0, $0x3;
	s8 =	simm.s32 $0xA;
	[smem:$0x7FA] =	sst s21;
	s6 =	simm.s32 $0x1C200  }
0x34: {  	vm0 =	vmmov $0xffff;
	v0 =	vand.u32 $0x7, v0;
	v1 =	vmul.u32 $0x8, v1;
	s20 =	simm.s32 $0x2;
	s21 =	simm.s32 $0x5;
	s9 =	simm.s32 $0x0  }
.LBB2_1:
0x35: {  	s0 =	rddreg [dreg:$0x5]  }
0x36: {  	[tilespmem:s3], [sflag:$0x1] =	stream.linear.gather [hbm4b:s0+s3], $0x40, $0x38;
	[tilespmem:$0x1E200] =	vst v63  }
0x37: {  	s18 =	rddreg [dreg:$0x6];
	s11 =	simm.s32 $0x80  }
0x38: {  	[tilespmem:s11], [sflag:$0x1] =	stream.linear.gather [hbm4b:s18+s3], $0x40, $0x38;
	[tilespmem:$0x1E200] =	vst v63  }
0x39: {  	s17 =	rddreg [dreg:$0x7];
	s18 =	simm.s32 $0x100  }
0x3a: {  	[tilespmem:s18], [sflag:$0x1] =	stream.linear.gather [hbm4b:s17+s3], $0x40, $0x38;
	[tilespmem:$0x1E200] =	vst v63  }
0x3b: {  	s17 =	rddreg [dreg:$0x8];
	s18 =	simm.s32 $0x180  }
0x3c: {  	[tilespmem:s18], [sflag:$0x1] =	stream.linear.gather [hbm4b:s17+s3], $0x40, $0x38;
	[tilespmem:$0x1E200] =	vst v63  }
0x3d: {  	_ =	swait.ge [sflag:s29], $0x40  }
0x3e: {  	[sflag:s29] =	ssyncset.done $0x0  }
0x3f: {  	[sflag:s29] =	ssyncadd.s32 $0xFFFFFFC0  }
0x40: {  	_ =	swait.ge [sflag:s29], $0x40  }
0x41: {  	[sflag:s29] =	ssyncset.done $0x0  }
0x42: {  	[sflag:s29] =	ssyncadd.s32 $0xFFFFFFC0  }
0x43: {  	_ =	swait.ge [sflag:s29], $0x40  }
0x44: {  	[sflag:s29] =	ssyncset.done $0x0  }
0x45: {  	[sflag:s29] =	ssyncadd.s32 $0xFFFFFFC0  }
0x46: {  	_ =	swait.ge [sflag:s29], $0x40  }
0x47: {  	[sflag:s29] =	ssyncset.done $0x0  }
0x48: {  	s18 =	simm.s32 $0x200;
	s17 =	rddreg [dreg:$0x9];
	[sflag:s29] =	ssyncadd.s32 $0xFFFFFFC0  }
0x49: {  	[tilespmem:s18], [sflag:$0x2] =	stream.linear.gather [hbm4b:s17+s3], $0x2000, $0x38;
	[tilespmem:$0x1E200] =	vst v63  }
0x4a: {  	s17 =	rddreg [dreg:$0xa];
	s18 =	simm.s32 $0x2200  }
0x4b: {  	[tilespmem:s18], [sflag:$0x3] =	stream.linear.gather [hbm4b:s17+s3], $0x2000, $0x38;
	[tilespmem:$0x1E200] =	vst v63  }
0x4c: {  	s17 =	rddreg [dreg:$0xb];
	s18 =	simm.s32 $0x4200  }
0x4d: {  	[tilespmem:s18], [sflag:$0x4] =	stream.linear.gather [hbm4b:s17+s3], $0x2000, $0x38;
	[tilespmem:$0x1E200] =	vst v63  }
0x4e: {  	v2 =	vld.msk [tilespmem:$0x0], $0xff;
	_ =	sdelay $0x4  }
0x4f: {  	v3 =	vshll.u32 v2, $0x3  }
0x50: {  	v2 =	vand.u32 $0x7, v2;
	v3 =	vand.u32 $0xFFFFFFC0, v3  }
0x51: {  	v2 =	vor.u32 v2, v3  }
0x52: {  	v2 =	vperm.xlane v2, v0;
	_ =	sdelay $0x1  }
0x53: {  	v2 =	vadd.s32 v1, v2;
	_ =	sdelay $0x4  }
0x54: {  	[tilespmem:s4], [sflag:$0x5] =	stream.indirect_vreg.gather [hbm4b:s1+s3], $0x80, v2, vm0, $0xb8;
	[tilespmem:$0x1E200] =	vst v63  }
0x55: {  	s17 =	simm.s32 $0x6A00  }
0x56: {  	[tilespmem:s17], [sflag:$0x5] =	stream.indirect_vreg.gather [hbm4b:s24+s3], $0x80, v2, vm0, $0xb8;
	[tilespmem:$0x1E200] =	vst v63  }
0x57: {  	s18 =	simm.s32 $0x7200  }
0x58: {  	[tilespmem:s18], [sflag:$0x5] =	stream.indirect_vreg.gather [hbm4b:s26+s3], $0x80, v2, vm0, $0xb8;
	[tilespmem:$0x1E200] =	vst v63  }
0x59: {  	s4 =	simm.s32 $0x7A00  }
0x5a: {  	[tilespmem:s4], [sflag:$0x5] =	stream.indirect_vreg.gather [hbm4b:s28+s3], $0x80, v2, vm0, $0xb8;
	[tilespmem:$0x1E200] =	vst v63  }
0x5b: {  	v2 =	vld.msk [tilespmem:$0x80], $0xff;
	_ =	sdelay $0x4  }
0x5c: {  	v3 =	vshll.u32 v2, $0x3  }
0x5d: {  	v2 =	vand.u32 $0x7, v2;
	v3 =	vand.u32 $0xFFFFFFC0, v3  }
0x5e: {  	v2 =	vor.u32 v2, v3  }
0x5f: {  	v2 =	vperm.xlane v2, v0;
	_ =	sdelay $0x1  }
0x60: {  	v2 =	vadd.s32 v1, v2;
	_ =	sdelay $0x4  }
0x61: {  	[tilespmem:s10], [sflag:$0x5] =	stream.indirect_vreg.gather [hbm4b:s1+s3], $0x80, v2, vm0, $0xb8;
	[tilespmem:$0x1E200] =	vst v63  }
0x62: {  	s10 =	simm.s32 $0x8A00  }
0x63: {  	[tilespmem:s10], [sflag:$0x5] =	stream.indirect_vreg.gather [hbm4b:s24+s3], $0x80, v2, vm0, $0xb8;
	[tilespmem:$0x1E200] =	vst v63  }
0x64: {  	s11 =	simm.s32 $0x9200  }
0x65: {  	[tilespmem:s11], [sflag:$0x5] =	stream.indirect_vreg.gather [hbm4b:s26+s3], $0x80, v2, vm0, $0xb8;
	[tilespmem:$0x1E200] =	vst v63  }
0x66: {  	s17 =	simm.s32 $0x9A00  }
0x67: {  	[tilespmem:s17], [sflag:$0x5] =	stream.indirect_vreg.gather [hbm4b:s28+s3], $0x80, v2, vm0, $0xb8;
	[tilespmem:$0x1E200] =	vst v63  }
0x68: {  	v2 =	vld.msk [tilespmem:$0x100], $0xff;
	_ =	sdelay $0x4  }
0x69: {  	v3 =	vshll.u32 v2, $0x3  }
0x6a: {  	v2 =	vand.u32 $0x7, v2;
	v3 =	vand.u32 $0xFFFFFFC0, v3  }
0x6b: {  	v2 =	vor.u32 v2, v3  }
0x6c: {  	v2 =	vperm.xlane v2, v0;
	_ =	sdelay $0x1  }
0x6d: {  	v2 =	vadd.s32 v1, v2;
	_ =	sdelay $0x4  }
0x6e: {  	[tilespmem:s15], [sflag:$0x5] =	stream.indirect_vreg.gather [hbm4b:s1+s3], $0x80, v2, vm0, $0xb8;
	[tilespmem:$0x1E200] =	vst v63  }
0x6f: {  	s18 =	simm.s32 $0xAA00  }
0x70: {  	[tilespmem:s18], [sflag:$0x5] =	stream.indirect_vreg.gather [hbm4b:s24+s3], $0x80, v2, vm0, $0xb8;
	[tilespmem:$0x1E200] =	vst v63  }
0x71: {  	s4 =	simm.s32 $0xB200  }
0x72: {  	[tilespmem:s4], [sflag:$0x5] =	stream.indirect_vreg.gather [hbm4b:s26+s3], $0x80, v2, vm0, $0xb8;
	[tilespmem:$0x1E200] =	vst v63  }
0x73: {  	s10 =	simm.s32 $0xBA00  }
0x74: {  	[tilespmem:s10], [sflag:$0x5] =	stream.indirect_vreg.gather [hbm4b:s28+s3], $0x80, v2, vm0, $0xb8;
	[tilespmem:$0x1E200] =	vst v63  }
0x75: {  	v2 =	vld.msk [tilespmem:$0x180], $0xff;
	_ =	sdelay $0x4  }
0x76: {  	v3 =	vshll.u32 v2, $0x3  }
0x77: {  	v2 =	vand.u32 $0x7, v2;
	v3 =	vand.u32 $0xFFFFFFC0, v3  }
0x78: {  	v2 =	vor.u32 v2, v3  }
0x79: {  	v2 =	vperm.xlane v2, v0;
	_ =	sdelay $0x1  }
0x7a: {  	v2 =	vadd.s32 v1, v2;
	_ =	sdelay $0x4  }
0x7b: {  	[tilespmem:s19], [sflag:$0x5] =	stream.indirect_vreg.gather [hbm4b:s1+s3], $0x80, v2, vm0, $0xb8;
	[tilespmem:$0x1E200] =	vst v63  }
0x7c: {  	s11 =	simm.s32 $0xCA00  }
0x7d: {  	[tilespmem:s11], [sflag:$0x5] =	stream.indirect_vreg.gather [hbm4b:s24+s3], $0x80, v2, vm0, $0xb8;
	[tilespmem:$0x1E200] =	vst v63  }
0x7e: {  	s15 =	simm.s32 $0xD200  }
0x7f: {  	[tilespmem:s15], [sflag:$0x5] =	stream.indirect_vreg.gather [hbm4b:s26+s3], $0x80, v2, vm0, $0xb8;
	[tilespmem:$0x1E200] =	vst v63  }
0x80: {  	s17 =	simm.s32 $0xDA00  }
0x81: {  	[tilespmem:s17], [sflag:$0x5] =	stream.indirect_vreg.gather [hbm4b:s28+s3], $0x80, v2, vm0, $0xb8;
	[tilespmem:$0x1E200] =	vst v63  }
0x82: {  	v2 =	vld.msk [tilespmem:$0x8], $0xff;
	_ =	sdelay $0x4  }
0x83: {  	v3 =	vshll.u32 v2, $0x3  }
0x84: {  	v2 =	vand.u32 $0x7, v2;
	v3 =	vand.u32 $0xFFFFFFC0, v3  }
0x85: {  	v2 =	vor.u32 v2, v3  }
0x86: {  	v2 =	vperm.xlane v2, v0;
	_ =	sdelay $0x1  }
0x87: {  	v2 =	vadd.s32 v1, v2;
	_ =	sdelay $0x4  }
0x88: {  	[tilespmem:s12], [sflag:$0x6] =	stream.indirect_vreg.gather [hbm4b:s1+s3], $0x80, v2, vm0, $0xb8;
	[tilespmem:$0x1E200] =	vst v63  }
0x89: {  	s18 =	simm.s32 $0xEA00  }
0x8a: {  	[tilespmem:s18], [sflag:$0x6] =	stream.indirect_vreg.gather [hbm4b:s24+s3], $0x80, v2, vm0, $0xb8;
	[tilespmem:$0x1E200] =	vst v63  }
0x8b: {  	s19 =	simm.s32 $0xF200  }
0x8c: {  	[tilespmem:s19], [sflag:$0x6] =	stream.indirect_vreg.gather [hbm4b:s26+s3], $0x80, v2, vm0, $0xb8;
	[tilespmem:$0x1E200] =	vst v63  }
0x8d: {  	s4 =	simm.s32 $0xFA00  }
0x8e: {  	[tilespmem:s4], [sflag:$0x6] =	stream.indirect_vreg.gather [hbm4b:s28+s3], $0x80, v2, vm0, $0xb8;
	[tilespmem:$0x1E200] =	vst v63  }
0x8f: {  	v2 =	vld.msk [tilespmem:$0x88], $0xff;
	_ =	sdelay $0x4  }
0x90: {  	v3 =	vshll.u32 v2, $0x3  }
0x91: {  	v2 =	vand.u32 $0x7, v2;
	v3 =	vand.u32 $0xFFFFFFC0, v3  }
0x92: {  	v2 =	vor.u32 v2, v3  }
0x93: {  	v2 =	vperm.xlane v2, v0;
	_ =	sdelay $0x1  }
0x94: {  	v2 =	vadd.s32 v1, v2;
	_ =	sdelay $0x4  }
0x95: {  	[tilespmem:s13], [sflag:$0x6] =	stream.indirect_vreg.gather [hbm4b:s1+s3], $0x80, v2, vm0, $0xb8;
	[tilespmem:$0x1E200] =	vst v63  }
0x96: {  	s10 =	simm.s32 $0x10A00  }
0x97: {  	[tilespmem:s10], [sflag:$0x6] =	stream.indirect_vreg.gather [hbm4b:s24+s3], $0x80, v2, vm0, $0xb8;
	[tilespmem:$0x1E200] =	vst v63  }
0x98: {  	s11 =	simm.s32 $0x11200  }
0x99: {  	[tilespmem:s11], [sflag:$0x6] =	stream.indirect_vreg.gather [hbm4b:s26+s3], $0x80, v2, vm0, $0xb8;
	[tilespmem:$0x1E200] =	vst v63  }
0x9a: {  	s12 =	simm.s32 $0x11A00  }
0x9b: {  	[tilespmem:s12], [sflag:$0x6] =	stream.indirect_vreg.gather [hbm4b:s28+s3], $0x80, v2, vm0, $0xb8;
	[tilespmem:$0x1E200] =	vst v63  }
0x9c: {  	v2 =	vld.msk [tilespmem:$0x108], $0xff;
	_ =	sdelay $0x4  }
0x9d: {  	v3 =	vshll.u32 v2, $0x3  }
0x9e: {  	v2 =	vand.u32 $0x7, v2;
	v3 =	vand.u32 $0xFFFFFFC0, v3  }
0x9f: {  	v2 =	vor.u32 v2, v3  }
0xa0: {  	v2 =	vperm.xlane v2, v0;
	_ =	sdelay $0x1  }
0xa1: {  	v2 =	vadd.s32 v1, v2;
	_ =	sdelay $0x4  }
0xa2: {  	[tilespmem:s14], [sflag:$0x6] =	stream.indirect_vreg.gather [hbm4b:s1+s3], $0x80, v2, vm0, $0xb8;
	[tilespmem:$0x1E200] =	vst v63  }
0xa3: {  	s13 =	simm.s32 $0x12A00  }
0xa4: {  	[tilespmem:s13], [sflag:$0x6] =	stream.indirect_vreg.gather [hbm4b:s24+s3], $0x80, v2, vm0, $0xb8;
	[tilespmem:$0x1E200] =	vst v63  }
0xa5: {  	s14 =	simm.s32 $0x13200  }
0xa6: {  	[tilespmem:s14], [sflag:$0x6] =	stream.indirect_vreg.gather [hbm4b:s26+s3], $0x80, v2, vm0, $0xb8;
	[tilespmem:$0x1E200] =	vst v63  }
0xa7: {  	s15 =	simm.s32 $0x13A00  }
0xa8: {  	[tilespmem:s15], [sflag:$0x6] =	stream.indirect_vreg.gather [hbm4b:s28+s3], $0x80, v2, vm0, $0xb8;
	[tilespmem:$0x1E200] =	vst v63  }
0xa9: {  	v2 =	vld.msk [tilespmem:$0x188], $0xff;
	_ =	sdelay $0x4  }
0xaa: {  	v3 =	vshll.u32 v2, $0x3  }
0xab: {  	v2 =	vand.u32 $0x7, v2;
	v3 =	vand.u32 $0xFFFFFFC0, v3  }
0xac: {  	v2 =	vor.u32 v2, v3  }
0xad: {  	v2 =	vperm.xlane v2, v0;
	_ =	sdelay $0x1  }
0xae: {  	v2 =	vadd.s32 v1, v2;
	_ =	sdelay $0x4  }
0xaf: {  	[tilespmem:s16], [sflag:$0x6] =	stream.indirect_vreg.gather [hbm4b:s1+s3], $0x80, v2, vm0, $0xb8;
	[tilespmem:$0x1E200] =	vst v63  }
0xb0: {  	s16 =	simm.s32 $0x14A00  }
0xb1: {  	[tilespmem:s16], [sflag:$0x6] =	stream.indirect_vreg.gather [hbm4b:s24+s3], $0x80, v2, vm0, $0xb8;
	[tilespmem:$0x1E200] =	vst v63  }
0xb2: {  	s17 =	simm.s32 $0x15200  }
0xb3: {  	[tilespmem:s17], [sflag:$0x6] =	stream.indirect_vreg.gather [hbm4b:s26+s3], $0x80, v2, vm0, $0xb8;
	[tilespmem:$0x1E200] =	vst v63  }
0xb4: {  	s18 =	simm.s32 $0x15A00  }
0xb5: {  	[tilespmem:s18], [sflag:$0x6] =	stream.indirect_vreg.gather [hbm4b:s28+s3], $0x80, v2, vm0, $0xb8;
	[tilespmem:$0x1E200] =	vst v63  }
0xb6: {  	v2 =	vld.msk [tilespmem:$0x10], $0xff;
	_ =	sdelay $0x4  }
0xb7: {  	v3 =	vshll.u32 v2, $0x3  }
0xb8: {  	v2 =	vand.u32 $0x7, v2;
	v3 =	vand.u32 $0xFFFFFFC0, v3  }
0xb9: {  	v2 =	vor.u32 v2, v3  }
0xba: {  	v2 =	vperm.xlane v2, v0;
	_ =	sdelay $0x1  }
0xbb: {  	v2 =	vadd.s32 v1, v2;
	_ =	sdelay $0x4  }
0xbc: {  	[tilespmem:s23], [sflag:$0x7] =	stream.indirect_vreg.gather [hbm4b:s1+s3], $0x80, v2, vm0, $0xb8;
	[tilespmem:$0x1E200] =	vst v63  }
0xbd: {  	s19 =	simm.s32 $0x16A00  }
0xbe: {  	[tilespmem:s19], [sflag:$0x7] =	stream.indirect_vreg.gather [hbm4b:s24+s3], $0x80, v2, vm0, $0xb8;
	[tilespmem:$0x1E200] =	vst v63  }
0xbf: {  	s23 =	simm.s32 $0x17200  }
0xc0: {  	[tilespmem:s23], [sflag:$0x7] =	stream.indirect_vreg.gather [hbm4b:s26+s3], $0x80, v2, vm0, $0xb8;
	[tilespmem:$0x1E200] =	vst v63  }
0xc1: {  	s4 =	simm.s32 $0x17A00  }
0xc2: {  	[tilespmem:s4], [sflag:$0x7] =	stream.indirect_vreg.gather [hbm4b:s28+s3], $0x80, v2, vm0, $0xb8;
	[tilespmem:$0x1E200] =	vst v63  }
0xc3: {  	v2 =	vld.msk [tilespmem:$0x90], $0xff;
	_ =	sdelay $0x4  }
0xc4: {  	v3 =	vshll.u32 v2, $0x3  }
0xc5: {  	v2 =	vand.u32 $0x7, v2;
	v3 =	vand.u32 $0xFFFFFFC0, v3  }
0xc6: {  	v2 =	vor.u32 v2, v3  }
0xc7: {  	v2 =	vperm.xlane v2, v0;
	_ =	sdelay $0x1  }
0xc8: {  	v2 =	vadd.s32 v1, v2;
	_ =	sdelay $0x4  }
0xc9: {  	[tilespmem:s5], [sflag:$0x7] =	stream.indirect_vreg.gather [hbm4b:s1+s3], $0x80, v2, vm0, $0xb8;
	[tilespmem:$0x1E200] =	vst v63  }
0xca: {  	s5 =	simm.s32 $0x18A00  }
0xcb: {  	[tilespmem:s5], [sflag:$0x7] =	stream.indirect_vreg.gather [hbm4b:s24+s3], $0x80, v2, vm0, $0xb8;
	[tilespmem:$0x1E200] =	vst v63  }
0xcc: {  	s10 =	simm.s32 $0x19200  }
0xcd: {  	[tilespmem:s10], [sflag:$0x7] =	stream.indirect_vreg.gather [hbm4b:s26+s3], $0x80, v2, vm0, $0xb8;
	[tilespmem:$0x1E200] =	vst v63  }
0xce: {  	s11 =	simm.s32 $0x19A00  }
0xcf: {  	[tilespmem:s11], [sflag:$0x7] =	stream.indirect_vreg.gather [hbm4b:s28+s3], $0x80, v2, vm0, $0xb8;
	[tilespmem:$0x1E200] =	vst v63  }
0xd0: {  	v2 =	vld.msk [tilespmem:$0x110], $0xff;
	_ =	sdelay $0x4  }
0xd1: {  	v3 =	vshll.u32 v2, $0x3  }
0xd2: {  	v2 =	vand.u32 $0x7, v2;
	v3 =	vand.u32 $0xFFFFFFC0, v3  }
0xd3: {  	v2 =	vor.u32 v2, v3  }
0xd4: {  	v2 =	vperm.xlane v2, v0;
	_ =	sdelay $0x1  }
0xd5: {  	v2 =	vadd.s32 v1, v2;
	_ =	sdelay $0x4  }
0xd6: {  	[tilespmem:s2], [sflag:$0x7] =	stream.indirect_vreg.gather [hbm4b:s1+s3], $0x80, v2, vm0, $0xb8;
	[tilespmem:$0x1E200] =	vst v63  }
0xd7: {  	s12 =	simm.s32 $0x1AA00  }
0xd8: {  	[tilespmem:s12], [sflag:$0x7] =	stream.indirect_vreg.gather [hbm4b:s24+s3], $0x80, v2, vm0, $0xb8;
	[tilespmem:$0x1E200] =	vst v63  }
0xd9: {  	s13 =	simm.s32 $0x1B200  }
0xda: {  	[tilespmem:s13], [sflag:$0x7] =	stream.indirect_vreg.gather [hbm4b:s26+s3], $0x80, v2, vm0, $0xb8;
	[tilespmem:$0x1E200] =	vst v63  }
0xdb: {  	s14 =	simm.s32 $0x1BA00  }
0xdc: {  	[tilespmem:s14], [sflag:$0x7] =	stream.indirect_vreg.gather [hbm4b:s28+s3], $0x80, v2, vm0, $0xb8;
	[tilespmem:$0x1E200] =	vst v63  }
0xdd: {  	v2 =	vld.msk [tilespmem:$0x190], $0xff;
	_ =	sdelay $0x4  }
0xde: {  	v3 =	vshll.u32 v2, $0x3  }
0xdf: {  	v2 =	vand.u32 $0x7, v2;
	v3 =	vand.u32 $0xFFFFFFC0, v3  }
0xe0: {  	v2 =	vor.u32 v2, v3  }
0xe1: {  	v2 =	vperm.xlane v2, v0;
	_ =	sdelay $0x1  }
0xe2: {  	v2 =	vadd.s32 v1, v2;
	_ =	sdelay $0x4  }
0xe3: {  	[tilespmem:s6], [sflag:$0x7] =	stream.indirect_vreg.gather [hbm4b:s1+s3], $0x80, v2, vm0, $0xb8;
	[tilespmem:$0x1E200] =	vst v63  }
0xe4: {  	s15 =	simm.s32 $0x1CA00  }
0xe5: {  	[tilespmem:s15], [sflag:$0x7] =	stream.indirect_vreg.gather [hbm4b:s24+s3], $0x80, v2, vm0, $0xb8;
	[tilespmem:$0x1E200] =	vst v63  }
0xe6: {  	s16 =	simm.s32 $0x1D200  }
0xe7: {  	[tilespmem:s16], [sflag:$0x7] =	stream.indirect_vreg.gather [hbm4b:s26+s3], $0x80, v2, vm0, $0xb8;
	[tilespmem:$0x1E200] =	vst v63  }
0xe8: {  	s17 =	simm.s32 $0x1DA00  }
0xe9: {  	[tilespmem:s17], [sflag:$0x7] =	stream.indirect_vreg.gather [hbm4b:s28+s3], $0x80, v2, vm0, $0xb8;
	[tilespmem:$0x1E200] =	vst v63  }
0xea: {  	_ =	swait.ge [sflag:s20], $0x2000  }
0xeb: {  	[sflag:s20] =	ssyncset.done $0x0  }
0xec: {  	[sflag:s20] =	ssyncadd.s32 $0xFFFFE000  }
0xed: {  	_ =	swait.ge [sflag:s21], $0x2000  }
0xee: {  	[sflag:s21] =	ssyncset.done $0x0  }
0xef: {  	[sflag:s21] =	ssyncadd.s32 $0xFFFFE000  }
0xf0: {  	_ =	swait.ge [sflag:s21], $0x2000  }
0xf1: {  	[sflag:s21] =	ssyncset.done $0x0  }
0xf2: {  	[sflag:s21] =	ssyncadd.s32 $0xFFFFE000  }
0xf3: {  	_ =	swait.ge [sflag:s21], $0x2000  }
0xf4: {  	[sflag:s21] =	ssyncset.done $0x0  }
0xf5: {  	[sflag:s21] =	ssyncadd.s32 $0xFFFFE000  }
0xf6: {  	s18 =	sand.u32 $0x1C00, s3;
	s19 =	sand.u32 $0x380, s3;
	_ =	swait.ge [sflag:s21], $0x2000  }
0xf7: {  	s23 =	sand.u32 $0x60, s3;
	s11 =	sor.u32 s19, s18;
	[sflag:s21] =	ssyncset.done $0x0  }
0xf8: {  	s12 =	sor.u32 s23, s11;
	[sflag:s21] =	ssyncadd.s32 $0xFFFFE000  }
0xf9: {  	v2 =	vld [tilespmem:s12+$0x210]  }
0xfa: {  	v8 =	vld [tilespmem:s12+$0xC210]  }
0xfb: {  	v3 =	vld [tilespmem:s12+$0x200]  }
0xfc: {  	v7 =	vld [tilespmem:s12+$0x6200]  }
0xfd: {  	v6 =	vld [tilespmem:s12+$0x8200]  }
0xfe: {  	s11 =	simm.s32 $0x100;
	v5 =	vld [tilespmem:s12+$0xA200]  }
0xff: {  	s13 =	simm.s32 $0x0;
	s14 =	simm.s32 $0x4;
	s16 =	simm.s32 $0x0;
	v4 =	vld [tilespmem:s12+$0xC200];
	v8 =	vadd.f32 v8, v2  }
.LBB2_2:
0x100: {  	s17 =	sand.u32 $0x1C00, s11;
	s18 =	sand.u32 $0x380, s14;
	v9 =	vld [tilespmem:s12+$0x6210];
	s16 =	sadd.s32 $0x20, s16  }
0x101: {  	s13 =	sadd.s32 $0x2, s13;
	s0 =	sand.u32 $0x60, s16;
	s17 =	sor.u32 s18, s17;
	v7 =	vadd.f32 v7, v3;
	v10 =	vld [tilespmem:s12+$0x8210];
	[tilespmem:s12+$0xC210] =	vst v8  }
0x102: {  	p0 =	slt.u32 s13, $0x1FE;
	s0 =	sor.u32 s0, s17;
	v6 =	vadd.f32 v6, v3;
	v8 =	vld [tilespmem:s12+$0xA210]  }
0x103: {  	v11 =	vld [tilespmem:s0+$0x210];
	[tilespmem:s12+$0x6200] =	vst v7;
	v5 =	vadd.f32 v5, v3  }
0x104: {  	v12 =	vld [tilespmem:s0+$0xC210];
	[tilespmem:s12+$0x8200] =	vst v6;
	v4 =	vadd.f32 v4, v3  }
.Ltmp0:
0x105: {  	v3 =	vld [tilespmem:s0+$0x200];
	[tilespmem:s12+$0xA200] =	vst v5;
	v5 =	vadd.f32 v9, v2;
	(pc) =	sbr.rel @p0 .LBB2_2-.Ltmp0, $4  }
0x106: {  	v7 =	vld [tilespmem:s0+$0x6200];
	[tilespmem:s12+$0xC200] =	vst v4;
	v4 =	vadd.f32 v10, v2  }
0x107: {  	v6 =	vld [tilespmem:s0+$0x8200];
	[tilespmem:s12+$0x6210] =	vst v5;
	v9 =	vadd.f32 v8, v2  }
0x108: {  	v5 =	vld [tilespmem:s0+$0xA200];
	[tilespmem:s12+$0x8210] =	vst v4;
	v2 =	vmov v11  }
0x109: {  	s11 =	sadd.s32 $0x100, s11;
	s14 =	sadd.s32 $0x4, s14;
	v4 =	vld [tilespmem:s0+$0xC200];
	v8 =	vadd.f32 v12, v2;
	[tilespmem:s12+$0xA210] =	vst v9;
	s12 =	smov.u32 s0  }
0x10a: {  	v9 =	vld [tilespmem:s12+$0x6210]  }
0x10b: {  	v10 =	vld [tilespmem:s12+$0x8210];
	v7 =	vadd.f32 v7, v3  }
0x10c: {  	[tilespmem:s12+$0xC210] =	vst v8;
	v8 =	vld [tilespmem:s12+$0xA210];
	v6 =	vadd.f32 v6, v3  }
0x10d: {  	[tilespmem:s12+$0x6200] =	vst v7;
	v5 =	vadd.f32 v5, v3  }
0x10e: {  	[tilespmem:s12+$0x8200] =	vst v6;
	v3 =	vadd.f32 v4, v3  }
0x10f: {  	[tilespmem:s12+$0xA200] =	vst v5;
	v4 =	vadd.f32 v9, v2  }
0x110: {  	[tilespmem:s12+$0xC200] =	vst v3;
	v3 =	vadd.f32 v10, v2  }
0x111: {  	v2 =	vadd.f32 v8, v2;
	[tilespmem:s12+$0x6210] =	vst v4  }
0x112: {  	[tilespmem:s12+$0x8210] =	vst v3  }
0x113: {  	[tilespmem:s12+$0xA210] =	vst v2  }
0x114: {  	s4 =	simm.s32 $0x6200;
	s12 =	simm.s32 $0x0;
	s0 =	rddreg [dreg:$0xc]  }
0x115: {  	[hbm4b:s0+s12] =	stream.linear.scatter [tilespmem:s4], [sflag:$0x8], $0x2000, $0x38;
	[tilespmem:$0x1E200] =	vst v63  }
0x116: {  	s10 =	simm.s32 $0x8200;
	s15 =	rddreg [dreg:$0x1a]  }
0x117: {  	[hbm4b:s15+s12] =	stream.linear.scatter [tilespmem:s10], [sflag:$0x8], $0x2000, $0x38;
	[tilespmem:$0x1E200] =	vst v63  }
0x118: {  	s13 =	simm.s32 $0xA200;
	s16 =	rddreg [dreg:$0x1b]  }
0x119: {  	[hbm4b:s16+s12] =	stream.linear.scatter [tilespmem:s13], [sflag:$0x8], $0x2000, $0x38;
	[tilespmem:$0x1E200] =	vst v63  }
0x11a: {  	s14 =	simm.s32 $0xC200;
	s17 =	rddreg [dreg:$0x1c]  }
0x11b: {  	[hbm4b:s17+s12] =	stream.linear.scatter [tilespmem:s14], [sflag:$0x8], $0x2000, $0x38;
	[tilespmem:$0x1E200] =	vst v63  }
0x11c: {  	_ =	swait.ge [sflag:s22], $0x2000  }
0x11d: {  	[sflag:s22] =	ssyncset.done $0x0  }
0x11e: {  	[sflag:s22] =	ssyncadd.s32 $0xFFFFE000  }
0x11f: {  	_ =	swait.ge [sflag:s22], $0x2000  }
0x120: {  	[sflag:s22] =	ssyncset.done $0x0  }
0x121: {  	[sflag:s22] =	ssyncadd.s32 $0xFFFFE000  }
0x122: {  	_ =	swait.ge [sflag:s22], $0x2000  }
0x123: {  	[sflag:s22] =	ssyncset.done $0x0  }
0x124: {  	[sflag:s22] =	ssyncadd.s32 $0xFFFFE000  }
0x125: {  	_ =	swait.ge [sflag:s22], $0x2000  }
0x126: {  	[sflag:s22] =	ssyncset.done $0x0  }
0x127: {  	s11 =	simm.s32 $0x200;
	s18 =	rddreg [dreg:$0xd];
	[sflag:s22] =	ssyncadd.s32 $0xFFFFE000  }
0x128: {  	[tilespmem:s11], [sflag:$0x2] =	stream.linear.gather [hbm4b:s18+s12], $0x2000, $0x38;
	[tilespmem:$0x1E200] =	vst v63  }
0x129: {  	v2 =	vld.msk [tilespmem:$0x18], $0xff;
	_ =	sdelay $0x4  }
0x12a: {  	v3 =	vshll.u32 v2, $0x3  }
0x12b: {  	v2 =	vand.u32 $0x7, v2;
	v3 =	vand.u32 $0xFFFFFFC0, v3  }
0x12c: {  	v2 =	vor.u32 v2, v3  }
0x12d: {  	v2 =	vperm.xlane v2, v0;
	_ =	sdelay $0x1  }
0x12e: {  	v2 =	vadd.s32 v1, v2;
	_ =	sdelay $0x4  }
0x12f: {  	[tilespmem:s4], [sflag:$0x5] =	stream.indirect_vreg.gather [hbm4b:s1+s12], $0x80, v2, vm0, $0xb8;
	[tilespmem:$0x1E200] =	vst v63  }
0x130: {  	s19 =	simm.s32 $0x6A00  }
0x131: {  	[tilespmem:s19], [sflag:$0x5] =	stream.indirect_vreg.gather [hbm4b:s24+s12], $0x80, v2, vm0, $0xb8;
	[tilespmem:$0x1E200] =	vst v63  }
0x132: {  	s23 =	simm.s32 $0x7200  }
0x133: {  	[tilespmem:s23], [sflag:$0x5] =	stream.indirect_vreg.gather [hbm4b:s26+s12], $0x80, v2, vm0, $0xb8;
	[tilespmem:$0x1E200] =	vst v63  }
0x134: {  	s2 =	simm.s32 $0x7A00  }
0x135: {  	[tilespmem:s2], [sflag:$0x5] =	stream.indirect_vreg.gather [hbm4b:s28+s12], $0x80, v2, vm0, $0xb8;
	[tilespmem:$0x1E200] =	vst v63  }
0x136: {  	v2 =	vld.msk [tilespmem:$0x98], $0xff;
	_ =	sdelay $0x4  }
0x137: {  	v3 =	vshll.u32 v2, $0x3  }
0x138: {  	v2 =	vand.u32 $0x7, v2;
	v3 =	vand.u32 $0xFFFFFFC0, v3  }
0x139: {  	v2 =	vor.u32 v2, v3  }
0x13a: {  	v2 =	vperm.xlane v2, v0;
	_ =	sdelay $0x1  }
0x13b: {  	v2 =	vadd.s32 v1, v2;
	_ =	sdelay $0x4  }
0x13c: {  	[tilespmem:s10], [sflag:$0x5] =	stream.indirect_vreg.gather [hbm4b:s1+s12], $0x80, v2, vm0, $0xb8;
	[tilespmem:$0x1E200] =	vst v63  }
0x13d: {  	s4 =	simm.s32 $0x8A00  }
0x13e: {  	[tilespmem:s4], [sflag:$0x5] =	stream.indirect_vreg.gather [hbm4b:s24+s12], $0x80, v2, vm0, $0xb8;
	[tilespmem:$0x1E200] =	vst v63  }
0x13f: {  	s5 =	simm.s32 $0x9200  }
0x140: {  	[tilespmem:s5], [sflag:$0x5] =	stream.indirect_vreg.gather [hbm4b:s26+s12], $0x80, v2, vm0, $0xb8;
	[tilespmem:$0x1E200] =	vst v63  }
0x141: {  	s6 =	simm.s32 $0x9A00  }
0x142: {  	[tilespmem:s6], [sflag:$0x5] =	stream.indirect_vreg.gather [hbm4b:s28+s12], $0x80, v2, vm0, $0xb8;
	[tilespmem:$0x1E200] =	vst v63  }
0x143: {  	v2 =	vld.msk [tilespmem:$0x118], $0xff;
	_ =	sdelay $0x4  }
0x144: {  	v3 =	vshll.u32 v2, $0x3  }
0x145: {  	v2 =	vand.u32 $0x7, v2;
	v3 =	vand.u32 $0xFFFFFFC0, v3  }
0x146: {  	v2 =	vor.u32 v2, v3  }
0x147: {  	v2 =	vperm.xlane v2, v0;
	_ =	sdelay $0x1  }
0x148: {  	v2 =	vadd.s32 v1, v2;
	_ =	sdelay $0x4  }
0x149: {  	[tilespmem:s13], [sflag:$0x5] =	stream.indirect_vreg.gather [hbm4b:s1+s12], $0x80, v2, vm0, $0xb8;
	[tilespmem:$0x1E200] =	vst v63  }
0x14a: {  	s10 =	simm.s32 $0xAA00  }
0x14b: {  	[tilespmem:s10], [sflag:$0x5] =	stream.indirect_vreg.gather [hbm4b:s24+s12], $0x80, v2, vm0, $0xb8;
	[tilespmem:$0x1E200] =	vst v63  }
0x14c: {  	s11 =	simm.s32 $0xB200  }
0x14d: {  	[tilespmem:s11], [sflag:$0x5] =	stream.indirect_vreg.gather [hbm4b:s26+s12], $0x80, v2, vm0, $0xb8;
	[tilespmem:$0x1E200] =	vst v63  }
0x14e: {  	s13 =	simm.s32 $0xBA00  }
0x14f: {  	[tilespmem:s13], [sflag:$0x5] =	stream.indirect_vreg.gather [hbm4b:s28+s12], $0x80, v2, vm0, $0xb8;
	[tilespmem:$0x1E200] =	vst v63  }
0x150: {  	v2 =	vld.msk [tilespmem:$0x198], $0xff;
	_ =	sdelay $0x4  }
0x151: {  	v3 =	vshll.u32 v2, $0x3  }
0x152: {  	v2 =	vand.u32 $0x7, v2;
	v3 =	vand.u32 $0xFFFFFFC0, v3  }
0x153: {  	v2 =	vor.u32 v2, v3  }
0x154: {  	v2 =	vperm.xlane v2, v0;
	_ =	sdelay $0x1  }
0x155: {  	v2 =	vadd.s32 v1, v2;
	_ =	sdelay $0x4  }
0x156: {  	[tilespmem:s14], [sflag:$0x5] =	stream.indirect_vreg.gather [hbm4b:s1+s12], $0x80, v2, vm0, $0xb8;
	[tilespmem:$0x1E200] =	vst v63  }
0x157: {  	s15 =	simm.s32 $0xCA00  }
0x158: {  	[tilespmem:s15], [sflag:$0x5] =	stream.indirect_vreg.gather [hbm4b:s24+s12], $0x80, v2, vm0, $0xb8;
	[tilespmem:$0x1E200] =	vst v63  }
0x159: {  	s16 =	simm.s32 $0xD200  }
0x15a: {  	[tilespmem:s16], [sflag:$0x5] =	stream.indirect_vreg.gather [hbm4b:s26+s12], $0x80, v2, vm0, $0xb8;
	[tilespmem:$0x1E200] =	vst v63  }
0x15b: {  	s17 =	simm.s32 $0xDA00  }
0x15c: {  	[tilespmem:s17], [sflag:$0x5] =	stream.indirect_vreg.gather [hbm4b:s28+s12], $0x80, v2, vm0, $0xb8;
	[tilespmem:$0x1E200] =	vst v63  }
0x15d: {  	_ =	swait.ge [sflag:s25], $0x2000  }
0x15e: {  	[sflag:s25] =	ssyncset.done $0x0  }
0x15f: {  	[sflag:s25] =	ssyncadd.s32 $0xFFFFE000  }
0x160: {  	_ =	swait.ge [sflag:s30], $0x2000  }
0x161: {  	[sflag:s30] =	ssyncset.done $0x0  }
0x162: {  	[sflag:s30] =	ssyncadd.s32 $0xFFFFE000  }
0x163: {  	_ =	swait.ge [sflag:s30], $0x2000  }
0x164: {  	[sflag:s30] =	ssyncset.done $0x0  }
0x165: {  	[sflag:s30] =	ssyncadd.s32 $0xFFFFE000  }
0x166: {  	_ =	swait.ge [sflag:s30], $0x2000  }
0x167: {  	[sflag:s30] =	ssyncset.done $0x0  }
0x168: {  	[sflag:s30] =	ssyncadd.s32 $0xFFFFE000  }
0x169: {  	s18 =	sand.u32 $0x1C00, s12;
	s19 =	sand.u32 $0x380, s12;
	_ =	swait.ge [sflag:s30], $0x2000  }
0x16a: {  	s0 =	sor.u32 s19, s18;
	s23 =	sand.u32 $0x60, s12;
	[sflag:s30] =	ssyncset.done $0x0  }
0x16b: {  	s13 =	sor.u32 s23, s0;
	[sflag:s30] =	ssyncadd.s32 $0xFFFFE000  }
0x16c: {  	v2 =	vld [tilespmem:s13+$0x2210]  }
0x16d: {  	v8 =	vld [tilespmem:s13+$0x14210]  }
0x16e: {  	v3 =	vld [tilespmem:s13+$0x2200]  }
0x16f: {  	v7 =	vld [tilespmem:s13+$0xE200]  }
0x170: {  	v6 =	vld [tilespmem:s13+$0x10200]  }
0x171: {  	v4 =	vld [tilespmem:s13+$0x12200]  }
0x172: {  	s11 =	simm.s32 $0x0;
	s14 =	simm.s32 $0x100;
	s16 =	simm.s32 $0x4;
	v5 =	vld [tilespmem:s13+$0x14200];
	v8 =	vadd.f32 v8, v2  }
.LBB2_4:
0x173: {  	s0 =	sand.u32 $0x1C00, s14;
	s17 =	sand.u32 $0x380, s16;
	v9 =	vld [tilespmem:s13+$0xE210];
	s12 =	sadd.s32 $0x20, s12  }
0x174: {  	s11 =	sadd.s32 $0x2, s11;
	s18 =	sand.u32 $0x60, s12;
	s0 =	sor.u32 s17, s0;
	v7 =	vadd.f32 v7, v3;
	v10 =	vld [tilespmem:s13+$0x10210];
	[tilespmem:s13+$0x14210] =	vst v8  }
0x175: {  	p0 =	slt.u32 s11, $0x1FE;
	s0 =	sor.u32 s18, s0;
	v6 =	vadd.f32 v6, v3;
	v8 =	vld [tilespmem:s13+$0x12210]  }
0x176: {  	v11 =	vld [tilespmem:s0+$0x2210];
	[tilespmem:s13+$0xE200] =	vst v7;
	v4 =	vadd.f32 v4, v3  }
0x177: {  	v12 =	vld [tilespmem:s0+$0x14210];
	[tilespmem:s13+$0x10200] =	vst v6;
	v5 =	vadd.f32 v5, v3  }
.Ltmp1:
0x178: {  	v3 =	vld [tilespmem:s0+$0x2200];
	[tilespmem:s13+$0x12200] =	vst v4;
	v4 =	vadd.f32 v9, v2;
	(pc) =	sbr.rel @p0 .LBB2_4-.Ltmp1, $4  }
0x179: {  	v7 =	vld [tilespmem:s0+$0xE200];
	[tilespmem:s13+$0x14200] =	vst v5;
	v5 =	vadd.f32 v10, v2  }
0x17a: {  	v6 =	vld [tilespmem:s0+$0x10200];
	[tilespmem:s13+$0xE210] =	vst v4;
	v9 =	vadd.f32 v8, v2  }
0x17b: {  	v4 =	vld [tilespmem:s0+$0x12200];
	[tilespmem:s13+$0x10210] =	vst v5;
	v2 =	vmov v11  }
0x17c: {  	s14 =	sadd.s32 $0x100, s14;
	s16 =	sadd.s32 $0x4, s16;
	v5 =	vld [tilespmem:s0+$0x14200];
	v8 =	vadd.f32 v12, v2;
	[tilespmem:s13+$0x12210] =	vst v9;
	s13 =	smov.u32 s0  }
0x17d: {  	v9 =	vld [tilespmem:s13+$0xE210]  }
0x17e: {  	v10 =	vld [tilespmem:s13+$0x10210];
	v7 =	vadd.f32 v7, v3  }
0x17f: {  	[tilespmem:s13+$0x14210] =	vst v8;
	v8 =	vld [tilespmem:s13+$0x12210];
	v6 =	vadd.f32 v6, v3  }
0x180: {  	[tilespmem:s13+$0xE200] =	vst v7;
	v4 =	vadd.f32 v4, v3  }
0x181: {  	[tilespmem:s13+$0x10200] =	vst v6;
	v3 =	vadd.f32 v5, v3  }
0x182: {  	[tilespmem:s13+$0x12200] =	vst v4;
	v4 =	vadd.f32 v9, v2  }
0x183: {  	[tilespmem:s13+$0x14200] =	vst v3;
	v3 =	vadd.f32 v10, v2  }
0x184: {  	v2 =	vadd.f32 v8, v2;
	[tilespmem:s13+$0xE210] =	vst v4  }
0x185: {  	[tilespmem:s13+$0x10210] =	vst v3  }
0x186: {  	[tilespmem:s13+$0x12210] =	vst v2  }
0x187: {  	s12 =	simm.s32 $0x0;
	s4 =	simm.s32 $0xE200;
	s0 =	rddreg [dreg:$0xe]  }
0x188: {  	[hbm4b:s0+s12] =	stream.linear.scatter [tilespmem:s4], [sflag:$0x9], $0x2000, $0x38;
	[tilespmem:$0x1E200] =	vst v63  }
0x189: {  	s10 =	simm.s32 $0x10200;
	s13 =	rddreg [dreg:$0x1d]  }
0x18a: {  	[hbm4b:s13+s12] =	stream.linear.scatter [tilespmem:s10], [sflag:$0x9], $0x2000, $0x38;
	[tilespmem:$0x1E200] =	vst v63  }
0x18b: {  	s5 =	simm.s32 $0x12200;
	s14 =	rddreg [dreg:$0x1e]  }
0x18c: {  	[hbm4b:s14+s12] =	stream.linear.scatter [tilespmem:s5], [sflag:$0x9], $0x2000, $0x38;
	[tilespmem:$0x1E200] =	vst v63  }
0x18d: {  	s2 =	simm.s32 $0x14200;
	s15 =	rddreg [dreg:$0x1f]  }
0x18e: {  	[hbm4b:s15+s12] =	stream.linear.scatter [tilespmem:s2], [sflag:$0x9], $0x2000, $0x38;
	[tilespmem:$0x1E200] =	vst v63  }
0x18f: {  	_ =	swait.ge [sflag:s31], $0x2000  }
0x190: {  	[sflag:s31] =	ssyncset.done $0x0  }
0x191: {  	[sflag:s31] =	ssyncadd.s32 $0xFFFFE000  }
0x192: {  	_ =	swait.ge [sflag:s31], $0x2000  }
0x193: {  	[sflag:s31] =	ssyncset.done $0x0  }
0x194: {  	[sflag:s31] =	ssyncadd.s32 $0xFFFFE000  }
0x195: {  	_ =	swait.ge [sflag:s31], $0x2000  }
0x196: {  	[sflag:s31] =	ssyncset.done $0x0  }
0x197: {  	[sflag:s31] =	ssyncadd.s32 $0xFFFFE000  }
0x198: {  	_ =	swait.ge [sflag:s31], $0x2000  }
0x199: {  	[sflag:s31] =	ssyncset.done $0x0  }
0x19a: {  	s11 =	simm.s32 $0x2200;
	s16 =	rddreg [dreg:$0xf];
	[sflag:s31] =	ssyncadd.s32 $0xFFFFE000  }
0x19b: {  	[tilespmem:s11], [sflag:$0x3] =	stream.linear.gather [hbm4b:s16+s12], $0x2000, $0x38;
	[tilespmem:$0x1E200] =	vst v63  }
0x19c: {  	v2 =	vld.msk [tilespmem:$0x20], $0xff;
	_ =	sdelay $0x4  }
0x19d: {  	v3 =	vshll.u32 v2, $0x3  }
0x19e: {  	v2 =	vand.u32 $0x7, v2;
	v3 =	vand.u32 $0xFFFFFFC0, v3  }
0x19f: {  	v2 =	vor.u32 v2, v3  }
0x1a0: {  	v2 =	vperm.xlane v2, v0;
	_ =	sdelay $0x1  }
0x1a1: {  	v2 =	vadd.s32 v1, v2;
	_ =	sdelay $0x4  }
0x1a2: {  	[tilespmem:s4], [sflag:$0x6] =	stream.indirect_vreg.gather [hbm4b:s1+s12], $0x80, v2, vm0, $0xb8;
	[tilespmem:$0x1E200] =	vst v63  }
0x1a3: {  	s17 =	simm.s32 $0xEA00  }
0x1a4: {  	[tilespmem:s17], [sflag:$0x6] =	stream.indirect_vreg.gather [hbm4b:s24+s12], $0x80, v2, vm0, $0xb8;
	[tilespmem:$0x1E200] =	vst v63  }
0x1a5: {  	s18 =	simm.s32 $0xF200  }
0x1a6: {  	[tilespmem:s18], [sflag:$0x6] =	stream.indirect_vreg.gather [hbm4b:s26+s12], $0x80, v2, vm0, $0xb8;
	[tilespmem:$0x1E200] =	vst v63  }
0x1a7: {  	s19 =	simm.s32 $0xFA00  }
0x1a8: {  	[tilespmem:s19], [sflag:$0x6] =	stream.indirect_vreg.gather [hbm4b:s28+s12], $0x80, v2, vm0, $0xb8;
	[tilespmem:$0x1E200] =	vst v63  }
0x1a9: {  	v2 =	vld.msk [tilespmem:$0xA0], $0xff;
	_ =	sdelay $0x4  }
0x1aa: {  	v3 =	vshll.u32 v2, $0x3  }
0x1ab: {  	v2 =	vand.u32 $0x7, v2;
	v3 =	vand.u32 $0xFFFFFFC0, v3  }
0x1ac: {  	v2 =	vor.u32 v2, v3  }
0x1ad: {  	v2 =	vperm.xlane v2, v0;
	_ =	sdelay $0x1  }
0x1ae: {  	v2 =	vadd.s32 v1, v2;
	_ =	sdelay $0x4  }
0x1af: {  	[tilespmem:s10], [sflag:$0x6] =	stream.indirect_vreg.gather [hbm4b:s1+s12], $0x80, v2, vm0, $0xb8;
	[tilespmem:$0x1E200] =	vst v63  }
0x1b0: {  	s23 =	simm.s32 $0x10A00  }
0x1b1: {  	[tilespmem:s23], [sflag:$0x6] =	stream.indirect_vreg.gather [hbm4b:s24+s12], $0x80, v2, vm0, $0xb8;
	[tilespmem:$0x1E200] =	vst v63  }
0x1b2: {  	s4 =	simm.s32 $0x11200  }
0x1b3: {  	[tilespmem:s4], [sflag:$0x6] =	stream.indirect_vreg.gather [hbm4b:s26+s12], $0x80, v2, vm0, $0xb8;
	[tilespmem:$0x1E200] =	vst v63  }
0x1b4: {  	s6 =	simm.s32 $0x11A00  }
0x1b5: {  	[tilespmem:s6], [sflag:$0x6] =	stream.indirect_vreg.gather [hbm4b:s28+s12], $0x80, v2, vm0, $0xb8;
	[tilespmem:$0x1E200] =	vst v63  }
0x1b6: {  	v2 =	vld.msk [tilespmem:$0x120], $0xff;
	_ =	sdelay $0x4  }
0x1b7: {  	v3 =	vshll.u32 v2, $0x3  }
0x1b8: {  	v2 =	vand.u32 $0x7, v2;
	v3 =	vand.u32 $0xFFFFFFC0, v3  }
0x1b9: {  	v2 =	vor.u32 v2, v3  }
0x1ba: {  	v2 =	vperm.xlane v2, v0;
	_ =	sdelay $0x1  }
0x1bb: {  	v2 =	vadd.s32 v1, v2;
	_ =	sdelay $0x4  }
0x1bc: {  	[tilespmem:s5], [sflag:$0x6] =	stream.indirect_vreg.gather [hbm4b:s1+s12], $0x80, v2, vm0, $0xb8;
	[tilespmem:$0x1E200] =	vst v63  }
0x1bd: {  	s10 =	simm.s32 $0x12A00  }
0x1be: {  	[tilespmem:s10], [sflag:$0x6] =	stream.indirect_vreg.gather [hbm4b:s24+s12], $0x80, v2, vm0, $0xb8;
	[tilespmem:$0x1E200] =	vst v63  }
0x1bf: {  	s11 =	simm.s32 $0x13200  }
0x1c0: {  	[tilespmem:s11], [sflag:$0x6] =	stream.indirect_vreg.gather [hbm4b:s26+s12], $0x80, v2, vm0, $0xb8;
	[tilespmem:$0x1E200] =	vst v63  }
0x1c1: {  	s13 =	simm.s32 $0x13A00  }
0x1c2: {  	[tilespmem:s13], [sflag:$0x6] =	stream.indirect_vreg.gather [hbm4b:s28+s12], $0x80, v2, vm0, $0xb8;
	[tilespmem:$0x1E200] =	vst v63  }
0x1c3: {  	v2 =	vld.msk [tilespmem:$0x1A0], $0xff;
	_ =	sdelay $0x4  }
0x1c4: {  	v3 =	vshll.u32 v2, $0x3  }
0x1c5: {  	v2 =	vand.u32 $0x7, v2;
	v3 =	vand.u32 $0xFFFFFFC0, v3  }
0x1c6: {  	v2 =	vor.u32 v2, v3  }
0x1c7: {  	v2 =	vperm.xlane v2, v0;
	_ =	sdelay $0x1  }
0x1c8: {  	v2 =	vadd.s32 v1, v2;
	_ =	sdelay $0x4  }
0x1c9: {  	[tilespmem:s2], [sflag:$0x6] =	stream.indirect_vreg.gather [hbm4b:s1+s12], $0x80, v2, vm0, $0xb8;
	[tilespmem:$0x1E200] =	vst v63  }
0x1ca: {  	s14 =	simm.s32 $0x14A00  }
0x1cb: {  	[tilespmem:s14], [sflag:$0x6] =	stream.indirect_vreg.gather [hbm4b:s24+s12], $0x80, v2, vm0, $0xb8;
	[tilespmem:$0x1E200] =	vst v63  }
0x1cc: {  	s15 =	simm.s32 $0x15200  }
0x1cd: {  	[tilespmem:s15], [sflag:$0x6] =	stream.indirect_vreg.gather [hbm4b:s26+s12], $0x80, v2, vm0, $0xb8;
	[tilespmem:$0x1E200] =	vst v63  }
0x1ce: {  	s16 =	simm.s32 $0x15A00;
	s17 =	simm.s32 $0x4  }
0x1cf: {  	[tilespmem:s16], [sflag:$0x6] =	stream.indirect_vreg.gather [hbm4b:s28+s12], $0x80, v2, vm0, $0xb8;
	[tilespmem:$0x1E200] =	vst v63  }
0x1d0: {  	_ =	swait.ge [sflag:s17], $0x2000  }
0x1d1: {  	[sflag:s17] =	ssyncset.done $0x0  }
0x1d2: {  	[sflag:s17] =	ssyncadd.s32 $0xFFFFE000  }
0x1d3: {  	_ =	swait.ge [sflag:s7], $0x2000  }
0x1d4: {  	[sflag:s7] =	ssyncset.done $0x0  }
0x1d5: {  	[sflag:s7] =	ssyncadd.s32 $0xFFFFE000  }
0x1d6: {  	_ =	swait.ge [sflag:s7], $0x2000  }
0x1d7: {  	[sflag:s7] =	ssyncset.done $0x0  }
0x1d8: {  	[sflag:s7] =	ssyncadd.s32 $0xFFFFE000  }
0x1d9: {  	_ =	swait.ge [sflag:s7], $0x2000  }
0x1da: {  	[sflag:s7] =	ssyncset.done $0x0  }
0x1db: {  	[sflag:s7] =	ssyncadd.s32 $0xFFFFE000  }
0x1dc: {  	s18 =	sand.u32 $0x1C00, s12;
	s19 =	sand.u32 $0x380, s12;
	_ =	swait.ge [sflag:s7], $0x2000  }
0x1dd: {  	s0 =	sor.u32 s19, s18;
	s23 =	sand.u32 $0x60, s12;
	[sflag:s7] =	ssyncset.done $0x0  }
0x1de: {  	s13 =	sor.u32 s23, s0;
	[sflag:s7] =	ssyncadd.s32 $0xFFFFE000  }
0x1df: {  	v2 =	vld [tilespmem:s13+$0x4210]  }
0x1e0: {  	v8 =	vld [tilespmem:s13+$0x1C210]  }
0x1e1: {  	v3 =	vld [tilespmem:s13+$0x4200]  }
0x1e2: {  	v7 =	vld [tilespmem:s13+$0x16200]  }
0x1e3: {  	v6 =	vld [tilespmem:s13+$0x18200]  }
0x1e4: {  	v4 =	vld [tilespmem:s13+$0x1A200]  }
0x1e5: {  	s11 =	simm.s32 $0x0;
	s14 =	simm.s32 $0x100;
	s16 =	simm.s32 $0x4;
	v5 =	vld [tilespmem:s13+$0x1C200];
	v8 =	vadd.f32 v8, v2  }
.LBB2_6:
0x1e6: {  	s0 =	sand.u32 $0x1C00, s14;
	s17 =	sand.u32 $0x380, s16;
	v9 =	vld [tilespmem:s13+$0x16210];
	s12 =	sadd.s32 $0x20, s12  }
0x1e7: {  	s11 =	sadd.s32 $0x2, s11;
	s18 =	sand.u32 $0x60, s12;
	s0 =	sor.u32 s17, s0;
	v7 =	vadd.f32 v7, v3;
	v10 =	vld [tilespmem:s13+$0x18210];
	[tilespmem:s13+$0x1C210] =	vst v8  }
0x1e8: {  	p0 =	slt.u32 s11, $0x1FE;
	s0 =	sor.u32 s18, s0;
	v6 =	vadd.f32 v6, v3;
	v8 =	vld [tilespmem:s13+$0x1A210]  }
0x1e9: {  	v11 =	vld [tilespmem:s0+$0x4210];
	[tilespmem:s13+$0x16200] =	vst v7;
	v4 =	vadd.f32 v4, v3  }
0x1ea: {  	v12 =	vld [tilespmem:s0+$0x1C210];
	[tilespmem:s13+$0x18200] =	vst v6;
	v5 =	vadd.f32 v5, v3  }
.Ltmp2:
0x1eb: {  	v3 =	vld [tilespmem:s0+$0x4200];
	[tilespmem:s13+$0x1A200] =	vst v4;
	v4 =	vadd.f32 v9, v2;
	(pc) =	sbr.rel @p0 .LBB2_6-.Ltmp2, $4  }
0x1ec: {  	v7 =	vld [tilespmem:s0+$0x16200];
	[tilespmem:s13+$0x1C200] =	vst v5;
	v5 =	vadd.f32 v10, v2  }
0x1ed: {  	v6 =	vld [tilespmem:s0+$0x18200];
	[tilespmem:s13+$0x16210] =	vst v4;
	v9 =	vadd.f32 v8, v2  }
0x1ee: {  	v4 =	vld [tilespmem:s0+$0x1A200];
	[tilespmem:s13+$0x18210] =	vst v5;
	v2 =	vmov v11  }
0x1ef: {  	s14 =	sadd.s32 $0x100, s14;
	s16 =	sadd.s32 $0x4, s16;
	v5 =	vld [tilespmem:s0+$0x1C200];
	v8 =	vadd.f32 v12, v2;
	[tilespmem:s13+$0x1A210] =	vst v9;
	s13 =	smov.u32 s0  }
0x1f0: {  	v9 =	vld [tilespmem:s13+$0x16210]  }
0x1f1: {  	v10 =	vld [tilespmem:s13+$0x18210];
	v7 =	vadd.f32 v7, v3  }
0x1f2: {  	[tilespmem:s13+$0x1C210] =	vst v8;
	v8 =	vld [tilespmem:s13+$0x1A210];
	v6 =	vadd.f32 v6, v3  }
0x1f3: {  	[tilespmem:s13+$0x16200] =	vst v7;
	v4 =	vadd.f32 v4, v3  }
0x1f4: {  	[tilespmem:s13+$0x18200] =	vst v6;
	v3 =	vadd.f32 v5, v3  }
0x1f5: {  	[tilespmem:s13+$0x1A200] =	vst v4;
	v4 =	vadd.f32 v9, v2  }
0x1f6: {  	[tilespmem:s13+$0x1C200] =	vst v3;
	v3 =	vadd.f32 v10, v2  }
0x1f7: {  	v2 =	vadd.f32 v8, v2;
	[tilespmem:s13+$0x16210] =	vst v4  }
0x1f8: {  	[tilespmem:s13+$0x18210] =	vst v3  }
0x1f9: {  	[tilespmem:s13+$0x1A210] =	vst v2  }
0x1fa: {  	s0 =	rddreg [dreg:$0x10]  }
0x1fb: {  	s12 =	simm.s32 $0x0;
	s4 =	simm.s32 $0x16200;
	s13 =	sld [smem:$0x7EC]  }
0x1fc: {  	[hbm4b:s0+s12] =	stream.linear.scatter [tilespmem:s4], [sflag:$0xA], $0x2000, $0x38;
	[tilespmem:$0x1E200] =	vst v63  }
0x1fd: {  	s10 =	simm.s32 $0x18200;
	s14 =	sld [smem:$0x7ED]  }
0x1fe: {  	[hbm4b:s13+s12] =	stream.linear.scatter [tilespmem:s10], [sflag:$0xA], $0x2000, $0x38;
	[tilespmem:$0x1E200] =	vst v63  }
0x1ff: {  	s15 =	sld [smem:$0x7EE];
	s13 =	simm.s32 $0x1A200  }
0x200: {  	[hbm4b:s14+s12] =	stream.linear.scatter [tilespmem:s13], [sflag:$0xA], $0x2000, $0x38;
	[tilespmem:$0x1E200] =	vst v63  }
0x201: {  	s14 =	simm.s32 $0x1C200  }
0x202: {  	[hbm4b:s15+s12] =	stream.linear.scatter [tilespmem:s14], [sflag:$0xA], $0x2000, $0x38;
	[tilespmem:$0x1E200] =	vst v63  }
0x203: {  	_ =	swait.ge [sflag:s8], $0x2000  }
0x204: {  	[sflag:s8] =	ssyncset.done $0x0  }
0x205: {  	[sflag:s8] =	ssyncadd.s32 $0xFFFFE000  }
0x206: {  	_ =	swait.ge [sflag:s8], $0x2000  }
0x207: {  	[sflag:s8] =	ssyncset.done $0x0  }
0x208: {  	[sflag:s8] =	ssyncadd.s32 $0xFFFFE000  }
0x209: {  	_ =	swait.ge [sflag:s8], $0x2000  }
0x20a: {  	[sflag:s8] =	ssyncset.done $0x0  }
0x20b: {  	[sflag:s8] =	ssyncadd.s32 $0xFFFFE000  }
0x20c: {  	_ =	swait.ge [sflag:s8], $0x2000  }
0x20d: {  	[sflag:s8] =	ssyncset.done $0x0  }
0x20e: {  	s11 =	simm.s32 $0x4200;
	s16 =	rddreg [dreg:$0x11];
	[sflag:s8] =	ssyncadd.s32 $0xFFFFE000  }
0x20f: {  	[tilespmem:s11], [sflag:$0x4] =	stream.linear.gather [hbm4b:s16+s12], $0x2000, $0x38;
	[tilespmem:$0x1E200] =	vst v63  }
0x210: {  	v2 =	vld.msk [tilespmem:$0x28], $0xff;
	_ =	sdelay $0x4  }
0x211: {  	v3 =	vshll.u32 v2, $0x3  }
0x212: {  	v2 =	vand.u32 $0x7, v2;
	v3 =	vand.u32 $0xFFFFFFC0, v3  }
0x213: {  	v2 =	vor.u32 v2, v3  }
0x214: {  	v2 =	vperm.xlane v2, v0;
	_ =	sdelay $0x1  }
0x215: {  	v2 =	vadd.s32 v1, v2;
	_ =	sdelay $0x4  }
0x216: {  	[tilespmem:s4], [sflag:$0x7] =	stream.indirect_vreg.gather [hbm4b:s1+s12], $0x80, v2, vm0, $0xb8;
	[tilespmem:$0x1E200] =	vst v63  }
0x217: {  	s17 =	simm.s32 $0x16A00  }
0x218: {  	[tilespmem:s17], [sflag:$0x7] =	stream.indirect_vreg.gather [hbm4b:s24+s12], $0x80, v2, vm0, $0xb8;
	[tilespmem:$0x1E200] =	vst v63  }
0x219: {  	s18 =	simm.s32 $0x17200  }
0x21a: {  	[tilespmem:s18], [sflag:$0x7] =	stream.indirect_vreg.gather [hbm4b:s26+s12], $0x80, v2, vm0, $0xb8;
	[tilespmem:$0x1E200] =	vst v63  }
0x21b: {  	s19 =	simm.s32 $0x17A00  }
0x21c: {  	[tilespmem:s19], [sflag:$0x7] =	stream.indirect_vreg.gather [hbm4b:s28+s12], $0x80, v2, vm0, $0xb8;
	[tilespmem:$0x1E200] =	vst v63  }
0x21d: {  	v2 =	vld.msk [tilespmem:$0xA8], $0xff;
	_ =	sdelay $0x4  }
0x21e: {  	v3 =	vshll.u32 v2, $0x3  }
0x21f: {  	v2 =	vand.u32 $0x7, v2;
	v3 =	vand.u32 $0xFFFFFFC0, v3  }
0x220: {  	v2 =	vor.u32 v2, v3  }
0x221: {  	v2 =	vperm.xlane v2, v0;
	_ =	sdelay $0x1  }
0x222: {  	v2 =	vadd.s32 v1, v2;
	_ =	sdelay $0x4  }
0x223: {  	[tilespmem:s10], [sflag:$0x7] =	stream.indirect_vreg.gather [hbm4b:s1+s12], $0x80, v2, vm0, $0xb8;
	[tilespmem:$0x1E200] =	vst v63  }
0x224: {  	s2 =	simm.s32 $0x18A00  }
0x225: {  	[tilespmem:s2], [sflag:$0x7] =	stream.indirect_vreg.gather [hbm4b:s24+s12], $0x80, v2, vm0, $0xb8;
	[tilespmem:$0x1E200] =	vst v63  }
0x226: {  	s4 =	simm.s32 $0x19200  }
0x227: {  	[tilespmem:s4], [sflag:$0x7] =	stream.indirect_vreg.gather [hbm4b:s26+s12], $0x80, v2, vm0, $0xb8;
	[tilespmem:$0x1E200] =	vst v63  }
0x228: {  	s6 =	simm.s32 $0x19A00  }
0x229: {  	[tilespmem:s6], [sflag:$0x7] =	stream.indirect_vreg.gather [hbm4b:s28+s12], $0x80, v2, vm0, $0xb8;
	[tilespmem:$0x1E200] =	vst v63  }
0x22a: {  	v2 =	vld.msk [tilespmem:$0x128], $0xff;
	_ =	sdelay $0x4  }
0x22b: {  	v3 =	vshll.u32 v2, $0x3  }
0x22c: {  	v2 =	vand.u32 $0x7, v2;
	v3 =	vand.u32 $0xFFFFFFC0, v3  }
0x22d: {  	v2 =	vor.u32 v2, v3  }
0x22e: {  	v2 =	vperm.xlane v2, v0;
	_ =	sdelay $0x1  }
0x22f: {  	v2 =	vadd.s32 v1, v2;
	_ =	sdelay $0x4  }
0x230: {  	[tilespmem:s13], [sflag:$0x7] =	stream.indirect_vreg.gather [hbm4b:s1+s12], $0x80, v2, vm0, $0xb8;
	[tilespmem:$0x1E200] =	vst v63  }
0x231: {  	s10 =	simm.s32 $0x1AA00  }
0x232: {  	[tilespmem:s10], [sflag:$0x7] =	stream.indirect_vreg.gather [hbm4b:s24+s12], $0x80, v2, vm0, $0xb8;
	[tilespmem:$0x1E200] =	vst v63  }
0x233: {  	s11 =	simm.s32 $0x1B200  }
0x234: {  	[tilespmem:s11], [sflag:$0x7] =	stream.indirect_vreg.gather [hbm4b:s26+s12], $0x80, v2, vm0, $0xb8;
	[tilespmem:$0x1E200] =	vst v63  }
0x235: {  	s13 =	simm.s32 $0x1BA00  }
0x236: {  	[tilespmem:s13], [sflag:$0x7] =	stream.indirect_vreg.gather [hbm4b:s28+s12], $0x80, v2, vm0, $0xb8;
	[tilespmem:$0x1E200] =	vst v63  }
0x237: {  	v2 =	vld.msk [tilespmem:$0x1A8], $0xff;
	_ =	sdelay $0x4  }
0x238: {  	v3 =	vshll.u32 v2, $0x3  }
0x239: {  	v2 =	vand.u32 $0x7, v2;
	v3 =	vand.u32 $0xFFFFFFC0, v3  }
0x23a: {  	v2 =	vor.u32 v2, v3  }
0x23b: {  	v2 =	vperm.xlane v2, v0;
	_ =	sdelay $0x1  }
0x23c: {  	v2 =	vadd.s32 v1, v2;
	_ =	sdelay $0x4  }
0x23d: {  	[tilespmem:s14], [sflag:$0x7] =	stream.indirect_vreg.gather [hbm4b:s1+s12], $0x80, v2, vm0, $0xb8;
	[tilespmem:$0x1E200] =	vst v63  }
0x23e: {  	s14 =	simm.s32 $0x1CA00  }
0x23f: {  	[tilespmem:s14], [sflag:$0x7] =	stream.indirect_vreg.gather [hbm4b:s24+s12], $0x80, v2, vm0, $0xb8;
	[tilespmem:$0x1E200] =	vst v63  }
0x240: {  	s15 =	simm.s32 $0x1D200  }
0x241: {  	[tilespmem:s15], [sflag:$0x7] =	stream.indirect_vreg.gather [hbm4b:s26+s12], $0x80, v2, vm0, $0xb8;
	[tilespmem:$0x1E200] =	vst v63  }
0x242: {  	s16 =	simm.s32 $0x1DA00  }
0x243: {  	[tilespmem:s16], [sflag:$0x7] =	stream.indirect_vreg.gather [hbm4b:s28+s12], $0x80, v2, vm0, $0xb8;
	[tilespmem:$0x1E200] =	vst v63  }
0x244: {  	_ =	swait.ge [sflag:s20], $0x2000  }
0x245: {  	[sflag:s20] =	ssyncset.done $0x0  }
0x246: {  	[sflag:s20] =	ssyncadd.s32 $0xFFFFE000  }
0x247: {  	_ =	swait.ge [sflag:s21], $0x2000  }
0x248: {  	[sflag:s21] =	ssyncset.done $0x0  }
0x249: {  	[sflag:s21] =	ssyncadd.s32 $0xFFFFE000  }
0x24a: {  	_ =	swait.ge [sflag:s21], $0x2000  }
0x24b: {  	[sflag:s21] =	ssyncset.done $0x0  }
0x24c: {  	[sflag:s21] =	ssyncadd.s32 $0xFFFFE000  }
0x24d: {  	_ =	swait.ge [sflag:s21], $0x2000  }
0x24e: {  	[sflag:s21] =	ssyncset.done $0x0  }
0x24f: {  	[sflag:s21] =	ssyncadd.s32 $0xFFFFE000  }
0x250: {  	s17 =	sand.u32 $0x1C00, s12;
	s18 =	sand.u32 $0x380, s12;
	_ =	swait.ge [sflag:s21], $0x2000  }
0x251: {  	s0 =	sor.u32 s18, s17;
	s19 =	sand.u32 $0x60, s12;
	[sflag:s21] =	ssyncset.done $0x0  }
0x252: {  	s13 =	sor.u32 s19, s0;
	[sflag:s21] =	ssyncadd.s32 $0xFFFFE000  }
0x253: {  	v2 =	vld [tilespmem:s13+$0x210]  }
0x254: {  	v8 =	vld [tilespmem:s13+$0xC210]  }
0x255: {  	v3 =	vld [tilespmem:s13+$0x200]  }
0x256: {  	v7 =	vld [tilespmem:s13+$0x6200]  }
0x257: {  	s23 =	simm.s32 $0x16200;
	v6 =	vld [tilespmem:s13+$0x8200]  }
0x258: {  	s5 =	simm.s32 $0x18200;
	s2 =	simm.s32 $0x1A200;
	s6 =	simm.s32 $0x1C200;
	v4 =	vld [tilespmem:s13+$0xA200]  }
0x259: {  	s11 =	simm.s32 $0x0;
	s14 =	simm.s32 $0x100;
	s16 =	simm.s32 $0x4;
	v5 =	vld [tilespmem:s13+$0xC200];
	v8 =	vadd.f32 v8, v2  }
.LBB2_8:
0x25a: {  	s0 =	sand.u32 $0x1C00, s14;
	s17 =	sand.u32 $0x380, s16;
	v9 =	vld [tilespmem:s13+$0x6210];
	s12 =	sadd.s32 $0x20, s12  }
0x25b: {  	s11 =	sadd.s32 $0x2, s11;
	s18 =	sand.u32 $0x60, s12;
	s0 =	sor.u32 s17, s0;
	v7 =	vadd.f32 v7, v3;
	v10 =	vld [tilespmem:s13+$0x8210];
	[tilespmem:s13+$0xC210] =	vst v8  }
0x25c: {  	p0 =	slt.u32 s11, $0x1FE;
	s0 =	sor.u32 s18, s0;
	v6 =	vadd.f32 v6, v3;
	v8 =	vld [tilespmem:s13+$0xA210]  }
0x25d: {  	v11 =	vld [tilespmem:s0+$0x210];
	[tilespmem:s13+$0x6200] =	vst v7;
	v4 =	vadd.f32 v4, v3  }
0x25e: {  	v12 =	vld [tilespmem:s0+$0xC210];
	[tilespmem:s13+$0x8200] =	vst v6;
	v5 =	vadd.f32 v5, v3  }
.Ltmp3:
0x25f: {  	v3 =	vld [tilespmem:s0+$0x200];
	[tilespmem:s13+$0xA200] =	vst v4;
	v4 =	vadd.f32 v9, v2;
	(pc) =	sbr.rel @p0 .LBB2_8-.Ltmp3, $4  }
0x260: {  	v7 =	vld [tilespmem:s0+$0x6200];
	[tilespmem:s13+$0xC200] =	vst v5;
	v5 =	vadd.f32 v10, v2  }
0x261: {  	v6 =	vld [tilespmem:s0+$0x8200];
	[tilespmem:s13+$0x6210] =	vst v4;
	v9 =	vadd.f32 v8, v2  }
0x262: {  	v4 =	vld [tilespmem:s0+$0xA200];
	[tilespmem:s13+$0x8210] =	vst v5;
	v2 =	vmov v11  }
0x263: {  	s14 =	sadd.s32 $0x100, s14;
	s16 =	sadd.s32 $0x4, s16;
	v5 =	vld [tilespmem:s0+$0xC200];
	v8 =	vadd.f32 v12, v2;
	[tilespmem:s13+$0xA210] =	vst v9;
	s13 =	smov.u32 s0  }
0x264: {  	v9 =	vld [tilespmem:s13+$0x6210]  }
0x265: {  	v10 =	vld [tilespmem:s13+$0x8210];
	v7 =	vadd.f32 v7, v3  }
0x266: {  	[tilespmem:s13+$0xC210] =	vst v8;
	v8 =	vld [tilespmem:s13+$0xA210];
	v6 =	vadd.f32 v6, v3  }
0x267: {  	[tilespmem:s13+$0x6200] =	vst v7;
	v4 =	vadd.f32 v4, v3  }
0x268: {  	[tilespmem:s13+$0x8200] =	vst v6;
	v3 =	vadd.f32 v5, v3  }
0x269: {  	[tilespmem:s13+$0xA200] =	vst v4;
	v4 =	vadd.f32 v9, v2  }
0x26a: {  	[tilespmem:s13+$0xC200] =	vst v3;
	v3 =	vadd.f32 v10, v2  }
0x26b: {  	v2 =	vadd.f32 v8, v2;
	[tilespmem:s13+$0x6210] =	vst v4  }
0x26c: {  	[tilespmem:s13+$0x8210] =	vst v3  }
0x26d: {  	[tilespmem:s13+$0xA210] =	vst v2  }
0x26e: {  	s0 =	rddreg [dreg:$0x12]  }
0x26f: {  	s12 =	simm.s32 $0x0;
	s19 =	simm.s32 $0x6200;
	s10 =	sld [smem:$0x7EF]  }
0x270: {  	[hbm4b:s0+s12] =	stream.linear.scatter [tilespmem:s19], [sflag:$0x8], $0x2000, $0x38;
	[tilespmem:$0x1E200] =	vst v63  }
0x271: {  	s14 =	simm.s32 $0x8200;
	s11 =	sld [smem:$0x7F0]  }
0x272: {  	[hbm4b:s10+s12] =	stream.linear.scatter [tilespmem:s14], [sflag:$0x8], $0x2000, $0x38;
	[tilespmem:$0x1E200] =	vst v63  }
0x273: {  	s16 =	simm.s32 $0xA200;
	s15 =	sld [smem:$0x7F1]  }
0x274: {  	[hbm4b:s11+s12] =	stream.linear.scatter [tilespmem:s16], [sflag:$0x8], $0x2000, $0x38;
	[tilespmem:$0x1E200] =	vst v63  }
0x275: {  	s17 =	simm.s32 $0xC200  }
0x276: {  	[hbm4b:s15+s12] =	stream.linear.scatter [tilespmem:s17], [sflag:$0x8], $0x2000, $0x38;
	[tilespmem:$0x1E200] =	vst v63  }
0x277: {  	_ =	swait.ge [sflag:s22], $0x2000  }
0x278: {  	[sflag:s22] =	ssyncset.done $0x0  }
0x279: {  	[sflag:s22] =	ssyncadd.s32 $0xFFFFE000  }
0x27a: {  	_ =	swait.ge [sflag:s22], $0x2000  }
0x27b: {  	[sflag:s22] =	ssyncset.done $0x0  }
0x27c: {  	[sflag:s22] =	ssyncadd.s32 $0xFFFFE000  }
0x27d: {  	_ =	swait.ge [sflag:s22], $0x2000  }
0x27e: {  	[sflag:s22] =	ssyncset.done $0x0  }
0x27f: {  	[sflag:s22] =	ssyncadd.s32 $0xFFFFE000  }
0x280: {  	_ =	swait.ge [sflag:s22], $0x2000  }
0x281: {  	[sflag:s22] =	ssyncset.done $0x0  }
0x282: {  	s11 =	simm.s32 $0x200;
	s18 =	rddreg [dreg:$0x13];
	[sflag:s22] =	ssyncadd.s32 $0xFFFFE000  }
0x283: {  	[tilespmem:s11], [sflag:$0x2] =	stream.linear.gather [hbm4b:s18+s12], $0x2000, $0x38;
	[tilespmem:$0x1E200] =	vst v63  }
0x284: {  	v2 =	vld.msk [tilespmem:$0x30], $0xff;
	_ =	sdelay $0x4  }
0x285: {  	v3 =	vshll.u32 v2, $0x3  }
0x286: {  	v2 =	vand.u32 $0x7, v2;
	v3 =	vand.u32 $0xFFFFFFC0, v3  }
0x287: {  	v2 =	vor.u32 v2, v3  }
0x288: {  	v2 =	vperm.xlane v2, v0;
	_ =	sdelay $0x1  }
0x289: {  	v2 =	vadd.s32 v1, v2;
	_ =	sdelay $0x4  }
0x28a: {  	[tilespmem:s19], [sflag:$0x5] =	stream.indirect_vreg.gather [hbm4b:s1+s12], $0x80, v2, vm0, $0xb8;
	[tilespmem:$0x1E200] =	vst v63  }
0x28b: {  	s19 =	simm.s32 $0x6A00  }
0x28c: {  	[tilespmem:s19], [sflag:$0x5] =	stream.indirect_vreg.gather [hbm4b:s24+s12], $0x80, v2, vm0, $0xb8;
	[tilespmem:$0x1E200] =	vst v63  }
0x28d: {  	s10 =	simm.s32 $0x7200  }
0x28e: {  	[tilespmem:s10], [sflag:$0x5] =	stream.indirect_vreg.gather [hbm4b:s26+s12], $0x80, v2, vm0, $0xb8;
	[tilespmem:$0x1E200] =	vst v63  }
0x28f: {  	s11 =	simm.s32 $0x7A00  }
0x290: {  	[tilespmem:s11], [sflag:$0x5] =	stream.indirect_vreg.gather [hbm4b:s28+s12], $0x80, v2, vm0, $0xb8;
	[tilespmem:$0x1E200] =	vst v63  }
0x291: {  	v2 =	vld.msk [tilespmem:$0xB0], $0xff;
	_ =	sdelay $0x4  }
0x292: {  	v3 =	vshll.u32 v2, $0x3  }
0x293: {  	v2 =	vand.u32 $0x7, v2;
	v3 =	vand.u32 $0xFFFFFFC0, v3  }
0x294: {  	v2 =	vor.u32 v2, v3  }
0x295: {  	v2 =	vperm.xlane v2, v0;
	_ =	sdelay $0x1  }
0x296: {  	v2 =	vadd.s32 v1, v2;
	_ =	sdelay $0x4  }
0x297: {  	[tilespmem:s14], [sflag:$0x5] =	stream.indirect_vreg.gather [hbm4b:s1+s12], $0x80, v2, vm0, $0xb8;
	[tilespmem:$0x1E200] =	vst v63  }
0x298: {  	s13 =	simm.s32 $0x8A00  }
0x299: {  	[tilespmem:s13], [sflag:$0x5] =	stream.indirect_vreg.gather [hbm4b:s24+s12], $0x80, v2, vm0, $0xb8;
	[tilespmem:$0x1E200] =	vst v63  }
0x29a: {  	s14 =	simm.s32 $0x9200  }
0x29b: {  	[tilespmem:s14], [sflag:$0x5] =	stream.indirect_vreg.gather [hbm4b:s26+s12], $0x80, v2, vm0, $0xb8;
	[tilespmem:$0x1E200] =	vst v63  }
0x29c: {  	s15 =	simm.s32 $0x9A00  }
0x29d: {  	[tilespmem:s15], [sflag:$0x5] =	stream.indirect_vreg.gather [hbm4b:s28+s12], $0x80, v2, vm0, $0xb8;
	[tilespmem:$0x1E200] =	vst v63  }
0x29e: {  	v2 =	vld.msk [tilespmem:$0x130], $0xff;
	_ =	sdelay $0x4  }
0x29f: {  	v3 =	vshll.u32 v2, $0x3  }
0x2a0: {  	v2 =	vand.u32 $0x7, v2;
	v3 =	vand.u32 $0xFFFFFFC0, v3  }
0x2a1: {  	v2 =	vor.u32 v2, v3  }
0x2a2: {  	v2 =	vperm.xlane v2, v0;
	_ =	sdelay $0x1  }
0x2a3: {  	v2 =	vadd.s32 v1, v2;
	_ =	sdelay $0x4  }
0x2a4: {  	[tilespmem:s16], [sflag:$0x5] =	stream.indirect_vreg.gather [hbm4b:s1+s12], $0x80, v2, vm0, $0xb8;
	[tilespmem:$0x1E200] =	vst v63  }
0x2a5: {  	s16 =	simm.s32 $0xAA00  }
0x2a6: {  	[tilespmem:s16], [sflag:$0x5] =	stream.indirect_vreg.gather [hbm4b:s24+s12], $0x80, v2, vm0, $0xb8;
	[tilespmem:$0x1E200] =	vst v63  }
0x2a7: {  	s18 =	simm.s32 $0xB200  }
0x2a8: {  	[tilespmem:s18], [sflag:$0x5] =	stream.indirect_vreg.gather [hbm4b:s26+s12], $0x80, v2, vm0, $0xb8;
	[tilespmem:$0x1E200] =	vst v63  }
0x2a9: {  	s19 =	simm.s32 $0xBA00  }
0x2aa: {  	[tilespmem:s19], [sflag:$0x5] =	stream.indirect_vreg.gather [hbm4b:s28+s12], $0x80, v2, vm0, $0xb8;
	[tilespmem:$0x1E200] =	vst v63  }
0x2ab: {  	v2 =	vld.msk [tilespmem:$0x1B0], $0xff;
	_ =	sdelay $0x4  }
0x2ac: {  	v3 =	vshll.u32 v2, $0x3  }
0x2ad: {  	v2 =	vand.u32 $0x7, v2;
	v3 =	vand.u32 $0xFFFFFFC0, v3  }
0x2ae: {  	v2 =	vor.u32 v2, v3  }
0x2af: {  	v2 =	vperm.xlane v2, v0;
	_ =	sdelay $0x1  }
0x2b0: {  	v2 =	vadd.s32 v1, v2;
	_ =	sdelay $0x4  }
0x2b1: {  	[tilespmem:s17], [sflag:$0x5] =	stream.indirect_vreg.gather [hbm4b:s1+s12], $0x80, v2, vm0, $0xb8;
	[tilespmem:$0x1E200] =	vst v63  }
0x2b2: {  	s11 =	simm.s32 $0xCA00  }
0x2b3: {  	[tilespmem:s11], [sflag:$0x5] =	stream.indirect_vreg.gather [hbm4b:s24+s12], $0x80, v2, vm0, $0xb8;
	[tilespmem:$0x1E200] =	vst v63  }
0x2b4: {  	s13 =	simm.s32 $0xD200  }
0x2b5: {  	[tilespmem:s13], [sflag:$0x5] =	stream.indirect_vreg.gather [hbm4b:s26+s12], $0x80, v2, vm0, $0xb8;
	[tilespmem:$0x1E200] =	vst v63  }
0x2b6: {  	s14 =	simm.s32 $0xDA00  }
0x2b7: {  	[tilespmem:s14], [sflag:$0x5] =	stream.indirect_vreg.gather [hbm4b:s28+s12], $0x80, v2, vm0, $0xb8;
	[tilespmem:$0x1E200] =	vst v63  }
0x2b8: {  	_ =	swait.ge [sflag:s25], $0x2000  }
0x2b9: {  	[sflag:s25] =	ssyncset.done $0x0  }
0x2ba: {  	[sflag:s25] =	ssyncadd.s32 $0xFFFFE000  }
0x2bb: {  	_ =	swait.ge [sflag:s30], $0x2000  }
0x2bc: {  	[sflag:s30] =	ssyncset.done $0x0  }
0x2bd: {  	[sflag:s30] =	ssyncadd.s32 $0xFFFFE000  }
0x2be: {  	_ =	swait.ge [sflag:s30], $0x2000  }
0x2bf: {  	[sflag:s30] =	ssyncset.done $0x0  }
0x2c0: {  	[sflag:s30] =	ssyncadd.s32 $0xFFFFE000  }
0x2c1: {  	_ =	swait.ge [sflag:s30], $0x2000  }
0x2c2: {  	[sflag:s30] =	ssyncset.done $0x0  }
0x2c3: {  	[sflag:s30] =	ssyncadd.s32 $0xFFFFE000  }
0x2c4: {  	s16 =	sand.u32 $0x1C00, s12;
	s17 =	sand.u32 $0x380, s12;
	_ =	swait.ge [sflag:s30], $0x2000  }
0x2c5: {  	s18 =	sand.u32 $0x60, s12;
	s0 =	sor.u32 s17, s16;
	[sflag:s30] =	ssyncset.done $0x0  }
0x2c6: {  	s13 =	sor.u32 s18, s0;
	[sflag:s30] =	ssyncadd.s32 $0xFFFFE000  }
0x2c7: {  	v2 =	vld [tilespmem:s13+$0x2210]  }
0x2c8: {  	v8 =	vld [tilespmem:s13+$0x14210]  }
0x2c9: {  	v3 =	vld [tilespmem:s13+$0x2200]  }
0x2ca: {  	v7 =	vld [tilespmem:s13+$0xE200]  }
0x2cb: {  	s4 =	simm.s32 $0x6200;
	v6 =	vld [tilespmem:s13+$0x10200]  }
0x2cc: {  	s10 =	simm.s32 $0x8200;
	s15 =	simm.s32 $0xA200;
	s19 =	simm.s32 $0xC200;
	v4 =	vld [tilespmem:s13+$0x12200]  }
0x2cd: {  	s16 =	simm.s32 $0x4;
	s11 =	simm.s32 $0x0;
	s14 =	simm.s32 $0x100;
	v5 =	vld [tilespmem:s13+$0x14200];
	v8 =	vadd.f32 v8, v2  }
.LBB2_10:
0x2ce: {  	s0 =	sand.u32 $0x1C00, s14;
	s17 =	sand.u32 $0x380, s16;
	v9 =	vld [tilespmem:s13+$0xE210];
	s12 =	sadd.s32 $0x20, s12  }
0x2cf: {  	s11 =	sadd.s32 $0x2, s11;
	s18 =	sand.u32 $0x60, s12;
	s0 =	sor.u32 s17, s0;
	v7 =	vadd.f32 v7, v3;
	v10 =	vld [tilespmem:s13+$0x10210];
	[tilespmem:s13+$0x14210] =	vst v8  }
0x2d0: {  	p0 =	slt.u32 s11, $0x1FE;
	s0 =	sor.u32 s18, s0;
	v6 =	vadd.f32 v6, v3;
	v8 =	vld [tilespmem:s13+$0x12210]  }
0x2d1: {  	v11 =	vld [tilespmem:s0+$0x2210];
	[tilespmem:s13+$0xE200] =	vst v7;
	v4 =	vadd.f32 v4, v3  }
0x2d2: {  	v12 =	vld [tilespmem:s0+$0x14210];
	[tilespmem:s13+$0x10200] =	vst v6;
	v5 =	vadd.f32 v5, v3  }
.Ltmp4:
0x2d3: {  	v3 =	vld [tilespmem:s0+$0x2200];
	[tilespmem:s13+$0x12200] =	vst v4;
	v4 =	vadd.f32 v9, v2;
	(pc) =	sbr.rel @p0 .LBB2_10-.Ltmp4, $4  }
0x2d4: {  	v7 =	vld [tilespmem:s0+$0xE200];
	[tilespmem:s13+$0x14200] =	vst v5;
	v5 =	vadd.f32 v10, v2  }
0x2d5: {  	v6 =	vld [tilespmem:s0+$0x10200];
	[tilespmem:s13+$0xE210] =	vst v4;
	v9 =	vadd.f32 v8, v2  }
0x2d6: {  	v4 =	vld [tilespmem:s0+$0x12200];
	[tilespmem:s13+$0x10210] =	vst v5;
	v2 =	vmov v11  }
0x2d7: {  	s14 =	sadd.s32 $0x100, s14;
	s16 =	sadd.s32 $0x4, s16;
	v5 =	vld [tilespmem:s0+$0x14200];
	v8 =	vadd.f32 v12, v2;
	[tilespmem:s13+$0x12210] =	vst v9;
	s13 =	smov.u32 s0  }
0x2d8: {  	v9 =	vld [tilespmem:s13+$0xE210]  }
0x2d9: {  	v10 =	vld [tilespmem:s13+$0x10210];
	v7 =	vadd.f32 v7, v3  }
0x2da: {  	[tilespmem:s13+$0x14210] =	vst v8;
	v8 =	vld [tilespmem:s13+$0x12210];
	v6 =	vadd.f32 v6, v3  }
0x2db: {  	[tilespmem:s13+$0xE200] =	vst v7;
	v4 =	vadd.f32 v4, v3  }
0x2dc: {  	[tilespmem:s13+$0x10200] =	vst v6;
	v3 =	vadd.f32 v5, v3  }
0x2dd: {  	[tilespmem:s13+$0x12200] =	vst v4;
	v4 =	vadd.f32 v9, v2  }
0x2de: {  	[tilespmem:s13+$0x14200] =	vst v3;
	v3 =	vadd.f32 v10, v2  }
0x2df: {  	v2 =	vadd.f32 v8, v2;
	[tilespmem:s13+$0xE210] =	vst v4  }
0x2e0: {  	[tilespmem:s13+$0x10210] =	vst v3  }
0x2e1: {  	[tilespmem:s13+$0x12210] =	vst v2  }
0x2e2: {  	s0 =	rddreg [dreg:$0x14]  }
0x2e3: {  	s12 =	simm.s32 $0x0;
	s13 =	simm.s32 $0xE200;
	s17 =	sld [smem:$0x7F2]  }
0x2e4: {  	[hbm4b:s0+s12] =	stream.linear.scatter [tilespmem:s13], [sflag:$0x9], $0x2000, $0x38;
	[tilespmem:$0x1E200] =	vst v63  }
0x2e5: {  	s14 =	simm.s32 $0x10200;
	s18 =	sld [smem:$0x7F3]  }
0x2e6: {  	[hbm4b:s17+s12] =	stream.linear.scatter [tilespmem:s14], [sflag:$0x9], $0x2000, $0x38;
	[tilespmem:$0x1E200] =	vst v63  }
0x2e7: {  	s16 =	simm.s32 $0x12200;
	s11 =	sld [smem:$0x7F4]  }
0x2e8: {  	[hbm4b:s18+s12] =	stream.linear.scatter [tilespmem:s16], [sflag:$0x9], $0x2000, $0x38;
	[tilespmem:$0x1E200] =	vst v63  }
0x2e9: {  	s17 =	simm.s32 $0x14200  }
0x2ea: {  	[hbm4b:s11+s12] =	stream.linear.scatter [tilespmem:s17], [sflag:$0x9], $0x2000, $0x38;
	[tilespmem:$0x1E200] =	vst v63  }
0x2eb: {  	_ =	swait.ge [sflag:s31], $0x2000  }
0x2ec: {  	[sflag:s31] =	ssyncset.done $0x0  }
0x2ed: {  	[sflag:s31] =	ssyncadd.s32 $0xFFFFE000  }
0x2ee: {  	_ =	swait.ge [sflag:s31], $0x2000  }
0x2ef: {  	[sflag:s31] =	ssyncset.done $0x0  }
0x2f0: {  	[sflag:s31] =	ssyncadd.s32 $0xFFFFE000  }
0x2f1: {  	_ =	swait.ge [sflag:s31], $0x2000  }
0x2f2: {  	[sflag:s31] =	ssyncset.done $0x0  }
0x2f3: {  	[sflag:s31] =	ssyncadd.s32 $0xFFFFE000  }
0x2f4: {  	_ =	swait.ge [sflag:s31], $0x2000  }
0x2f5: {  	[sflag:s31] =	ssyncset.done $0x0  }
0x2f6: {  	s11 =	simm.s32 $0x2200;
	s18 =	rddreg [dreg:$0x15];
	[sflag:s31] =	ssyncadd.s32 $0xFFFFE000  }
0x2f7: {  	[tilespmem:s11], [sflag:$0x3] =	stream.linear.gather [hbm4b:s18+s12], $0x2000, $0x38;
	[tilespmem:$0x1E200] =	vst v63  }
0x2f8: {  	v2 =	vld.msk [tilespmem:$0x38], $0xff;
	_ =	sdelay $0x4  }
0x2f9: {  	v3 =	vshll.u32 v2, $0x3  }
0x2fa: {  	v2 =	vand.u32 $0x7, v2;
	v3 =	vand.u32 $0xFFFFFFC0, v3  }
0x2fb: {  	v2 =	vor.u32 v2, v3  }
0x2fc: {  	v2 =	vperm.xlane v2, v0;
	_ =	sdelay $0x1  }
0x2fd: {  	v2 =	vadd.s32 v1, v2;
	_ =	sdelay $0x4  }
0x2fe: {  	[tilespmem:s13], [sflag:$0x6] =	stream.indirect_vreg.gather [hbm4b:s1+s12], $0x80, v2, vm0, $0xb8;
	[tilespmem:$0x1E200] =	vst v63  }
0x2ff: {  	s18 =	simm.s32 $0xEA00  }
0x300: {  	[tilespmem:s18], [sflag:$0x6] =	stream.indirect_vreg.gather [hbm4b:s24+s12], $0x80, v2, vm0, $0xb8;
	[tilespmem:$0x1E200] =	vst v63  }
0x301: {  	s11 =	simm.s32 $0xF200  }
0x302: {  	[tilespmem:s11], [sflag:$0x6] =	stream.indirect_vreg.gather [hbm4b:s26+s12], $0x80, v2, vm0, $0xb8;
	[tilespmem:$0x1E200] =	vst v63  }
0x303: {  	s13 =	simm.s32 $0xFA00  }
0x304: {  	[tilespmem:s13], [sflag:$0x6] =	stream.indirect_vreg.gather [hbm4b:s28+s12], $0x80, v2, vm0, $0xb8;
	[tilespmem:$0x1E200] =	vst v63  }
0x305: {  	v2 =	vld.msk [tilespmem:$0xB8], $0xff;
	_ =	sdelay $0x4  }
0x306: {  	v3 =	vshll.u32 v2, $0x3  }
0x307: {  	v2 =	vand.u32 $0x7, v2;
	v3 =	vand.u32 $0xFFFFFFC0, v3  }
0x308: {  	v2 =	vor.u32 v2, v3  }
0x309: {  	v2 =	vperm.xlane v2, v0;
	_ =	sdelay $0x1  }
0x30a: {  	v2 =	vadd.s32 v1, v2;
	_ =	sdelay $0x4  }
0x30b: {  	[tilespmem:s14], [sflag:$0x6] =	stream.indirect_vreg.gather [hbm4b:s1+s12], $0x80, v2, vm0, $0xb8;
	[tilespmem:$0x1E200] =	vst v63  }
0x30c: {  	s14 =	simm.s32 $0x10A00  }
0x30d: {  	[tilespmem:s14], [sflag:$0x6] =	stream.indirect_vreg.gather [hbm4b:s24+s12], $0x80, v2, vm0, $0xb8;
	[tilespmem:$0x1E200] =	vst v63  }
0x30e: {  	s18 =	simm.s32 $0x11200  }
0x30f: {  	[tilespmem:s18], [sflag:$0x6] =	stream.indirect_vreg.gather [hbm4b:s26+s12], $0x80, v2, vm0, $0xb8;
	[tilespmem:$0x1E200] =	vst v63  }
0x310: {  	s11 =	simm.s32 $0x11A00  }
0x311: {  	[tilespmem:s11], [sflag:$0x6] =	stream.indirect_vreg.gather [hbm4b:s28+s12], $0x80, v2, vm0, $0xb8;
	[tilespmem:$0x1E200] =	vst v63  }
0x312: {  	v2 =	vld.msk [tilespmem:$0x138], $0xff;
	_ =	sdelay $0x4  }
0x313: {  	v3 =	vshll.u32 v2, $0x3  }
0x314: {  	v2 =	vand.u32 $0x7, v2;
	v3 =	vand.u32 $0xFFFFFFC0, v3  }
0x315: {  	v2 =	vor.u32 v2, v3  }
0x316: {  	v2 =	vperm.xlane v2, v0;
	_ =	sdelay $0x1  }
0x317: {  	v2 =	vadd.s32 v1, v2;
	_ =	sdelay $0x4  }
0x318: {  	[tilespmem:s16], [sflag:$0x6] =	stream.indirect_vreg.gather [hbm4b:s1+s12], $0x80, v2, vm0, $0xb8;
	[tilespmem:$0x1E200] =	vst v63  }
0x319: {  	s13 =	simm.s32 $0x12A00  }
0x31a: {  	[tilespmem:s13], [sflag:$0x6] =	stream.indirect_vreg.gather [hbm4b:s24+s12], $0x80, v2, vm0, $0xb8;
	[tilespmem:$0x1E200] =	vst v63  }
0x31b: {  	s14 =	simm.s32 $0x13200  }
0x31c: {  	[tilespmem:s14], [sflag:$0x6] =	stream.indirect_vreg.gather [hbm4b:s26+s12], $0x80, v2, vm0, $0xb8;
	[tilespmem:$0x1E200] =	vst v63  }
0x31d: {  	s16 =	simm.s32 $0x13A00  }
0x31e: {  	[tilespmem:s16], [sflag:$0x6] =	stream.indirect_vreg.gather [hbm4b:s28+s12], $0x80, v2, vm0, $0xb8;
	[tilespmem:$0x1E200] =	vst v63  }
0x31f: {  	v2 =	vld.msk [tilespmem:$0x1B8], $0xff;
	_ =	sdelay $0x4  }
0x320: {  	v3 =	vshll.u32 v2, $0x3  }
0x321: {  	v2 =	vand.u32 $0x7, v2;
	v3 =	vand.u32 $0xFFFFFFC0, v3  }
0x322: {  	v2 =	vor.u32 v2, v3  }
0x323: {  	v2 =	vperm.xlane v2, v0;
	_ =	sdelay $0x1  }
0x324: {  	v2 =	vadd.s32 v1, v2;
	_ =	sdelay $0x4  }
0x325: {  	[tilespmem:s17], [sflag:$0x6] =	stream.indirect_vreg.gather [hbm4b:s1+s12], $0x80, v2, vm0, $0xb8;
	[tilespmem:$0x1E200] =	vst v63  }
0x326: {  	s18 =	simm.s32 $0x14A00  }
0x327: {  	[tilespmem:s18], [sflag:$0x6] =	stream.indirect_vreg.gather [hbm4b:s24+s12], $0x80, v2, vm0, $0xb8;
	[tilespmem:$0x1E200] =	vst v63  }
0x328: {  	s11 =	simm.s32 $0x15200  }
0x329: {  	[tilespmem:s11], [sflag:$0x6] =	stream.indirect_vreg.gather [hbm4b:s26+s12], $0x80, v2, vm0, $0xb8;
	[tilespmem:$0x1E200] =	vst v63  }
0x32a: {  	s13 =	simm.s32 $0x15A00;
	s14 =	simm.s32 $0x4  }
0x32b: {  	[tilespmem:s13], [sflag:$0x6] =	stream.indirect_vreg.gather [hbm4b:s28+s12], $0x80, v2, vm0, $0xb8;
	[tilespmem:$0x1E200] =	vst v63  }
0x32c: {  	_ =	swait.ge [sflag:s14], $0x2000  }
0x32d: {  	[sflag:s14] =	ssyncset.done $0x0  }
0x32e: {  	[sflag:s14] =	ssyncadd.s32 $0xFFFFE000  }
0x32f: {  	_ =	swait.ge [sflag:s7], $0x2000  }
0x330: {  	[sflag:s7] =	ssyncset.done $0x0  }
0x331: {  	[sflag:s7] =	ssyncadd.s32 $0xFFFFE000  }
0x332: {  	_ =	swait.ge [sflag:s7], $0x2000  }
0x333: {  	[sflag:s7] =	ssyncset.done $0x0  }
0x334: {  	[sflag:s7] =	ssyncadd.s32 $0xFFFFE000  }
0x335: {  	_ =	swait.ge [sflag:s7], $0x2000  }
0x336: {  	[sflag:s7] =	ssyncset.done $0x0  }
0x337: {  	[sflag:s7] =	ssyncadd.s32 $0xFFFFE000  }
0x338: {  	s16 =	sand.u32 $0x1C00, s12;
	s17 =	sand.u32 $0x380, s12;
	_ =	swait.ge [sflag:s7], $0x2000  }
0x339: {  	s0 =	sor.u32 s17, s16;
	s18 =	sand.u32 $0x60, s12;
	[sflag:s7] =	ssyncset.done $0x0  }
0x33a: {  	s13 =	sor.u32 s18, s0;
	[sflag:s7] =	ssyncadd.s32 $0xFFFFE000  }
0x33b: {  	v2 =	vld [tilespmem:s13+$0x4210]  }
0x33c: {  	v8 =	vld [tilespmem:s13+$0x1C210]  }
0x33d: {  	v3 =	vld [tilespmem:s13+$0x4200]  }
0x33e: {  	v7 =	vld [tilespmem:s13+$0x16200]  }
0x33f: {  	v6 =	vld [tilespmem:s13+$0x18200]  }
0x340: {  	v4 =	vld [tilespmem:s13+$0x1A200]  }
0x341: {  	s16 =	simm.s32 $0x4;
	s11 =	simm.s32 $0x0;
	s14 =	simm.s32 $0x100;
	v5 =	vld [tilespmem:s13+$0x1C200];
	v8 =	vadd.f32 v8, v2  }
.LBB2_12:
0x342: {  	s0 =	sand.u32 $0x1C00, s14;
	s17 =	sand.u32 $0x380, s16;
	v9 =	vld [tilespmem:s13+$0x16210];
	s12 =	sadd.s32 $0x20, s12  }
0x343: {  	s11 =	sadd.s32 $0x2, s11;
	s18 =	sand.u32 $0x60, s12;
	s0 =	sor.u32 s17, s0;
	v7 =	vadd.f32 v7, v3;
	v10 =	vld [tilespmem:s13+$0x18210];
	[tilespmem:s13+$0x1C210] =	vst v8  }
0x344: {  	p0 =	slt.u32 s11, $0x1FE;
	s0 =	sor.u32 s18, s0;
	v6 =	vadd.f32 v6, v3;
	v8 =	vld [tilespmem:s13+$0x1A210]  }
0x345: {  	v11 =	vld [tilespmem:s0+$0x4210];
	[tilespmem:s13+$0x16200] =	vst v7;
	v4 =	vadd.f32 v4, v3  }
0x346: {  	v12 =	vld [tilespmem:s0+$0x1C210];
	[tilespmem:s13+$0x18200] =	vst v6;
	v5 =	vadd.f32 v5, v3  }
.Ltmp5:
0x347: {  	v3 =	vld [tilespmem:s0+$0x4200];
	[tilespmem:s13+$0x1A200] =	vst v4;
	v4 =	vadd.f32 v9, v2;
	(pc) =	sbr.rel @p0 .LBB2_12-.Ltmp5, $4  }
0x348: {  	v7 =	vld [tilespmem:s0+$0x16200];
	[tilespmem:s13+$0x1C200] =	vst v5;
	v5 =	vadd.f32 v10, v2  }
0x349: {  	v6 =	vld [tilespmem:s0+$0x18200];
	[tilespmem:s13+$0x16210] =	vst v4;
	v9 =	vadd.f32 v8, v2  }
0x34a: {  	v4 =	vld [tilespmem:s0+$0x1A200];
	[tilespmem:s13+$0x18210] =	vst v5;
	v2 =	vmov v11  }
0x34b: {  	s14 =	sadd.s32 $0x100, s14;
	s16 =	sadd.s32 $0x4, s16;
	v5 =	vld [tilespmem:s0+$0x1C200];
	v8 =	vadd.f32 v12, v2;
	[tilespmem:s13+$0x1A210] =	vst v9;
	s13 =	smov.u32 s0  }
0x34c: {  	v9 =	vld [tilespmem:s13+$0x16210]  }
0x34d: {  	v10 =	vld [tilespmem:s13+$0x18210];
	v7 =	vadd.f32 v7, v3  }
0x34e: {  	[tilespmem:s13+$0x1C210] =	vst v8;
	v8 =	vld [tilespmem:s13+$0x1A210];
	v6 =	vadd.f32 v6, v3  }
0x34f: {  	[tilespmem:s13+$0x16200] =	vst v7;
	v4 =	vadd.f32 v4, v3  }
0x350: {  	[tilespmem:s13+$0x18200] =	vst v6;
	v3 =	vadd.f32 v5, v3  }
0x351: {  	[tilespmem:s13+$0x1A200] =	vst v4;
	v4 =	vadd.f32 v9, v2  }
0x352: {  	[tilespmem:s13+$0x1C200] =	vst v3;
	v3 =	vadd.f32 v10, v2  }
0x353: {  	v2 =	vadd.f32 v8, v2;
	[tilespmem:s13+$0x16210] =	vst v4  }
0x354: {  	[tilespmem:s13+$0x18210] =	vst v3  }
0x355: {  	[tilespmem:s13+$0x1A210] =	vst v2  }
0x356: {  	s0 =	rddreg [dreg:$0x16]  }
0x357: {  	s12 =	simm.s32 $0x0;
	s13 =	sld [smem:$0x7F5]  }
0x358: {  	[hbm4b:s0+s12] =	stream.linear.scatter [tilespmem:s23], [sflag:$0xA], $0x2000, $0x38;
	[tilespmem:$0x1E200] =	vst v63  }
0x359: {  	s14 =	sld [smem:$0x7F6]  }
0x35a: {  	[hbm4b:s13+s12] =	stream.linear.scatter [tilespmem:s5], [sflag:$0xA], $0x2000, $0x38;
	[tilespmem:$0x1E200] =	vst v63  }
0x35b: {  	s16 =	sld [smem:$0x7F7]  }
0x35c: {  	[hbm4b:s14+s12] =	stream.linear.scatter [tilespmem:s2], [sflag:$0xA], $0x2000, $0x38;
	[tilespmem:$0x1E200] =	vst v63  }
0x35d: {  	_ = 	snop  }
0x35e: {  	[hbm4b:s16+s12] =	stream.linear.scatter [tilespmem:s6], [sflag:$0xA], $0x2000, $0x38;
	[tilespmem:$0x1E200] =	vst v63  }
0x35f: {  	_ =	swait.ge [sflag:s20], $0x2000  }
0x360: {  	[sflag:s20] =	ssyncset.done $0x0  }
0x361: {  	[sflag:s20] =	ssyncadd.s32 $0xFFFFE000  }
0x362: {  	_ =	swait.ge [sflag:s21], $0x2000  }
0x363: {  	[sflag:s21] =	ssyncset.done $0x0  }
0x364: {  	[sflag:s21] =	ssyncadd.s32 $0xFFFFE000  }
0x365: {  	_ =	swait.ge [sflag:s21], $0x2000  }
0x366: {  	[sflag:s21] =	ssyncset.done $0x0  }
0x367: {  	[sflag:s21] =	ssyncadd.s32 $0xFFFFE000  }
0x368: {  	_ =	swait.ge [sflag:s21], $0x2000  }
0x369: {  	[sflag:s21] =	ssyncset.done $0x0  }
0x36a: {  	[sflag:s21] =	ssyncadd.s32 $0xFFFFE000  }
0x36b: {  	s17 =	sand.u32 $0x1C00, s12;
	s11 =	sand.u32 $0x380, s12;
	_ =	swait.ge [sflag:s21], $0x2000  }
0x36c: {  	s18 =	sand.u32 $0x60, s12;
	s0 =	sor.u32 s11, s17;
	[sflag:s21] =	ssyncset.done $0x0  }
0x36d: {  	s13 =	sor.u32 s18, s0;
	[sflag:s21] =	ssyncadd.s32 $0xFFFFE000  }
0x36e: {  	v2 =	vld [tilespmem:s13+$0x210]  }
0x36f: {  	v8 =	vld [tilespmem:s13+$0xC210]  }
0x370: {  	v3 =	vld [tilespmem:s13+$0x200]  }
0x371: {  	v7 =	vld [tilespmem:s13+$0x6200]  }
0x372: {  	v6 =	vld [tilespmem:s13+$0x8200]  }
0x373: {  	v4 =	vld [tilespmem:s13+$0xA200]  }
0x374: {  	s11 =	simm.s32 $0x0;
	s14 =	simm.s32 $0x100;
	s16 =	simm.s32 $0x4;
	v5 =	vld [tilespmem:s13+$0xC200];
	v8 =	vadd.f32 v8, v2  }
.LBB2_14:
0x375: {  	s0 =	sand.u32 $0x1C00, s14;
	s17 =	sand.u32 $0x380, s16;
	v9 =	vld [tilespmem:s13+$0x6210];
	s12 =	sadd.s32 $0x20, s12  }
0x376: {  	s11 =	sadd.s32 $0x2, s11;
	s18 =	sand.u32 $0x60, s12;
	s0 =	sor.u32 s17, s0;
	v7 =	vadd.f32 v7, v3;
	v10 =	vld [tilespmem:s13+$0x8210];
	[tilespmem:s13+$0xC210] =	vst v8  }
0x377: {  	p0 =	slt.u32 s11, $0x1FE;
	s0 =	sor.u32 s18, s0;
	v6 =	vadd.f32 v6, v3;
	v8 =	vld [tilespmem:s13+$0xA210]  }
0x378: {  	v11 =	vld [tilespmem:s0+$0x210];
	[tilespmem:s13+$0x6200] =	vst v7;
	v4 =	vadd.f32 v4, v3  }
0x379: {  	v12 =	vld [tilespmem:s0+$0xC210];
	[tilespmem:s13+$0x8200] =	vst v6;
	v5 =	vadd.f32 v5, v3  }
.Ltmp6:
0x37a: {  	v3 =	vld [tilespmem:s0+$0x200];
	[tilespmem:s13+$0xA200] =	vst v4;
	v4 =	vadd.f32 v9, v2;
	(pc) =	sbr.rel @p0 .LBB2_14-.Ltmp6, $4  }
0x37b: {  	v7 =	vld [tilespmem:s0+$0x6200];
	[tilespmem:s13+$0xC200] =	vst v5;
	v5 =	vadd.f32 v10, v2  }
0x37c: {  	v6 =	vld [tilespmem:s0+$0x8200];
	[tilespmem:s13+$0x6210] =	vst v4;
	v9 =	vadd.f32 v8, v2  }
0x37d: {  	v4 =	vld [tilespmem:s0+$0xA200];
	[tilespmem:s13+$0x8210] =	vst v5;
	v2 =	vmov v11  }
0x37e: {  	s14 =	sadd.s32 $0x100, s14;
	s16 =	sadd.s32 $0x4, s16;
	v5 =	vld [tilespmem:s0+$0xC200];
	v8 =	vadd.f32 v12, v2;
	[tilespmem:s13+$0xA210] =	vst v9;
	s13 =	smov.u32 s0  }
0x37f: {  	v9 =	vld [tilespmem:s13+$0x6210]  }
0x380: {  	v10 =	vld [tilespmem:s13+$0x8210];
	v7 =	vadd.f32 v7, v3  }
0x381: {  	[tilespmem:s13+$0xC210] =	vst v8;
	v8 =	vld [tilespmem:s13+$0xA210];
	v6 =	vadd.f32 v6, v3  }
0x382: {  	[tilespmem:s13+$0x6200] =	vst v7;
	v4 =	vadd.f32 v4, v3  }
0x383: {  	[tilespmem:s13+$0x8200] =	vst v6;
	v3 =	vadd.f32 v5, v3  }
0x384: {  	[tilespmem:s13+$0xA200] =	vst v4;
	v4 =	vadd.f32 v9, v2  }
0x385: {  	[tilespmem:s13+$0xC200] =	vst v3;
	v3 =	vadd.f32 v10, v2  }
0x386: {  	v2 =	vadd.f32 v8, v2;
	[tilespmem:s13+$0x6210] =	vst v4  }
0x387: {  	[tilespmem:s13+$0x8210] =	vst v3  }
0x388: {  	[tilespmem:s13+$0xA210] =	vst v2  }
0x389: {  	s0 =	rddreg [dreg:$0x17]  }
0x38a: {  	s12 =	simm.s32 $0x0;
	s13 =	sld [smem:$0x7F8]  }
0x38b: {  	[hbm4b:s0+s12] =	stream.linear.scatter [tilespmem:s4], [sflag:$0x8], $0x2000, $0x38;
	[tilespmem:$0x1E200] =	vst v63  }
0x38c: {  	s14 =	sld [smem:$0x7F9]  }
0x38d: {  	[hbm4b:s13+s12] =	stream.linear.scatter [tilespmem:s10], [sflag:$0x8], $0x2000, $0x38;
	[tilespmem:$0x1E200] =	vst v63  }
0x38e: {  	s16 =	sld [smem:$0x7FA]  }
0x38f: {  	[hbm4b:s14+s12] =	stream.linear.scatter [tilespmem:s15], [sflag:$0x8], $0x2000, $0x38;
	[tilespmem:$0x1E200] =	vst v63  }
0x390: {  	_ = 	snop  }
0x391: {  	[hbm4b:s16+s12] =	stream.linear.scatter [tilespmem:s19], [sflag:$0x8], $0x2000, $0x38;
	[tilespmem:$0x1E200] =	vst v63  }
0x392: {  	_ =	swait.ge [sflag:s25], $0x2000  }
0x393: {  	[sflag:s25] =	ssyncset.done $0x0  }
0x394: {  	[sflag:s25] =	ssyncadd.s32 $0xFFFFE000  }
0x395: {  	_ =	swait.ge [sflag:s30], $0x2000  }
0x396: {  	[sflag:s30] =	ssyncset.done $0x0  }
0x397: {  	[sflag:s30] =	ssyncadd.s32 $0xFFFFE000  }
0x398: {  	_ =	swait.ge [sflag:s30], $0x2000  }
0x399: {  	[sflag:s30] =	ssyncset.done $0x0  }
0x39a: {  	[sflag:s30] =	ssyncadd.s32 $0xFFFFE000  }
0x39b: {  	_ =	swait.ge [sflag:s30], $0x2000  }
0x39c: {  	[sflag:s30] =	ssyncset.done $0x0  }
0x39d: {  	[sflag:s30] =	ssyncadd.s32 $0xFFFFE000  }
0x39e: {  	s17 =	sand.u32 $0x1C00, s12;
	s11 =	sand.u32 $0x380, s12;
	_ =	swait.ge [sflag:s30], $0x2000  }
0x39f: {  	s18 =	sand.u32 $0x60, s12;
	s0 =	sor.u32 s11, s17;
	[sflag:s30] =	ssyncset.done $0x0  }
0x3a0: {  	s13 =	sor.u32 s18, s0;
	[sflag:s30] =	ssyncadd.s32 $0xFFFFE000  }
0x3a1: {  	v2 =	vld [tilespmem:s13+$0x2210]  }
0x3a2: {  	v8 =	vld [tilespmem:s13+$0x14210]  }
0x3a3: {  	v3 =	vld [tilespmem:s13+$0x2200]  }
0x3a4: {  	v7 =	vld [tilespmem:s13+$0xE200]  }
0x3a5: {  	v6 =	vld [tilespmem:s13+$0x10200]  }
0x3a6: {  	v4 =	vld [tilespmem:s13+$0x12200]  }
0x3a7: {  	s11 =	simm.s32 $0x0;
	s14 =	simm.s32 $0x100;
	s16 =	simm.s32 $0x4;
	v5 =	vld [tilespmem:s13+$0x14200];
	v8 =	vadd.f32 v8, v2  }
.LBB2_16:
0x3a8: {  	s0 =	sand.u32 $0x1C00, s14;
	s17 =	sand.u32 $0x380, s16;
	v9 =	vld [tilespmem:s13+$0xE210];
	s12 =	sadd.s32 $0x20, s12  }
0x3a9: {  	s11 =	sadd.s32 $0x2, s11;
	s18 =	sand.u32 $0x60, s12;
	s0 =	sor.u32 s17, s0;
	v7 =	vadd.f32 v7, v3;
	v10 =	vld [tilespmem:s13+$0x10210];
	[tilespmem:s13+$0x14210] =	vst v8  }
0x3aa: {  	p0 =	slt.u32 s11, $0x1FE;
	s0 =	sor.u32 s18, s0;
	v6 =	vadd.f32 v6, v3;
	v8 =	vld [tilespmem:s13+$0x12210]  }
0x3ab: {  	v11 =	vld [tilespmem:s0+$0x2210];
	[tilespmem:s13+$0xE200] =	vst v7;
	v4 =	vadd.f32 v4, v3  }
0x3ac: {  	v12 =	vld [tilespmem:s0+$0x14210];
	[tilespmem:s13+$0x10200] =	vst v6;
	v5 =	vadd.f32 v5, v3  }
.Ltmp7:
0x3ad: {  	v3 =	vld [tilespmem:s0+$0x2200];
	[tilespmem:s13+$0x12200] =	vst v4;
	v4 =	vadd.f32 v9, v2;
	(pc) =	sbr.rel @p0 .LBB2_16-.Ltmp7, $4  }
0x3ae: {  	v7 =	vld [tilespmem:s0+$0xE200];
	[tilespmem:s13+$0x14200] =	vst v5;
	v5 =	vadd.f32 v10, v2  }
0x3af: {  	v6 =	vld [tilespmem:s0+$0x10200];
	[tilespmem:s13+$0xE210] =	vst v4;
	v9 =	vadd.f32 v8, v2  }
0x3b0: {  	v4 =	vld [tilespmem:s0+$0x12200];
	[tilespmem:s13+$0x10210] =	vst v5;
	v2 =	vmov v11  }
0x3b1: {  	s14 =	sadd.s32 $0x100, s14;
	s16 =	sadd.s32 $0x4, s16;
	v5 =	vld [tilespmem:s0+$0x14200];
	v8 =	vadd.f32 v12, v2;
	[tilespmem:s13+$0x12210] =	vst v9;
	s13 =	smov.u32 s0  }
0x3b2: {  	v9 =	vld [tilespmem:s13+$0xE210]  }
0x3b3: {  	v10 =	vld [tilespmem:s13+$0x10210];
	v7 =	vadd.f32 v7, v3  }
0x3b4: {  	v62 =	vld [tilespmem:s13+$0x12210];
	[tilespmem:s13+$0x14210] =	vst v8;
	v6 =	vadd.f32 v6, v3  }
0x3b5: {  	[tilespmem:s13+$0xE200] =	vst v7;
	v4 =	vadd.f32 v4, v3  }
0x3b6: {  	[tilespmem:s13+$0x10200] =	vst v6;
	v3 =	vadd.f32 v5, v3  }
0x3b7: {  	[tilespmem:s13+$0x12200] =	vst v4;
	v63 =	vadd.f32 v9, v2  }
0x3b8: {  	[tilespmem:s13+$0x14200] =	vst v3;
	v3 =	vadd.f32 v10, v2  }
0x3b9: {  	v2 =	vadd.f32 v62, v2;
	[tilespmem:s13+$0xE210] =	vst v63  }
0x3ba: {  	[tilespmem:s13+$0x10210] =	vst v3  }
0x3bb: {  	[tilespmem:s13+$0x12210] =	vst v2  }
0x3bc: {  	s0 =	rddreg [dreg:$0x18]  }
0x3bd: {  	s12 =	simm.s32 $0xE200;
	s14 =	sld [smem:$0x7FB]  }
0x3be: {  	[hbm4b:s0+s3] =	stream.linear.scatter [tilespmem:s12], [sflag:$0x9], $0x2000, $0x38;
	[tilespmem:$0x1E200] =	vst v63  }
0x3bf: {  	s13 =	simm.s32 $0x10200;
	s16 =	sld [smem:$0x7FC]  }
0x3c0: {  	[hbm4b:s14+s3] =	stream.linear.scatter [tilespmem:s13], [sflag:$0x9], $0x2000, $0x38;
	[tilespmem:$0x1E200] =	vst v63  }
0x3c1: {  	s17 =	sld [smem:$0x7FD];
	s14 =	simm.s32 $0x12200  }
0x3c2: {  	[hbm4b:s16+s3] =	stream.linear.scatter [tilespmem:s14], [sflag:$0x9], $0x2000, $0x38;
	[tilespmem:$0x1E200] =	vst v63  }
0x3c3: {  	s16 =	simm.s32 $0x14200  }
0x3c4: {  	[hbm4b:s17+s3] =	stream.linear.scatter [tilespmem:s16], [sflag:$0x9], $0x2000, $0x38;
	[tilespmem:$0x1E200] =	vst v63  }
0x3c5: {  	_ =	swait.ge [sflag:s22], $0x2000  }
0x3c6: {  	[sflag:s22] =	ssyncset.done $0x0  }
0x3c7: {  	[sflag:s22] =	ssyncadd.s32 $0xFFFFE000  }
0x3c8: {  	_ =	swait.ge [sflag:s22], $0x2000  }
0x3c9: {  	[sflag:s22] =	ssyncset.done $0x0  }
0x3ca: {  	[sflag:s22] =	ssyncadd.s32 $0xFFFFE000  }
0x3cb: {  	_ =	swait.ge [sflag:s22], $0x2000  }
0x3cc: {  	[sflag:s22] =	ssyncset.done $0x0  }
0x3cd: {  	[sflag:s22] =	ssyncadd.s32 $0xFFFFE000  }
0x3ce: {  	_ =	swait.ge [sflag:s22], $0x2000  }
0x3cf: {  	[sflag:s22] =	ssyncset.done $0x0  }
0x3d0: {  	[sflag:s22] =	ssyncadd.s32 $0xFFFFE000  }
0x3d1: {  	_ =	swait.ge [sflag:s31], $0x2000  }
0x3d2: {  	[sflag:s31] =	ssyncset.done $0x0  }
0x3d3: {  	[sflag:s31] =	ssyncadd.s32 $0xFFFFE000  }
0x3d4: {  	_ =	swait.ge [sflag:s31], $0x2000  }
0x3d5: {  	[sflag:s31] =	ssyncset.done $0x0  }
0x3d6: {  	[sflag:s31] =	ssyncadd.s32 $0xFFFFE000  }
0x3d7: {  	_ =	swait.ge [sflag:s31], $0x2000  }
0x3d8: {  	[sflag:s31] =	ssyncset.done $0x0  }
0x3d9: {  	[sflag:s31] =	ssyncadd.s32 $0xFFFFE000  }
0x3da: {  	_ =	swait.ge [sflag:s31], $0x2000  }
0x3db: {  	[sflag:s31] =	ssyncset.done $0x0  }
0x3dc: {  	[sflag:s31] =	ssyncadd.s32 $0xFFFFE000  }
0x3dd: {  	_ =	swait.ge [sflag:s8], $0x2000  }
0x3de: {  	[sflag:s8] =	ssyncset.done $0x0  }
0x3df: {  	[sflag:s8] =	ssyncadd.s32 $0xFFFFE000  }
0x3e0: {  	_ =	swait.ge [sflag:s8], $0x2000  }
0x3e1: {  	[sflag:s8] =	ssyncset.done $0x0  }
0x3e2: {  	[sflag:s8] =	ssyncadd.s32 $0xFFFFE000  }
0x3e3: {  	_ =	swait.ge [sflag:s8], $0x2000  }
0x3e4: {  	[sflag:s8] =	ssyncset.done $0x0  }
0x3e5: {  	[sflag:s8] =	ssyncadd.s32 $0xFFFFE000  }
0x3e6: {  	_ =	swait.ge [sflag:s8], $0x2000  }
0x3e7: {  	s9 =	sadd.s32 $0x1, s9;
	s18 =	rddreg [dreg:$0x19]  }
0x3e8: {  	p0 =	sne.s32 s9, s18  }
.Ltmp8:
0x3e9: {  	_ = 	snop;
	(pc) =	sbr.rel @p0 .LBB2_1-.Ltmp8, $3  }
0x3ea: {  	_ =	sdelay $0x1  }
0x3eb: {  	[sflag:s8] =	ssyncset.done $0x0  }
0x3ec: {  	[sflag:s8] =	ssyncadd.s32 $0xFFFFE000  }
0x3ed: {  	_ =	sfence.sel $0x180000  }
0x3ee: {  	[bflag:$0x0] =	sbarrier.arrive $0xFFFF  }
0x3ef: {  	_ =	strace $0x90000047  }
0x3f0: {  	s0 =	stileid.u32;
	[bflag:$0x2] =	sbarrier.arrive $0xFFFF  }
0x3f1: {  	p0 =	sne.s32 s0, $0x0;
	s0 =	rddreg [dreg:$0x4]  }
0x3f2: {  	s0 =	sadd.s32 @!p0 $0x100000, s0  }
0x3f3: {  	[sflag:s0] =	ssyncadd.tile.s32 @!p0 $0x1;
	_ =	shalt  }
.Lfunc_end2:
_tile_overlayer_lowered:
.L_overlay_start_2:
0x3f4: {  	(tag) =	ssettag $0x2  }
0x3f5: {  	s0 =	rddreg [dreg:$0x0];
	s2 =	stileid.u32  }
0x3f6: {  	s1 =	rddreg [dreg:$0x1];
	p0 =	sne.s32 s2, $0x0  }
0x3f7: {  	s3 =	rddreg [dreg:$0x2];
	[bflag:$0x3] =	sbarrier.arrive $0xFFFF;
	s2 =	simm.s32 @!p0 $0x1C0B  }
0x3f8: {  	[timem:s3], [sflag:s2] =	dma.local @!p0 [hbm:s0], s1  }
0x3f9: {  	s0 =	simm.s32 @!p0 $0xB  }
0x3fa: {  	_ =	swait.ge @!p0 [sflag:s0], s1  }
0x3fb: {  	s1 =	ssub.s32 @!p0 $0x0, s1;
	[sflag:s0] =	ssyncset.done @!p0 $0x0  }
0x3fc: {  	[sflag:s0] =	ssyncadd.s32 @!p0 s1  }
0x3fd: {  	[bflag:$0x3] =	sbarrier.arrive $0xFFFF  }
0x3fe: {  	_ =	shalt  }

</sc_bundles>
